<compile_context>
chip_gen: v7x
topology: tpu7x:2x2x1
jax: 0.10.2.dev20260603
libtpu: 0.0.44.dev20260713+nightly
codegen_flags: <defaults>
</compile_context>

<pallas_src>
import jax
import jax.numpy as jnp
from jax import lax
from jax.experimental import pallas as pl
from jax.experimental.pallas import tpu as pltpu
from jax.experimental.pallas import tpu_sc as plsc

NUM_CORES = 2
NUM_SUBCORES = 16
NUM_WORKERS = NUM_CORES * NUM_SUBCORES

GROUP = 128


GPB = 5
NBUF = 2


def _gather_body(idx_hbm, table_hbm, out_hbm, idx_v,
                 rows0, rows1, gsem0, gsem1, wsem0, wsem1):
    c = lax.axis_index("c")
    s = lax.axis_index("s")
    wid = s * NUM_CORES + c
    n_per_w = idx_hbm.shape[0] // NUM_WORKERS
    groups_per_w = n_per_w // GROUP
    n_blocks = groups_per_w // GPB
    block_rows = GPB * GROUP
    base = wid * n_per_w
    pltpu.sync_copy(idx_hbm.at[pl.ds(base, n_per_w)], idx_v)

    bufs = (rows0, rows1)
    gsems = (gsem0, gsem1)
    wsems = (wsem0, wsem1)
    wb = [None, None]

    for b in range(n_blocks):
        k = b % NBUF
        if wb[k] is not None:
            wb[k].wait()
        gd = []
        for g in range(GPB):
            jg = b * GPB + g
            idx_g = idx_v.at[pl.ds(jg * GROUP, GROUP)]
            dst = bufs[k].at[pl.ds(g * GROUP, GROUP)]
            gd.append(pltpu.async_copy(table_hbm.at[idx_g], dst, gsems[k]))
        for d in gd:
            d.wait()
        wb[k] = pltpu.async_copy(
            bufs[k], out_hbm.at[pl.ds(base + b * block_rows, block_rows)],
            wsems[k])
    for k in range(NBUF):
        if wb[k] is not None:
            wb[k].wait()


def kernel(seq, hidden, table):
    B, L = seq.shape
    V, D = table.shape
    N = B * L
    idx = seq.reshape(N)
    n_per_w = N // NUM_WORKERS

    mesh = plsc.VectorSubcoreMesh(core_axis_name="c", subcore_axis_name="s")
    out = pl.kernel(
        _gather_body,
        out_type=jax.ShapeDtypeStruct((N, D), jnp.float32),
        mesh=mesh,
        scratch_types=[
            pltpu.VMEM((n_per_w,), jnp.int32),
            pltpu.VMEM((GPB * GROUP, D), jnp.float32),
            pltpu.VMEM((GPB * GROUP, D), jnp.float32),
            pltpu.SemaphoreType.DMA,
            pltpu.SemaphoreType.DMA,
            pltpu.SemaphoreType.DMA,
            pltpu.SemaphoreType.DMA,
        ],
        compiler_params=pltpu.CompilerParams(use_tc_tiling_on_sc=False),
    )(idx, table)
    return out.reshape(B, L, D)

# --- scband reference (transcript-rebuilt; emitter-appended) ---
"""Pipeline reference for scband-tree-lm-43327630082797 (READ-ONLY COPY).

The authoritative reference and input builder live on the scoring server;
editing this copy changes nothing except your own understanding.
"""

import jax, jax.numpy as jnp
import numpy as np

VOCAB = 100000
EMBED_DIM = 64
BATCH = 4096
HIST = 50


def setup_inputs(seed: int = 0) -> dict:
    key = jax.random.key(seed)
    k_seq, k_hid, k_tab = jax.random.split(key, 3)
    seq = jax.random.randint(k_seq, (BATCH, HIST), 0, VOCAB, dtype=jnp.int64 if jax.config.jax_enable_x64 else jnp.int32).astype(jnp.int32)
    hidden = jax.random.normal(k_hid, (BATCH, EMBED_DIM), dtype=jnp.float32)
    table = jax.random.normal(k_tab, (VOCAB, EMBED_DIM), dtype=jnp.float32) * 0.02
    return {"seq": seq, "hidden": hidden, "table": table}


def reference(seq, hidden, table):
    # TreeLM.forward: seq [batch, token] -> embedding lookup per token.
    # embedding_lookup(seq) == table[seq]; hidden is carried recurrent state
    # (unused by the lookup itself in the original stub).
    embedding_seq = jnp.take(table, seq, axis=0)  # [B, L, D]
    return embedding_seq

if __name__ == "__main__":
    import jax
    _d = setup_inputs()
    print(jax.jit(kernel)(*tuple(_d.values())))

</pallas_src>

<mosaic_0001>
#map = affine_map<(d0, d1) -> (0)>
#map1 = affine_map<(d0, d1) -> (0, 0)>
module attributes {stable_mosaic.version = 14 : i64} {
  func.func @_gather_body(%arg0: i32, %arg1: i32, %arg2: memref<204800xi32, #tpu.memory_space<hbm>>, %arg3: memref<100000x64xf32, #tpu.memory_space<hbm>>, %arg4: memref<204800x64xf32, #tpu.memory_space<hbm>>, %arg5: memref<6400xi32, #tpu.memory_space<vmem>>, %arg6: memref<640x64xf32, #tpu.memory_space<vmem>>, %arg7: memref<640x64xf32, #tpu.memory_space<vmem>>, %arg8: memref<!tpu.dma_semaphore, #tpu.memory_space<semaphore_mem>>, %arg9: memref<!tpu.dma_semaphore, #tpu.memory_space<semaphore_mem>>, %arg10: memref<!tpu.dma_semaphore, #tpu.memory_space<semaphore_mem>>, %arg11: memref<!tpu.dma_semaphore, #tpu.memory_space<semaphore_mem>>) attributes {dimension_semantics = [#tpu.dimension_semantics<core_parallel>, #tpu.dimension_semantics<subcore_parallel>], iteration_bounds = array<i64: 2, 16>, scalar_prefetch = 0 : i64, scratch_operands = 7 : i64, tpu.core_type = #tpu.core_type<sc_vector_subcore>, window_params = [{transform_indices = #map}, {transform_indices = #map1}, {transform_indices = #map1}]} {
    %mul3A = arith.constant 2 : i32
    %mul3A_0 = arith.muli %arg1, %mul3A : i32
    %add3A = arith.addi %mul3A_0, %arg0 : i32
    %mul3A_1 = arith.constant 6400 : i32
    %mul3A_2 = arith.muli %add3A, %mul3A_1 : i32
    "tpu.region"() ({
      %run_scoped3A = tpu.sem_alloc : memref<!tpu.dma_semaphore, #tpu.memory_space<semaphore_mem>>
      %dma_start3A_901 = tpu.memref_slice %arg2[%mul3A_2] : memref<204800xi32, #tpu.memory_space<hbm>> -> memref<6400xi32, #tpu.memory_space<hbm>>
      %dma_start3A_902 = tpu.memref_slice %arg2[%mul3A_2] : memref<204800xi32, #tpu.memory_space<hbm>> -> memref<6400xi32, #tpu.memory_space<hbm>>
      tpu.enqueue_dma source(%dma_start3A_902 : memref<6400xi32, #tpu.memory_space<hbm>>) target(%arg5 : memref<6400xi32, #tpu.memory_space<vmem>>) target_semaphore(%run_scoped3A : memref<!tpu.dma_semaphore, #tpu.memory_space<semaphore_mem>>)
      %dma_wait3A_903 = tpu.memref_slice %arg2[%mul3A_2] : memref<204800xi32, #tpu.memory_space<hbm>> -> memref<6400xi32, #tpu.memory_space<hbm>>
      %dma_wait3A_904 = tpu.memref_slice %arg2[%mul3A_2] : memref<204800xi32, #tpu.memory_space<hbm>> -> memref<6400xi32, #tpu.memory_space<hbm>>
      tpu.wait_dma2 semaphore(%run_scoped3A : memref<!tpu.dma_semaphore, #tpu.memory_space<semaphore_mem>>) src(%dma_wait3A_904 : memref<6400xi32, #tpu.memory_space<hbm>>) dst(%arg5 : memref<6400xi32, #tpu.memory_space<vmem>>)
      tpu.yield
    }) : () -> ()
    %dma_start3A = arith.constant 0 : i32
    %dma_start3A_3 = arith.constant 0 : i32
    %dma_start3A_4 = tpu.memref_slice %arg6[%dma_start3A, %dma_start3A_3] : memref<640x64xf32, #tpu.memory_space<vmem>> -> memref<128x64xf32, #tpu.memory_space<vmem>>
    %dma_start3A_5 = arith.constant 0 : i32
    %dma_start3A_6 = tpu.memref_slice %arg5[%dma_start3A_5] : memref<6400xi32, #tpu.memory_space<vmem>> -> memref<128xi32, #tpu.memory_space<vmem>>
    %dma_start3A_7 = arith.constant 0 : i32
    %dma_start3A_8 = arith.constant 0 : i32
    %dma_start3A_9 = tpu.memref_slice %arg3[%dma_start3A_7, %dma_start3A_8] : memref<100000x64xf32, #tpu.memory_space<hbm>> -> memref<100000x64xf32, #tpu.memory_space<hbm>>
    tpu.enqueue_indirect_dma source(%dma_start3A_9 : memref<100000x64xf32, #tpu.memory_space<hbm>>) target(%dma_start3A_4 : memref<128x64xf32, #tpu.memory_space<vmem>>) offsets(%dma_start3A_6 : memref<128xi32, #tpu.memory_space<vmem>>) semaphore(%arg8 : memref<!tpu.dma_semaphore, #tpu.memory_space<semaphore_mem>>)
    %dma_start3A_10 = arith.constant 128 : i32
    %dma_start3A_11 = arith.constant 0 : i32
    %dma_start3A_12 = tpu.memref_slice %arg6[%dma_start3A_10, %dma_start3A_11] : memref<640x64xf32, #tpu.memory_space<vmem>> -> memref<128x64xf32, #tpu.memory_space<vmem>>
    %dma_start3A_13 = arith.constant 128 : i32
    %dma_start3A_14 = tpu.memref_slice %arg5[%dma_start3A_13] : memref<6400xi32, #tpu.memory_space<vmem>> -> memref<128xi32, #tpu.memory_space<vmem>>
    %dma_start3A_15 = arith.constant 0 : i32
    %dma_start3A_16 = arith.constant 0 : i32
    %dma_start3A_17 = tpu.memref_slice %arg3[%dma_start3A_15, %dma_start3A_16] : memref<100000x64xf32, #tpu.memory_space<hbm>> -> memref<100000x64xf32, #tpu.memory_space<hbm>>
    tpu.enqueue_indirect_dma source(%dma_start3A_17 : memref<100000x64xf32, #tpu.memory_space<hbm>>) target(%dma_start3A_12 : memref<128x64xf32, #tpu.memory_space<vmem>>) offsets(%dma_start3A_14 : memref<128xi32, #tpu.memory_space<vmem>>) semaphore(%arg8 : memref<!tpu.dma_semaphore, #tpu.memory_space<semaphore_mem>>)
    %dma_start3A_18 = arith.constant 256 : i32
    %dma_start3A_19 = arith.constant 0 : i32
    %dma_start3A_20 = tpu.memref_slice %arg6[%dma_start3A_18, %dma_start3A_19] : memref<640x64xf32, #tpu.memory_space<vmem>> -> memref<128x64xf32, #tpu.memory_space<vmem>>
    %dma_start3A_21 = arith.constant 256 : i32
    %dma_start3A_22 = tpu.memref_slice %arg5[%dma_start3A_21] : memref<6400xi32, #tpu.memory_space<vmem>> -> memref<128xi32, #tpu.memory_space<vmem>>
    %dma_start3A_23 = arith.constant 0 : i32
    %dma_start3A_24 = arith.constant 0 : i32
    %dma_start3A_25 = tpu.memref_slice %arg3[%dma_start3A_23, %dma_start3A_24] : memref<100000x64xf32, #tpu.memory_space<hbm>> -> memref<100000x64xf32, #tpu.memory_space<hbm>>
    tpu.enqueue_indirect_dma source(%dma_start3A_25 : memref<100000x64xf32, #tpu.memory_space<hbm>>) target(%dma_start3A_20 : memref<128x64xf32, #tpu.memory_space<vmem>>) offsets(%dma_start3A_22 : memref<128xi32, #tpu.memory_space<vmem>>) semaphore(%arg8 : memref<!tpu.dma_semaphore, #tpu.memory_space<semaphore_mem>>)
    %dma_start3A_26 = arith.constant 384 : i32
    %dma_start3A_27 = arith.constant 0 : i32
    %dma_start3A_28 = tpu.memref_slice %arg6[%dma_start3A_26, %dma_start3A_27] : memref<640x64xf32, #tpu.memory_space<vmem>> -> memref<128x64xf32, #tpu.memory_space<vmem>>
    %dma_start3A_29 = arith.constant 384 : i32
    %dma_start3A_30 = tpu.memref_slice %arg5[%dma_start3A_29] : memref<6400xi32, #tpu.memory_space<vmem>> -> memref<128xi32, #tpu.memory_space<vmem>>
    %dma_start3A_31 = arith.constant 0 : i32
    %dma_start3A_32 = arith.constant 0 : i32
    %dma_start3A_33 = tpu.memref_slice %arg3[%dma_start3A_31, %dma_start3A_32] : memref<100000x64xf32, #tpu.memory_space<hbm>> -> memref<100000x64xf32, #tpu.memory_space<hbm>>
    tpu.enqueue_indirect_dma source(%dma_start3A_33 : memref<100000x64xf32, #tpu.memory_space<hbm>>) target(%dma_start3A_28 : memref<128x64xf32, #tpu.memory_space<vmem>>) offsets(%dma_start3A_30 : memref<128xi32, #tpu.memory_space<vmem>>) semaphore(%arg8 : memref<!tpu.dma_semaphore, #tpu.memory_space<semaphore_mem>>)
    %dma_start3A_34 = arith.constant 512 : i32
    %dma_start3A_35 = arith.constant 0 : i32
    %dma_start3A_36 = tpu.memref_slice %arg6[%dma_start3A_34, %dma_start3A_35] : memref<640x64xf32, #tpu.memory_space<vmem>> -> memref<128x64xf32, #tpu.memory_space<vmem>>
    %dma_start3A_37 = arith.constant 512 : i32
    %dma_start3A_38 = tpu.memref_slice %arg5[%dma_start3A_37] : memref<6400xi32, #tpu.memory_space<vmem>> -> memref<128xi32, #tpu.memory_space<vmem>>
    %dma_start3A_39 = arith.constant 0 : i32
    %dma_start3A_40 = arith.constant 0 : i32
    %dma_start3A_41 = tpu.memref_slice %arg3[%dma_start3A_39, %dma_start3A_40] : memref<100000x64xf32, #tpu.memory_space<hbm>> -> memref<100000x64xf32, #tpu.memory_space<hbm>>
    tpu.enqueue_indirect_dma source(%dma_start3A_41 : memref<100000x64xf32, #tpu.memory_space<hbm>>) target(%dma_start3A_36 : memref<128x64xf32, #tpu.memory_space<vmem>>) offsets(%dma_start3A_38 : memref<128xi32, #tpu.memory_space<vmem>>) semaphore(%arg8 : memref<!tpu.dma_semaphore, #tpu.memory_space<semaphore_mem>>)
    %dma_wait3A = arith.constant 0 : i32
    %dma_wait3A_42 = arith.constant 0 : i32
    %dma_wait3A_43 = tpu.memref_slice %arg6[%dma_wait3A, %dma_wait3A_42] : memref<640x64xf32, #tpu.memory_space<vmem>> -> memref<128x64xf32, #tpu.memory_space<vmem>>
    %dma_wait3A_44 = arith.constant 0 : i32
    %dma_wait3A_45 = tpu.memref_slice %arg5[%dma_wait3A_44] : memref<6400xi32, #tpu.memory_space<vmem>> -> memref<128xi32, #tpu.memory_space<vmem>>
    %dma_wait3A_46 = arith.constant 0 : i32
    %dma_wait3A_47 = arith.constant 0 : i32
    %dma_wait3A_48 = tpu.memref_slice %arg3[%dma_wait3A_46, %dma_wait3A_47] : memref<100000x64xf32, #tpu.memory_space<hbm>> -> memref<100000x64xf32, #tpu.memory_space<hbm>>
    tpu.wait_indirect_dma semaphore(%arg8 : memref<!tpu.dma_semaphore, #tpu.memory_space<semaphore_mem>>) src(%dma_wait3A_48 : memref<100000x64xf32, #tpu.memory_space<hbm>>) dst(%dma_wait3A_43 : memref<128x64xf32, #tpu.memory_space<vmem>>)
    %dma_wait3A_49 = arith.constant 128 : i32
    %dma_wait3A_50 = arith.constant 0 : i32
    %dma_wait3A_51 = tpu.memref_slice %arg6[%dma_wait3A_49, %dma_wait3A_50] : memref<640x64xf32, #tpu.memory_space<vmem>> -> memref<128x64xf32, #tpu.memory_space<vmem>>
    %dma_wait3A_52 = arith.constant 128 : i32
    %dma_wait3A_53 = tpu.memref_slice %arg5[%dma_wait3A_52] : memref<6400xi32, #tpu.memory_space<vmem>> -> memref<128xi32, #tpu.memory_space<vmem>>
    %dma_wait3A_54 = arith.constant 0 : i32
    %dma_wait3A_55 = arith.constant 0 : i32
    %dma_wait3A_56 = tpu.memref_slice %arg3[%dma_wait3A_54, %dma_wait3A_55] : memref<100000x64xf32, #tpu.memory_space<hbm>> -> memref<100000x64xf32, #tpu.memory_space<hbm>>
    tpu.wait_indirect_dma semaphore(%arg8 : memref<!tpu.dma_semaphore, #tpu.memory_space<semaphore_mem>>) src(%dma_wait3A_56 : memref<100000x64xf32, #tpu.memory_space<hbm>>) dst(%dma_wait3A_51 : memref<128x64xf32, #tpu.memory_space<vmem>>)
    %dma_wait3A_57 = arith.constant 256 : i32
    %dma_wait3A_58 = arith.constant 0 : i32
    %dma_wait3A_59 = tpu.memref_slice %arg6[%dma_wait3A_57, %dma_wait3A_58] : memref<640x64xf32, #tpu.memory_space<vmem>> -> memref<128x64xf32, #tpu.memory_space<vmem>>
    %dma_wait3A_60 = arith.constant 256 : i32
    %dma_wait3A_61 = tpu.memref_slice %arg5[%dma_wait3A_60] : memref<6400xi32, #tpu.memory_space<vmem>> -> memref<128xi32, #tpu.memory_space<vmem>>
    %dma_wait3A_62 = arith.constant 0 : i32
    %dma_wait3A_63 = arith.constant 0 : i32
    %dma_wait3A_64 = tpu.memref_slice %arg3[%dma_wait3A_62, %dma_wait3A_63] : memref<100000x64xf32, #tpu.memory_space<hbm>> -> memref<100000x64xf32, #tpu.memory_space<hbm>>
    tpu.wait_indirect_dma semaphore(%arg8 : memref<!tpu.dma_semaphore, #tpu.memory_space<semaphore_mem>>) src(%dma_wait3A_64 : memref<100000x64xf32, #tpu.memory_space<hbm>>) dst(%dma_wait3A_59 : memref<128x64xf32, #tpu.memory_space<vmem>>)
    %dma_wait3A_65 = arith.constant 384 : i32
    %dma_wait3A_66 = arith.constant 0 : i32
    %dma_wait3A_67 = tpu.memref_slice %arg6[%dma_wait3A_65, %dma_wait3A_66] : memref<640x64xf32, #tpu.memory_space<vmem>> -> memref<128x64xf32, #tpu.memory_space<vmem>>
    %dma_wait3A_68 = arith.constant 384 : i32
    %dma_wait3A_69 = tpu.memref_slice %arg5[%dma_wait3A_68] : memref<6400xi32, #tpu.memory_space<vmem>> -> memref<128xi32, #tpu.memory_space<vmem>>
    %dma_wait3A_70 = arith.constant 0 : i32
    %dma_wait3A_71 = arith.constant 0 : i32
    %dma_wait3A_72 = tpu.memref_slice %arg3[%dma_wait3A_70, %dma_wait3A_71] : memref<100000x64xf32, #tpu.memory_space<hbm>> -> memref<100000x64xf32, #tpu.memory_space<hbm>>
    tpu.wait_indirect_dma semaphore(%arg8 : memref<!tpu.dma_semaphore, #tpu.memory_space<semaphore_mem>>) src(%dma_wait3A_72 : memref<100000x64xf32, #tpu.memory_space<hbm>>) dst(%dma_wait3A_67 : memref<128x64xf32, #tpu.memory_space<vmem>>)
    %dma_wait3A_73 = arith.constant 512 : i32
    %dma_wait3A_74 = arith.constant 0 : i32
    %dma_wait3A_75 = tpu.memref_slice %arg6[%dma_wait3A_73, %dma_wait3A_74] : memref<640x64xf32, #tpu.memory_space<vmem>> -> memref<128x64xf32, #tpu.memory_space<vmem>>
    %dma_wait3A_76 = arith.constant 512 : i32
    %dma_wait3A_77 = tpu.memref_slice %arg5[%dma_wait3A_76] : memref<6400xi32, #tpu.memory_space<vmem>> -> memref<128xi32, #tpu.memory_space<vmem>>
    %dma_wait3A_78 = arith.constant 0 : i32
    %dma_wait3A_79 = arith.constant 0 : i32
    %dma_wait3A_80 = tpu.memref_slice %arg3[%dma_wait3A_78, %dma_wait3A_79] : memref<100000x64xf32, #tpu.memory_space<hbm>> -> memref<100000x64xf32, #tpu.memory_space<hbm>>
    tpu.wait_indirect_dma semaphore(%arg8 : memref<!tpu.dma_semaphore, #tpu.memory_space<semaphore_mem>>) src(%dma_wait3A_80 : memref<100000x64xf32, #tpu.memory_space<hbm>>) dst(%dma_wait3A_75 : memref<128x64xf32, #tpu.memory_space<vmem>>)
    %add3A_81 = arith.constant 0 : i32
    %add3A_82 = arith.addi %mul3A_2, %add3A_81 : i32
    %dma_start3A_83 = arith.constant 0 : i32
    %dma_start3A_84 = tpu.memref_slice %arg4[%add3A_82, %dma_start3A_83] : memref<204800x64xf32, #tpu.memory_space<hbm>> -> memref<640x64xf32, #tpu.memory_space<hbm>>
    %dma_start3A_85 = arith.constant 0 : i32
    %dma_start3A_86 = tpu.memref_slice %arg4[%add3A_82, %dma_start3A_85] : memref<204800x64xf32, #tpu.memory_space<hbm>> -> memref<640x64xf32, #tpu.memory_space<hbm>>
    tpu.enqueue_dma source(%arg6 : memref<640x64xf32, #tpu.memory_space<vmem>>) target(%dma_start3A_86 : memref<640x64xf32, #tpu.memory_space<hbm>>) target_semaphore(%arg10 : memref<!tpu.dma_semaphore, #tpu.memory_space<semaphore_mem>>)
    %dma_start3A_87 = arith.constant 0 : i32
    %dma_start3A_88 = arith.constant 0 : i32
    %dma_start3A_89 = tpu.memref_slice %arg7[%dma_start3A_87, %dma_start3A_88] : memref<640x64xf32, #tpu.memory_space<vmem>> -> memref<128x64xf32, #tpu.memory_space<vmem>>
    %dma_start3A_90 = arith.constant 640 : i32
    %dma_start3A_91 = tpu.memref_slice %arg5[%dma_start3A_90] : memref<6400xi32, #tpu.memory_space<vmem>> -> memref<128xi32, #tpu.memory_space<vmem>>
    %dma_start3A_92 = arith.constant 0 : i32
    %dma_start3A_93 = arith.constant 0 : i32
    %dma_start3A_94 = tpu.memref_slice %arg3[%dma_start3A_92, %dma_start3A_93] : memref<100000x64xf32, #tpu.memory_space<hbm>> -> memref<100000x64xf32, #tpu.memory_space<hbm>>
    tpu.enqueue_indirect_dma source(%dma_start3A_94 : memref<100000x64xf32, #tpu.memory_space<hbm>>) target(%dma_start3A_89 : memref<128x64xf32, #tpu.memory_space<vmem>>) offsets(%dma_start3A_91 : memref<128xi32, #tpu.memory_space<vmem>>) semaphore(%arg9 : memref<!tpu.dma_semaphore, #tpu.memory_space<semaphore_mem>>)
    %dma_start3A_95 = arith.constant 128 : i32
    %dma_start3A_96 = arith.constant 0 : i32
    %dma_start3A_97 = tpu.memref_slice %arg7[%dma_start3A_95, %dma_start3A_96] : memref<640x64xf32, #tpu.memory_space<vmem>> -> memref<128x64xf32, #tpu.memory_space<vmem>>
    %dma_start3A_98 = arith.constant 768 : i32
    %dma_start3A_99 = tpu.memref_slice %arg5[%dma_start3A_98] : memref<6400xi32, #tpu.memory_space<vmem>> -> memref<128xi32, #tpu.memory_space<vmem>>
    %dma_start3A_100 = arith.constant 0 : i32
    %dma_start3A_101 = arith.constant 0 : i32
    %dma_start3A_102 = tpu.memref_slice %arg3[%dma_start3A_100, %dma_start3A_101] : memref<100000x64xf32, #tpu.memory_space<hbm>> -> memref<100000x64xf32, #tpu.memory_space<hbm>>
    tpu.enqueue_indirect_dma source(%dma_start3A_102 : memref<100000x64xf32, #tpu.memory_space<hbm>>) target(%dma_start3A_97 : memref<128x64xf32, #tpu.memory_space<vmem>>) offsets(%dma_start3A_99 : memref<128xi32, #tpu.memory_space<vmem>>) semaphore(%arg9 : memref<!tpu.dma_semaphore, #tpu.memory_space<semaphore_mem>>)
    %dma_start3A_103 = arith.constant 256 : i32
    %dma_start3A_104 = arith.constant 0 : i32
    %dma_start3A_105 = tpu.memref_slice %arg7[%dma_start3A_103, %dma_start3A_104] : memref<640x64xf32, #tpu.memory_space<vmem>> -> memref<128x64xf32, #tpu.memory_space<vmem>>
    %dma_start3A_106 = arith.constant 896 : i32
    %dma_start3A_107 = tpu.memref_slice %arg5[%dma_start3A_106] : memref<6400xi32, #tpu.memory_space<vmem>> -> memref<128xi32, #tpu.memory_space<vmem>>
    %dma_start3A_108 = arith.constant 0 : i32
    %dma_start3A_109 = arith.constant 0 : i32
    %dma_start3A_110 = tpu.memref_slice %arg3[%dma_start3A_108, %dma_start3A_109] : memref<100000x64xf32, #tpu.memory_space<hbm>> -> memref<100000x64xf32, #tpu.memory_space<hbm>>
    tpu.enqueue_indirect_dma source(%dma_start3A_110 : memref<100000x64xf32, #tpu.memory_space<hbm>>) target(%dma_start3A_105 : memref<128x64xf32, #tpu.memory_space<vmem>>) offsets(%dma_start3A_107 : memref<128xi32, #tpu.memory_space<vmem>>) semaphore(%arg9 : memref<!tpu.dma_semaphore, #tpu.memory_space<semaphore_mem>>)
    %dma_start3A_111 = arith.constant 384 : i32
    %dma_start3A_112 = arith.constant 0 : i32
    %dma_start3A_113 = tpu.memref_slice %arg7[%dma_start3A_111, %dma_start3A_112] : memref<640x64xf32, #tpu.memory_space<vmem>> -> memref<128x64xf32, #tpu.memory_space<vmem>>
    %dma_start3A_114 = arith.constant 1024 : i32
    %dma_start3A_115 = tpu.memref_slice %arg5[%dma_start3A_114] : memref<6400xi32, #tpu.memory_space<vmem>> -> memref<128xi32, #tpu.memory_space<vmem>>
    %dma_start3A_116 = arith.constant 0 : i32
    %dma_start3A_117 = arith.constant 0 : i32
    %dma_start3A_118 = tpu.memref_slice %arg3[%dma_start3A_116, %dma_start3A_117] : memref<100000x64xf32, #tpu.memory_space<hbm>> -> memref<100000x64xf32, #tpu.memory_space<hbm>>
    tpu.enqueue_indirect_dma source(%dma_start3A_118 : memref<100000x64xf32, #tpu.memory_space<hbm>>) target(%dma_start3A_113 : memref<128x64xf32, #tpu.memory_space<vmem>>) offsets(%dma_start3A_115 : memref<128xi32, #tpu.memory_space<vmem>>) semaphore(%arg9 : memref<!tpu.dma_semaphore, #tpu.memory_space<semaphore_mem>>)
    %dma_start3A_119 = arith.constant 512 : i32
    %dma_start3A_120 = arith.constant 0 : i32
    %dma_start3A_121 = tpu.memref_slice %arg7[%dma_start3A_119, %dma_start3A_120] : memref<640x64xf32, #tpu.memory_space<vmem>> -> memref<128x64xf32, #tpu.memory_space<vmem>>
    %dma_start3A_122 = arith.constant 1152 : i32
    %dma_start3A_123 = tpu.memref_slice %arg5[%dma_start3A_122] : memref<6400xi32, #tpu.memory_space<vmem>> -> memref<128xi32, #tpu.memory_space<vmem>>
    %dma_start3A_124 = arith.constant 0 : i32
    %dma_start3A_125 = arith.constant 0 : i32
    %dma_start3A_126 = tpu.memref_slice %arg3[%dma_start3A_124, %dma_start3A_125] : memref<100000x64xf32, #tpu.memory_space<hbm>> -> memref<100000x64xf32, #tpu.memory_space<hbm>>
    tpu.enqueue_indirect_dma source(%dma_start3A_126 : memref<100000x64xf32, #tpu.memory_space<hbm>>) target(%dma_start3A_121 : memref<128x64xf32, #tpu.memory_space<vmem>>) offsets(%dma_start3A_123 : memref<128xi32, #tpu.memory_space<vmem>>) semaphore(%arg9 : memref<!tpu.dma_semaphore, #tpu.memory_space<semaphore_mem>>)
    %dma_wait3A_127 = arith.constant 0 : i32
    %dma_wait3A_128 = arith.constant 0 : i32
    %dma_wait3A_129 = tpu.memref_slice %arg7[%dma_wait3A_127, %dma_wait3A_128] : memref<640x64xf32, #tpu.memory_space<vmem>> -> memref<128x64xf32, #tpu.memory_space<vmem>>
    %dma_wait3A_130 = arith.constant 640 : i32
    %dma_wait3A_131 = tpu.memref_slice %arg5[%dma_wait3A_130] : memref<6400xi32, #tpu.memory_space<vmem>> -> memref<128xi32, #tpu.memory_space<vmem>>
    %dma_wait3A_132 = arith.constant 0 : i32
    %dma_wait3A_133 = arith.constant 0 : i32
    %dma_wait3A_134 = tpu.memref_slice %arg3[%dma_wait3A_132, %dma_wait3A_133] : memref<100000x64xf32, #tpu.memory_space<hbm>> -> memref<100000x64xf32, #tpu.memory_space<hbm>>
    tpu.wait_indirect_dma semaphore(%arg9 : memref<!tpu.dma_semaphore, #tpu.memory_space<semaphore_mem>>) src(%dma_wait3A_134 : memref<100000x64xf32, #tpu.memory_space<hbm>>) dst(%dma_wait3A_129 : memref<128x64xf32, #tpu.memory_space<vmem>>)
    %dma_wait3A_135 = arith.constant 128 : i32
    %dma_wait3A_136 = arith.constant 0 : i32
    %dma_wait3A_137 = tpu.memref_slice %arg7[%dma_wait3A_135, %dma_wait3A_136] : memref<640x64xf32, #tpu.memory_space<vmem>> -> memref<128x64xf32, #tpu.memory_space<vmem>>
    %dma_wait3A_138 = arith.constant 768 : i32
    %dma_wait3A_139 = tpu.memref_slice %arg5[%dma_wait3A_138] : memref<6400xi32, #tpu.memory_space<vmem>> -> memref<128xi32, #tpu.memory_space<vmem>>
    %dma_wait3A_140 = arith.constant 0 : i32
    %dma_wait3A_141 = arith.constant 0 : i32
    %dma_wait3A_142 = tpu.memref_slice %arg3[%dma_wait3A_140, %dma_wait3A_141] : memref<100000x64xf32, #tpu.memory_space<hbm>> -> memref<100000x64xf32, #tpu.memory_space<hbm>>
    tpu.wait_indirect_dma semaphore(%arg9 : memref<!tpu.dma_semaphore, #tpu.memory_space<semaphore_mem>>) src(%dma_wait3A_142 : memref<100000x64xf32, #tpu.memory_space<hbm>>) dst(%dma_wait3A_137 : memref<128x64xf32, #tpu.memory_space<vmem>>)
    %dma_wait3A_143 = arith.constant 256 : i32
    %dma_wait3A_144 = arith.constant 0 : i32
    %dma_wait3A_145 = tpu.memref_slice %arg7[%dma_wait3A_143, %dma_wait3A_144] : memref<640x64xf32, #tpu.memory_space<vmem>> -> memref<128x64xf32, #tpu.memory_space<vmem>>
    %dma_wait3A_146 = arith.constant 896 : i32
    %dma_wait3A_147 = tpu.memref_slice %arg5[%dma_wait3A_146] : memref<6400xi32, #tpu.memory_space<vmem>> -> memref<128xi32, #tpu.memory_space<vmem>>
    %dma_wait3A_148 = arith.constant 0 : i32
    %dma_wait3A_149 = arith.constant 0 : i32
    %dma_wait3A_150 = tpu.memref_slice %arg3[%dma_wait3A_148, %dma_wait3A_149] : memref<100000x64xf32, #tpu.memory_space<hbm>> -> memref<100000x64xf32, #tpu.memory_space<hbm>>
    tpu.wait_indirect_dma semaphore(%arg9 : memref<!tpu.dma_semaphore, #tpu.memory_space<semaphore_mem>>) src(%dma_wait3A_150 : memref<100000x64xf32, #tpu.memory_space<hbm>>) dst(%dma_wait3A_145 : memref<128x64xf32, #tpu.memory_space<vmem>>)
    %dma_wait3A_151 = arith.constant 384 : i32
    %dma_wait3A_152 = arith.constant 0 : i32
    %dma_wait3A_153 = tpu.memref_slice %arg7[%dma_wait3A_151, %dma_wait3A_152] : memref<640x64xf32, #tpu.memory_space<vmem>> -> memref<128x64xf32, #tpu.memory_space<vmem>>
    %dma_wait3A_154 = arith.constant 1024 : i32
    %dma_wait3A_155 = tpu.memref_slice %arg5[%dma_wait3A_154] : memref<6400xi32, #tpu.memory_space<vmem>> -> memref<128xi32, #tpu.memory_space<vmem>>
    %dma_wait3A_156 = arith.constant 0 : i32
    %dma_wait3A_157 = arith.constant 0 : i32
    %dma_wait3A_158 = tpu.memref_slice %arg3[%dma_wait3A_156, %dma_wait3A_157] : memref<100000x64xf32, #tpu.memory_space<hbm>> -> memref<100000x64xf32, #tpu.memory_space<hbm>>
    tpu.wait_indirect_dma semaphore(%arg9 : memref<!tpu.dma_semaphore, #tpu.memory_space<semaphore_mem>>) src(%dma_wait3A_158 : memref<100000x64xf32, #tpu.memory_space<hbm>>) dst(%dma_wait3A_153 : memref<128x64xf32, #tpu.memory_space<vmem>>)
    %dma_wait3A_159 = arith.constant 512 : i32
    %dma_wait3A_160 = arith.constant 0 : i32
    %dma_wait3A_161 = tpu.memref_slice %arg7[%dma_wait3A_159, %dma_wait3A_160] : memref<640x64xf32, #tpu.memory_space<vmem>> -> memref<128x64xf32, #tpu.memory_space<vmem>>
    %dma_wait3A_162 = arith.constant 1152 : i32
    %dma_wait3A_163 = tpu.memref_slice %arg5[%dma_wait3A_162] : memref<6400xi32, #tpu.memory_space<vmem>> -> memref<128xi32, #tpu.memory_space<vmem>>
    %dma_wait3A_164 = arith.constant 0 : i32
    %dma_wait3A_165 = arith.constant 0 : i32
    %dma_wait3A_166 = tpu.memref_slice %arg3[%dma_wait3A_164, %dma_wait3A_165] : memref<100000x64xf32, #tpu.memory_space<hbm>> -> memref<100000x64xf32, #tpu.memory_space<hbm>>
    tpu.wait_indirect_dma semaphore(%arg9 : memref<!tpu.dma_semaphore, #tpu.memory_space<semaphore_mem>>) src(%dma_wait3A_166 : memref<100000x64xf32, #tpu.memory_space<hbm>>) dst(%dma_wait3A_161 : memref<128x64xf32, #tpu.memory_space<vmem>>)
    %add3A_167 = arith.constant 640 : i32
    %add3A_168 = arith.addi %mul3A_2, %add3A_167 : i32
    %dma_start3A_169 = arith.constant 0 : i32
    %dma_start3A_170 = tpu.memref_slice %arg4[%add3A_168, %dma_start3A_169] : memref<204800x64xf32, #tpu.memory_space<hbm>> -> memref<640x64xf32, #tpu.memory_space<hbm>>
    %dma_start3A_171 = arith.constant 0 : i32
    %dma_start3A_172 = tpu.memref_slice %arg4[%add3A_168, %dma_start3A_171] : memref<204800x64xf32, #tpu.memory_space<hbm>> -> memref<640x64xf32, #tpu.memory_space<hbm>>
    tpu.enqueue_dma source(%arg7 : memref<640x64xf32, #tpu.memory_space<vmem>>) target(%dma_start3A_172 : memref<640x64xf32, #tpu.memory_space<hbm>>) target_semaphore(%arg11 : memref<!tpu.dma_semaphore, #tpu.memory_space<semaphore_mem>>)
    %dma_wait3A_173 = arith.constant 0 : i32
    %dma_wait3A_174 = tpu.memref_slice %arg4[%add3A_82, %dma_wait3A_173] : memref<204800x64xf32, #tpu.memory_space<hbm>> -> memref<640x64xf32, #tpu.memory_space<hbm>>
    %dma_wait3A_175 = arith.constant 0 : i32
    %dma_wait3A_176 = tpu.memref_slice %arg4[%add3A_82, %dma_wait3A_175] : memref<204800x64xf32, #tpu.memory_space<hbm>> -> memref<640x64xf32, #tpu.memory_space<hbm>>
    tpu.wait_dma2 semaphore(%arg10 : memref<!tpu.dma_semaphore, #tpu.memory_space<semaphore_mem>>) src(%arg6 : memref<640x64xf32, #tpu.memory_space<vmem>>) dst(%dma_wait3A_176 : memref<640x64xf32, #tpu.memory_space<hbm>>)
    %dma_start3A_177 = arith.constant 0 : i32
    %dma_start3A_178 = arith.constant 0 : i32
    %dma_start3A_179 = tpu.memref_slice %arg6[%dma_start3A_177, %dma_start3A_178] : memref<640x64xf32, #tpu.memory_space<vmem>> -> memref<128x64xf32, #tpu.memory_space<vmem>>
    %dma_start3A_180 = arith.constant 1280 : i32
    %dma_start3A_181 = tpu.memref_slice %arg5[%dma_start3A_180] : memref<6400xi32, #tpu.memory_space<vmem>> -> memref<128xi32, #tpu.memory_space<vmem>>
    %dma_start3A_182 = arith.constant 0 : i32
    %dma_start3A_183 = arith.constant 0 : i32
    %dma_start3A_184 = tpu.memref_slice %arg3[%dma_start3A_182, %dma_start3A_183] : memref<100000x64xf32, #tpu.memory_space<hbm>> -> memref<100000x64xf32, #tpu.memory_space<hbm>>
    tpu.enqueue_indirect_dma source(%dma_start3A_184 : memref<100000x64xf32, #tpu.memory_space<hbm>>) target(%dma_start3A_179 : memref<128x64xf32, #tpu.memory_space<vmem>>) offsets(%dma_start3A_181 : memref<128xi32, #tpu.memory_space<vmem>>) semaphore(%arg8 : memref<!tpu.dma_semaphore, #tpu.memory_space<semaphore_mem>>)
    %dma_start3A_185 = arith.constant 128 : i32
    %dma_start3A_186 = arith.constant 0 : i32
    %dma_start3A_187 = tpu.memref_slice %arg6[%dma_start3A_185, %dma_start3A_186] : memref<640x64xf32, #tpu.memory_space<vmem>> -> memref<128x64xf32, #tpu.memory_space<vmem>>
    %dma_start3A_188 = arith.constant 1408 : i32
    %dma_start3A_189 = tpu.memref_slice %arg5[%dma_start3A_188] : memref<6400xi32, #tpu.memory_space<vmem>> -> memref<128xi32, #tpu.memory_space<vmem>>
    %dma_start3A_190 = arith.constant 0 : i32
    %dma_start3A_191 = arith.constant 0 : i32
    %dma_start3A_192 = tpu.memref_slice %arg3[%dma_start3A_190, %dma_start3A_191] : memref<100000x64xf32, #tpu.memory_space<hbm>> -> memref<100000x64xf32, #tpu.memory_space<hbm>>
    tpu.enqueue_indirect_dma source(%dma_start3A_192 : memref<100000x64xf32, #tpu.memory_space<hbm>>) target(%dma_start3A_187 : memref<128x64xf32, #tpu.memory_space<vmem>>) offsets(%dma_start3A_189 : memref<128xi32, #tpu.memory_space<vmem>>) semaphore(%arg8 : memref<!tpu.dma_semaphore, #tpu.memory_space<semaphore_mem>>)
    %dma_start3A_193 = arith.constant 256 : i32
    %dma_start3A_194 = arith.constant 0 : i32
    %dma_start3A_195 = tpu.memref_slice %arg6[%dma_start3A_193, %dma_start3A_194] : memref<640x64xf32, #tpu.memory_space<vmem>> -> memref<128x64xf32, #tpu.memory_space<vmem>>
    %dma_start3A_196 = arith.constant 1536 : i32
    %dma_start3A_197 = tpu.memref_slice %arg5[%dma_start3A_196] : memref<6400xi32, #tpu.memory_space<vmem>> -> memref<128xi32, #tpu.memory_space<vmem>>
    %dma_start3A_198 = arith.constant 0 : i32
    %dma_start3A_199 = arith.constant 0 : i32
    %dma_start3A_200 = tpu.memref_slice %arg3[%dma_start3A_198, %dma_start3A_199] : memref<100000x64xf32, #tpu.memory_space<hbm>> -> memref<100000x64xf32, #tpu.memory_space<hbm>>
    tpu.enqueue_indirect_dma source(%dma_start3A_200 : memref<100000x64xf32, #tpu.memory_space<hbm>>) target(%dma_start3A_195 : memref<128x64xf32, #tpu.memory_space<vmem>>) offsets(%dma_start3A_197 : memref<128xi32, #tpu.memory_space<vmem>>) semaphore(%arg8 : memref<!tpu.dma_semaphore, #tpu.memory_space<semaphore_mem>>)
    %dma_start3A_201 = arith.constant 384 : i32
    %dma_start3A_202 = arith.constant 0 : i32
    %dma_start3A_203 = tpu.memref_slice %arg6[%dma_start3A_201, %dma_start3A_202] : memref<640x64xf32, #tpu.memory_space<vmem>> -> memref<128x64xf32, #tpu.memory_space<vmem>>
    %dma_start3A_204 = arith.constant 1664 : i32
    %dma_start3A_205 = tpu.memref_slice %arg5[%dma_start3A_204] : memref<6400xi32, #tpu.memory_space<vmem>> -> memref<128xi32, #tpu.memory_space<vmem>>
    %dma_start3A_206 = arith.constant 0 : i32
    %dma_start3A_207 = arith.constant 0 : i32
    %dma_start3A_208 = tpu.memref_slice %arg3[%dma_start3A_206, %dma_start3A_207] : memref<100000x64xf32, #tpu.memory_space<hbm>> -> memref<100000x64xf32, #tpu.memory_space<hbm>>
    tpu.enqueue_indirect_dma source(%dma_start3A_208 : memref<100000x64xf32, #tpu.memory_space<hbm>>) target(%dma_start3A_203 : memref<128x64xf32, #tpu.memory_space<vmem>>) offsets(%dma_start3A_205 : memref<128xi32, #tpu.memory_space<vmem>>) semaphore(%arg8 : memref<!tpu.dma_semaphore, #tpu.memory_space<semaphore_mem>>)
    %dma_start3A_209 = arith.constant 512 : i32
    %dma_start3A_210 = arith.constant 0 : i32
    %dma_start3A_211 = tpu.memref_slice %arg6[%dma_start3A_209, %dma_start3A_210] : memref<640x64xf32, #tpu.memory_space<vmem>> -> memref<128x64xf32, #tpu.memory_space<vmem>>
    %dma_start3A_212 = arith.constant 1792 : i32
    %dma_start3A_213 = tpu.memref_slice %arg5[%dma_start3A_212] : memref<6400xi32, #tpu.memory_space<vmem>> -> memref<128xi32, #tpu.memory_space<vmem>>
    %dma_start3A_214 = arith.constant 0 : i32
    %dma_start3A_215 = arith.constant 0 : i32
    %dma_start3A_216 = tpu.memref_slice %arg3[%dma_start3A_214, %dma_start3A_215] : memref<100000x64xf32, #tpu.memory_space<hbm>> -> memref<100000x64xf32, #tpu.memory_space<hbm>>
    tpu.enqueue_indirect_dma source(%dma_start3A_216 : memref<100000x64xf32, #tpu.memory_space<hbm>>) target(%dma_start3A_211 : memref<128x64xf32, #tpu.memory_space<vmem>>) offsets(%dma_start3A_213 : memref<128xi32, #tpu.memory_space<vmem>>) semaphore(%arg8 : memref<!tpu.dma_semaphore, #tpu.memory_space<semaphore_mem>>)
    %dma_wait3A_217 = arith.constant 0 : i32
    %dma_wait3A_218 = arith.constant 0 : i32
    %dma_wait3A_219 = tpu.memref_slice %arg6[%dma_wait3A_217, %dma_wait3A_218] : memref<640x64xf32, #tpu.memory_space<vmem>> -> memref<128x64xf32, #tpu.memory_space<vmem>>
    %dma_wait3A_220 = arith.constant 1280 : i32
    %dma_wait3A_221 = tpu.memref_slice %arg5[%dma_wait3A_220] : memref<6400xi32, #tpu.memory_space<vmem>> -> memref<128xi32, #tpu.memory_space<vmem>>
    %dma_wait3A_222 = arith.constant 0 : i32
    %dma_wait3A_223 = arith.constant 0 : i32
    %dma_wait3A_224 = tpu.memref_slice %arg3[%dma_wait3A_222, %dma_wait3A_223] : memref<100000x64xf32, #tpu.memory_space<hbm>> -> memref<100000x64xf32, #tpu.memory_space<hbm>>
    tpu.wait_indirect_dma semaphore(%arg8 : memref<!tpu.dma_semaphore, #tpu.memory_space<semaphore_mem>>) src(%dma_wait3A_224 : memref<100000x64xf32, #tpu.memory_space<hbm>>) dst(%dma_wait3A_219 : memref<128x64xf32, #tpu.memory_space<vmem>>)
    %dma_wait3A_225 = arith.constant 128 : i32
    %dma_wait3A_226 = arith.constant 0 : i32
    %dma_wait3A_227 = tpu.memref_slice %arg6[%dma_wait3A_225, %dma_wait3A_226] : memref<640x64xf32, #tpu.memory_space<vmem>> -> memref<128x64xf32, #tpu.memory_space<vmem>>
    %dma_wait3A_228 = arith.constant 1408 : i32
    %dma_wait3A_229 = tpu.memref_slice %arg5[%dma_wait3A_228] : memref<6400xi32, #tpu.memory_space<vmem>> -> memref<128xi32, #tpu.memory_space<vmem>>
    %dma_wait3A_230 = arith.constant 0 : i32
    %dma_wait3A_231 = arith.constant 0 : i32
    %dma_wait3A_232 = tpu.memref_slice %arg3[%dma_wait3A_230, %dma_wait3A_231] : memref<100000x64xf32, #tpu.memory_space<hbm>> -> memref<100000x64xf32, #tpu.memory_space<hbm>>
    tpu.wait_indirect_dma semaphore(%arg8 : memref<!tpu.dma_semaphore, #tpu.memory_space<semaphore_mem>>) src(%dma_wait3A_232 : memref<100000x64xf32, #tpu.memory_space<hbm>>) dst(%dma_wait3A_227 : memref<128x64xf32, #tpu.memory_space<vmem>>)
    %dma_wait3A_233 = arith.constant 256 : i32
    %dma_wait3A_234 = arith.constant 0 : i32
    %dma_wait3A_235 = tpu.memref_slice %arg6[%dma_wait3A_233, %dma_wait3A_234] : memref<640x64xf32, #tpu.memory_space<vmem>> -> memref<128x64xf32, #tpu.memory_space<vmem>>
    %dma_wait3A_236 = arith.constant 1536 : i32
    %dma_wait3A_237 = tpu.memref_slice %arg5[%dma_wait3A_236] : memref<6400xi32, #tpu.memory_space<vmem>> -> memref<128xi32, #tpu.memory_space<vmem>>
    %dma_wait3A_238 = arith.constant 0 : i32
    %dma_wait3A_239 = arith.constant 0 : i32
    %dma_wait3A_240 = tpu.memref_slice %arg3[%dma_wait3A_238, %dma_wait3A_239] : memref<100000x64xf32, #tpu.memory_space<hbm>> -> memref<100000x64xf32, #tpu.memory_space<hbm>>
    tpu.wait_indirect_dma semaphore(%arg8 : memref<!tpu.dma_semaphore, #tpu.memory_space<semaphore_mem>>) src(%dma_wait3A_240 : memref<100000x64xf32, #tpu.memory_space<hbm>>) dst(%dma_wait3A_235 : memref<128x64xf32, #tpu.memory_space<vmem>>)
    %dma_wait3A_241 = arith.constant 384 : i32
    %dma_wait3A_242 = arith.constant 0 : i32
    %dma_wait3A_243 = tpu.memref_slice %arg6[%dma_wait3A_241, %dma_wait3A_242] : memref<640x64xf32, #tpu.memory_space<vmem>> -> memref<128x64xf32, #tpu.memory_space<vmem>>
    %dma_wait3A_244 = arith.constant 1664 : i32
    %dma_wait3A_245 = tpu.memref_slice %arg5[%dma_wait3A_244] : memref<6400xi32, #tpu.memory_space<vmem>> -> memref<128xi32, #tpu.memory_space<vmem>>
    %dma_wait3A_246 = arith.constant 0 : i32
    %dma_wait3A_247 = arith.constant 0 : i32
    %dma_wait3A_248 = tpu.memref_slice %arg3[%dma_wait3A_246, %dma_wait3A_247] : memref<100000x64xf32, #tpu.memory_space<hbm>> -> memref<100000x64xf32, #tpu.memory_space<hbm>>
    tpu.wait_indirect_dma semaphore(%arg8 : memref<!tpu.dma_semaphore, #tpu.memory_space<semaphore_mem>>) src(%dma_wait3A_248 : memref<100000x64xf32, #tpu.memory_space<hbm>>) dst(%dma_wait3A_243 : memref<128x64xf32, #tpu.memory_space<vmem>>)
    %dma_wait3A_249 = arith.constant 512 : i32
    %dma_wait3A_250 = arith.constant 0 : i32
    %dma_wait3A_251 = tpu.memref_slice %arg6[%dma_wait3A_249, %dma_wait3A_250] : memref<640x64xf32, #tpu.memory_space<vmem>> -> memref<128x64xf32, #tpu.memory_space<vmem>>
    %dma_wait3A_252 = arith.constant 1792 : i32
    %dma_wait3A_253 = tpu.memref_slice %arg5[%dma_wait3A_252] : memref<6400xi32, #tpu.memory_space<vmem>> -> memref<128xi32, #tpu.memory_space<vmem>>
    %dma_wait3A_254 = arith.constant 0 : i32
    %dma_wait3A_255 = arith.constant 0 : i32
    %dma_wait3A_256 = tpu.memref_slice %arg3[%dma_wait3A_254, %dma_wait3A_255] : memref<100000x64xf32, #tpu.memory_space<hbm>> -> memref<100000x64xf32, #tpu.memory_space<hbm>>
    tpu.wait_indirect_dma semaphore(%arg8 : memref<!tpu.dma_semaphore, #tpu.memory_space<semaphore_mem>>) src(%dma_wait3A_256 : memref<100000x64xf32, #tpu.memory_space<hbm>>) dst(%dma_wait3A_251 : memref<128x64xf32, #tpu.memory_space<vmem>>)
    %add3A_257 = arith.constant 1280 : i32
    %add3A_258 = arith.addi %mul3A_2, %add3A_257 : i32
    %dma_start3A_259 = arith.constant 0 : i32
    %dma_start3A_260 = tpu.memref_slice %arg4[%add3A_258, %dma_start3A_259] : memref<204800x64xf32, #tpu.memory_space<hbm>> -> memref<640x64xf32, #tpu.memory_space<hbm>>
    %dma_start3A_261 = arith.constant 0 : i32
    %dma_start3A_262 = tpu.memref_slice %arg4[%add3A_258, %dma_start3A_261] : memref<204800x64xf32, #tpu.memory_space<hbm>> -> memref<640x64xf32, #tpu.memory_space<hbm>>
    tpu.enqueue_dma source(%arg6 : memref<640x64xf32, #tpu.memory_space<vmem>>) target(%dma_start3A_262 : memref<640x64xf32, #tpu.memory_space<hbm>>) target_semaphore(%arg10 : memref<!tpu.dma_semaphore, #tpu.memory_space<semaphore_mem>>)
    %dma_wait3A_263 = arith.constant 0 : i32
    %dma_wait3A_264 = tpu.memref_slice %arg4[%add3A_168, %dma_wait3A_263] : memref<204800x64xf32, #tpu.memory_space<hbm>> -> memref<640x64xf32, #tpu.memory_space<hbm>>
    %dma_wait3A_265 = arith.constant 0 : i32
    %dma_wait3A_266 = tpu.memref_slice %arg4[%add3A_168, %dma_wait3A_265] : memref<204800x64xf32, #tpu.memory_space<hbm>> -> memref<640x64xf32, #tpu.memory_space<hbm>>
    tpu.wait_dma2 semaphore(%arg11 : memref<!tpu.dma_semaphore, #tpu.memory_space<semaphore_mem>>) src(%arg7 : memref<640x64xf32, #tpu.memory_space<vmem>>) dst(%dma_wait3A_266 : memref<640x64xf32, #tpu.memory_space<hbm>>)
    %dma_start3A_267 = arith.constant 0 : i32
    %dma_start3A_268 = arith.constant 0 : i32
    %dma_start3A_269 = tpu.memref_slice %arg7[%dma_start3A_267, %dma_start3A_268] : memref<640x64xf32, #tpu.memory_space<vmem>> -> memref<128x64xf32, #tpu.memory_space<vmem>>
    %dma_start3A_270 = arith.constant 1920 : i32
    %dma_start3A_271 = tpu.memref_slice %arg5[%dma_start3A_270] : memref<6400xi32, #tpu.memory_space<vmem>> -> memref<128xi32, #tpu.memory_space<vmem>>
    %dma_start3A_272 = arith.constant 0 : i32
    %dma_start3A_273 = arith.constant 0 : i32
    %dma_start3A_274 = tpu.memref_slice %arg3[%dma_start3A_272, %dma_start3A_273] : memref<100000x64xf32, #tpu.memory_space<hbm>> -> memref<100000x64xf32, #tpu.memory_space<hbm>>
    tpu.enqueue_indirect_dma source(%dma_start3A_274 : memref<100000x64xf32, #tpu.memory_space<hbm>>) target(%dma_start3A_269 : memref<128x64xf32, #tpu.memory_space<vmem>>) offsets(%dma_start3A_271 : memref<128xi32, #tpu.memory_space<vmem>>) semaphore(%arg9 : memref<!tpu.dma_semaphore, #tpu.memory_space<semaphore_mem>>)
    %dma_start3A_275 = arith.constant 128 : i32
    %dma_start3A_276 = arith.constant 0 : i32
    %dma_start3A_277 = tpu.memref_slice %arg7[%dma_start3A_275, %dma_start3A_276] : memref<640x64xf32, #tpu.memory_space<vmem>> -> memref<128x64xf32, #tpu.memory_space<vmem>>
    %dma_start3A_278 = arith.constant 2048 : i32
    %dma_start3A_279 = tpu.memref_slice %arg5[%dma_start3A_278] : memref<6400xi32, #tpu.memory_space<vmem>> -> memref<128xi32, #tpu.memory_space<vmem>>
    %dma_start3A_280 = arith.constant 0 : i32
    %dma_start3A_281 = arith.constant 0 : i32
    %dma_start3A_282 = tpu.memref_slice %arg3[%dma_start3A_280, %dma_start3A_281] : memref<100000x64xf32, #tpu.memory_space<hbm>> -> memref<100000x64xf32, #tpu.memory_space<hbm>>
    tpu.enqueue_indirect_dma source(%dma_start3A_282 : memref<100000x64xf32, #tpu.memory_space<hbm>>) target(%dma_start3A_277 : memref<128x64xf32, #tpu.memory_space<vmem>>) offsets(%dma_start3A_279 : memref<128xi32, #tpu.memory_space<vmem>>) semaphore(%arg9 : memref<!tpu.dma_semaphore, #tpu.memory_space<semaphore_mem>>)
    %dma_start3A_283 = arith.constant 256 : i32
    %dma_start3A_284 = arith.constant 0 : i32
    %dma_start3A_285 = tpu.memref_slice %arg7[%dma_start3A_283, %dma_start3A_284] : memref<640x64xf32, #tpu.memory_space<vmem>> -> memref<128x64xf32, #tpu.memory_space<vmem>>
    %dma_start3A_286 = arith.constant 2176 : i32
    %dma_start3A_287 = tpu.memref_slice %arg5[%dma_start3A_286] : memref<6400xi32, #tpu.memory_space<vmem>> -> memref<128xi32, #tpu.memory_space<vmem>>
    %dma_start3A_288 = arith.constant 0 : i32
    %dma_start3A_289 = arith.constant 0 : i32
    %dma_start3A_290 = tpu.memref_slice %arg3[%dma_start3A_288, %dma_start3A_289] : memref<100000x64xf32, #tpu.memory_space<hbm>> -> memref<100000x64xf32, #tpu.memory_space<hbm>>
    tpu.enqueue_indirect_dma source(%dma_start3A_290 : memref<100000x64xf32, #tpu.memory_space<hbm>>) target(%dma_start3A_285 : memref<128x64xf32, #tpu.memory_space<vmem>>) offsets(%dma_start3A_287 : memref<128xi32, #tpu.memory_space<vmem>>) semaphore(%arg9 : memref<!tpu.dma_semaphore, #tpu.memory_space<semaphore_mem>>)
    %dma_start3A_291 = arith.constant 384 : i32
    %dma_start3A_292 = arith.constant 0 : i32
    %dma_start3A_293 = tpu.memref_slice %arg7[%dma_start3A_291, %dma_start3A_292] : memref<640x64xf32, #tpu.memory_space<vmem>> -> memref<128x64xf32, #tpu.memory_space<vmem>>
    %dma_start3A_294 = arith.constant 2304 : i32
    %dma_start3A_295 = tpu.memref_slice %arg5[%dma_start3A_294] : memref<6400xi32, #tpu.memory_space<vmem>> -> memref<128xi32, #tpu.memory_space<vmem>>
    %dma_start3A_296 = arith.constant 0 : i32
    %dma_start3A_297 = arith.constant 0 : i32
    %dma_start3A_298 = tpu.memref_slice %arg3[%dma_start3A_296, %dma_start3A_297] : memref<100000x64xf32, #tpu.memory_space<hbm>> -> memref<100000x64xf32, #tpu.memory_space<hbm>>
    tpu.enqueue_indirect_dma source(%dma_start3A_298 : memref<100000x64xf32, #tpu.memory_space<hbm>>) target(%dma_start3A_293 : memref<128x64xf32, #tpu.memory_space<vmem>>) offsets(%dma_start3A_295 : memref<128xi32, #tpu.memory_space<vmem>>) semaphore(%arg9 : memref<!tpu.dma_semaphore, #tpu.memory_space<semaphore_mem>>)
    %dma_start3A_299 = arith.constant 512 : i32
    %dma_start3A_300 = arith.constant 0 : i32
    %dma_start3A_301 = tpu.memref_slice %arg7[%dma_start3A_299, %dma_start3A_300] : memref<640x64xf32, #tpu.memory_space<vmem>> -> memref<128x64xf32, #tpu.memory_space<vmem>>
    %dma_start3A_302 = arith.constant 2432 : i32
    %dma_start3A_303 = tpu.memref_slice %arg5[%dma_start3A_302] : memref<6400xi32, #tpu.memory_space<vmem>> -> memref<128xi32, #tpu.memory_space<vmem>>
    %dma_start3A_304 = arith.constant 0 : i32
    %dma_start3A_305 = arith.constant 0 : i32
    %dma_start3A_306 = tpu.memref_slice %arg3[%dma_start3A_304, %dma_start3A_305] : memref<100000x64xf32, #tpu.memory_space<hbm>> -> memref<100000x64xf32, #tpu.memory_space<hbm>>
    tpu.enqueue_indirect_dma source(%dma_start3A_306 : memref<100000x64xf32, #tpu.memory_space<hbm>>) target(%dma_start3A_301 : memref<128x64xf32, #tpu.memory_space<vmem>>) offsets(%dma_start3A_303 : memref<128xi32, #tpu.memory_space<vmem>>) semaphore(%arg9 : memref<!tpu.dma_semaphore, #tpu.memory_space<semaphore_mem>>)
    %dma_wait3A_307 = arith.constant 0 : i32
    %dma_wait3A_308 = arith.constant 0 : i32
    %dma_wait3A_309 = tpu.memref_slice %arg7[%dma_wait3A_307, %dma_wait3A_308] : memref<640x64xf32, #tpu.memory_space<vmem>> -> memref<128x64xf32, #tpu.memory_space<vmem>>
    %dma_wait3A_310 = arith.constant 1920 : i32
    %dma_wait3A_311 = tpu.memref_slice %arg5[%dma_wait3A_310] : memref<6400xi32, #tpu.memory_space<vmem>> -> memref<128xi32, #tpu.memory_space<vmem>>
    %dma_wait3A_312 = arith.constant 0 : i32
    %dma_wait3A_313 = arith.constant 0 : i32
    %dma_wait3A_314 = tpu.memref_slice %arg3[%dma_wait3A_312, %dma_wait3A_313] : memref<100000x64xf32, #tpu.memory_space<hbm>> -> memref<100000x64xf32, #tpu.memory_space<hbm>>
    tpu.wait_indirect_dma semaphore(%arg9 : memref<!tpu.dma_semaphore, #tpu.memory_space<semaphore_mem>>) src(%dma_wait3A_314 : memref<100000x64xf32, #tpu.memory_space<hbm>>) dst(%dma_wait3A_309 : memref<128x64xf32, #tpu.memory_space<vmem>>)
    %dma_wait3A_315 = arith.constant 128 : i32
    %dma_wait3A_316 = arith.constant 0 : i32
    %dma_wait3A_317 = tpu.memref_slice %arg7[%dma_wait3A_315, %dma_wait3A_316] : memref<640x64xf32, #tpu.memory_space<vmem>> -> memref<128x64xf32, #tpu.memory_space<vmem>>
    %dma_wait3A_318 = arith.constant 2048 : i32
    %dma_wait3A_319 = tpu.memref_slice %arg5[%dma_wait3A_318] : memref<6400xi32, #tpu.memory_space<vmem>> -> memref<128xi32, #tpu.memory_space<vmem>>
    %dma_wait3A_320 = arith.constant 0 : i32
    %dma_wait3A_321 = arith.constant 0 : i32
    %dma_wait3A_322 = tpu.memref_slice %arg3[%dma_wait3A_320, %dma_wait3A_321] : memref<100000x64xf32, #tpu.memory_space<hbm>> -> memref<100000x64xf32, #tpu.memory_space<hbm>>
    tpu.wait_indirect_dma semaphore(%arg9 : memref<!tpu.dma_semaphore, #tpu.memory_space<semaphore_mem>>) src(%dma_wait3A_322 : memref<100000x64xf32, #tpu.memory_space<hbm>>) dst(%dma_wait3A_317 : memref<128x64xf32, #tpu.memory_space<vmem>>)
    %dma_wait3A_323 = arith.constant 256 : i32
    %dma_wait3A_324 = arith.constant 0 : i32
    %dma_wait3A_325 = tpu.memref_slice %arg7[%dma_wait3A_323, %dma_wait3A_324] : memref<640x64xf32, #tpu.memory_space<vmem>> -> memref<128x64xf32, #tpu.memory_space<vmem>>
    %dma_wait3A_326 = arith.constant 2176 : i32
    %dma_wait3A_327 = tpu.memref_slice %arg5[%dma_wait3A_326] : memref<6400xi32, #tpu.memory_space<vmem>> -> memref<128xi32, #tpu.memory_space<vmem>>
    %dma_wait3A_328 = arith.constant 0 : i32
    %dma_wait3A_329 = arith.constant 0 : i32
    %dma_wait3A_330 = tpu.memref_slice %arg3[%dma_wait3A_328, %dma_wait3A_329] : memref<100000x64xf32, #tpu.memory_space<hbm>> -> memref<100000x64xf32, #tpu.memory_space<hbm>>
    tpu.wait_indirect_dma semaphore(%arg9 : memref<!tpu.dma_semaphore, #tpu.memory_space<semaphore_mem>>) src(%dma_wait3A_330 : memref<100000x64xf32, #tpu.memory_space<hbm>>) dst(%dma_wait3A_325 : memref<128x64xf32, #tpu.memory_space<vmem>>)
    %dma_wait3A_331 = arith.constant 384 : i32
    %dma_wait3A_332 = arith.constant 0 : i32
    %dma_wait3A_333 = tpu.memref_slice %arg7[%dma_wait3A_331, %dma_wait3A_332] : memref<640x64xf32, #tpu.memory_space<vmem>> -> memref<128x64xf32, #tpu.memory_space<vmem>>
    %dma_wait3A_334 = arith.constant 2304 : i32
    %dma_wait3A_335 = tpu.memref_slice %arg5[%dma_wait3A_334] : memref<6400xi32, #tpu.memory_space<vmem>> -> memref<128xi32, #tpu.memory_space<vmem>>
    %dma_wait3A_336 = arith.constant 0 : i32
    %dma_wait3A_337 = arith.constant 0 : i32
    %dma_wait3A_338 = tpu.memref_slice %arg3[%dma_wait3A_336, %dma_wait3A_337] : memref<100000x64xf32, #tpu.memory_space<hbm>> -> memref<100000x64xf32, #tpu.memory_space<hbm>>
    tpu.wait_indirect_dma semaphore(%arg9 : memref<!tpu.dma_semaphore, #tpu.memory_space<semaphore_mem>>) src(%dma_wait3A_338 : memref<100000x64xf32, #tpu.memory_space<hbm>>) dst(%dma_wait3A_333 : memref<128x64xf32, #tpu.memory_space<vmem>>)
    %dma_wait3A_339 = arith.constant 512 : i32
    %dma_wait3A_340 = arith.constant 0 : i32
    %dma_wait3A_341 = tpu.memref_slice %arg7[%dma_wait3A_339, %dma_wait3A_340] : memref<640x64xf32, #tpu.memory_space<vmem>> -> memref<128x64xf32, #tpu.memory_space<vmem>>
    %dma_wait3A_342 = arith.constant 2432 : i32
    %dma_wait3A_343 = tpu.memref_slice %arg5[%dma_wait3A_342] : memref<6400xi32, #tpu.memory_space<vmem>> -> memref<128xi32, #tpu.memory_space<vmem>>
    %dma_wait3A_344 = arith.constant 0 : i32
    %dma_wait3A_345 = arith.constant 0 : i32
    %dma_wait3A_346 = tpu.memref_slice %arg3[%dma_wait3A_344, %dma_wait3A_345] : memref<100000x64xf32, #tpu.memory_space<hbm>> -> memref<100000x64xf32, #tpu.memory_space<hbm>>
    tpu.wait_indirect_dma semaphore(%arg9 : memref<!tpu.dma_semaphore, #tpu.memory_space<semaphore_mem>>) src(%dma_wait3A_346 : memref<100000x64xf32, #tpu.memory_space<hbm>>) dst(%dma_wait3A_341 : memref<128x64xf32, #tpu.memory_space<vmem>>)
    %add3A_347 = arith.constant 1920 : i32
    %add3A_348 = arith.addi %mul3A_2, %add3A_347 : i32
    %dma_start3A_349 = arith.constant 0 : i32
    %dma_start3A_350 = tpu.memref_slice %arg4[%add3A_348, %dma_start3A_349] : memref<204800x64xf32, #tpu.memory_space<hbm>> -> memref<640x64xf32, #tpu.memory_space<hbm>>
    %dma_start3A_351 = arith.constant 0 : i32
    %dma_start3A_352 = tpu.memref_slice %arg4[%add3A_348, %dma_start3A_351] : memref<204800x64xf32, #tpu.memory_space<hbm>> -> memref<640x64xf32, #tpu.memory_space<hbm>>
    tpu.enqueue_dma source(%arg7 : memref<640x64xf32, #tpu.memory_space<vmem>>) target(%dma_start3A_352 : memref<640x64xf32, #tpu.memory_space<hbm>>) target_semaphore(%arg11 : memref<!tpu.dma_semaphore, #tpu.memory_space<semaphore_mem>>)
    %dma_wait3A_353 = arith.constant 0 : i32
    %dma_wait3A_354 = tpu.memref_slice %arg4[%add3A_258, %dma_wait3A_353] : memref<204800x64xf32, #tpu.memory_space<hbm>> -> memref<640x64xf32, #tpu.memory_space<hbm>>
    %dma_wait3A_355 = arith.constant 0 : i32
    %dma_wait3A_356 = tpu.memref_slice %arg4[%add3A_258, %dma_wait3A_355] : memref<204800x64xf32, #tpu.memory_space<hbm>> -> memref<640x64xf32, #tpu.memory_space<hbm>>
    tpu.wait_dma2 semaphore(%arg10 : memref<!tpu.dma_semaphore, #tpu.memory_space<semaphore_mem>>) src(%arg6 : memref<640x64xf32, #tpu.memory_space<vmem>>) dst(%dma_wait3A_356 : memref<640x64xf32, #tpu.memory_space<hbm>>)
    %dma_start3A_357 = arith.constant 0 : i32
    %dma_start3A_358 = arith.constant 0 : i32
    %dma_start3A_359 = tpu.memref_slice %arg6[%dma_start3A_357, %dma_start3A_358] : memref<640x64xf32, #tpu.memory_space<vmem>> -> memref<128x64xf32, #tpu.memory_space<vmem>>
    %dma_start3A_360 = arith.constant 2560 : i32
    %dma_start3A_361 = tpu.memref_slice %arg5[%dma_start3A_360] : memref<6400xi32, #tpu.memory_space<vmem>> -> memref<128xi32, #tpu.memory_space<vmem>>
    %dma_start3A_362 = arith.constant 0 : i32
    %dma_start3A_363 = arith.constant 0 : i32
    %dma_start3A_364 = tpu.memref_slice %arg3[%dma_start3A_362, %dma_start3A_363] : memref<100000x64xf32, #tpu.memory_space<hbm>> -> memref<100000x64xf32, #tpu.memory_space<hbm>>
    tpu.enqueue_indirect_dma source(%dma_start3A_364 : memref<100000x64xf32, #tpu.memory_space<hbm>>) target(%dma_start3A_359 : memref<128x64xf32, #tpu.memory_space<vmem>>) offsets(%dma_start3A_361 : memref<128xi32, #tpu.memory_space<vmem>>) semaphore(%arg8 : memref<!tpu.dma_semaphore, #tpu.memory_space<semaphore_mem>>)
    %dma_start3A_365 = arith.constant 128 : i32
    %dma_start3A_366 = arith.constant 0 : i32
    %dma_start3A_367 = tpu.memref_slice %arg6[%dma_start3A_365, %dma_start3A_366] : memref<640x64xf32, #tpu.memory_space<vmem>> -> memref<128x64xf32, #tpu.memory_space<vmem>>
    %dma_start3A_368 = arith.constant 2688 : i32
    %dma_start3A_369 = tpu.memref_slice %arg5[%dma_start3A_368] : memref<6400xi32, #tpu.memory_space<vmem>> -> memref<128xi32, #tpu.memory_space<vmem>>
    %dma_start3A_370 = arith.constant 0 : i32
    %dma_start3A_371 = arith.constant 0 : i32
    %dma_start3A_372 = tpu.memref_slice %arg3[%dma_start3A_370, %dma_start3A_371] : memref<100000x64xf32, #tpu.memory_space<hbm>> -> memref<100000x64xf32, #tpu.memory_space<hbm>>
    tpu.enqueue_indirect_dma source(%dma_start3A_372 : memref<100000x64xf32, #tpu.memory_space<hbm>>) target(%dma_start3A_367 : memref<128x64xf32, #tpu.memory_space<vmem>>) offsets(%dma_start3A_369 : memref<128xi32, #tpu.memory_space<vmem>>) semaphore(%arg8 : memref<!tpu.dma_semaphore, #tpu.memory_space<semaphore_mem>>)
    %dma_start3A_373 = arith.constant 256 : i32
    %dma_start3A_374 = arith.constant 0 : i32
    %dma_start3A_375 = tpu.memref_slice %arg6[%dma_start3A_373, %dma_start3A_374] : memref<640x64xf32, #tpu.memory_space<vmem>> -> memref<128x64xf32, #tpu.memory_space<vmem>>
    %dma_start3A_376 = arith.constant 2816 : i32
    %dma_start3A_377 = tpu.memref_slice %arg5[%dma_start3A_376] : memref<6400xi32, #tpu.memory_space<vmem>> -> memref<128xi32, #tpu.memory_space<vmem>>
    %dma_start3A_378 = arith.constant 0 : i32
    %dma_start3A_379 = arith.constant 0 : i32
    %dma_start3A_380 = tpu.memref_slice %arg3[%dma_start3A_378, %dma_start3A_379] : memref<100000x64xf32, #tpu.memory_space<hbm>> -> memref<100000x64xf32, #tpu.memory_space<hbm>>
    tpu.enqueue_indirect_dma source(%dma_start3A_380 : memref<100000x64xf32, #tpu.memory_space<hbm>>) target(%dma_start3A_375 : memref<128x64xf32, #tpu.memory_space<vmem>>) offsets(%dma_start3A_377 : memref<128xi32, #tpu.memory_space<vmem>>) semaphore(%arg8 : memref<!tpu.dma_semaphore, #tpu.memory_space<semaphore_mem>>)
    %dma_start3A_381 = arith.constant 384 : i32
    %dma_start3A_382 = arith.constant 0 : i32
    %dma_start3A_383 = tpu.memref_slice %arg6[%dma_start3A_381, %dma_start3A_382] : memref<640x64xf32, #tpu.memory_space<vmem>> -> memref<128x64xf32, #tpu.memory_space<vmem>>
    %dma_start3A_384 = arith.constant 2944 : i32
    %dma_start3A_385 = tpu.memref_slice %arg5[%dma_start3A_384] : memref<6400xi32, #tpu.memory_space<vmem>> -> memref<128xi32, #tpu.memory_space<vmem>>
    %dma_start3A_386 = arith.constant 0 : i32
    %dma_start3A_387 = arith.constant 0 : i32
    %dma_start3A_388 = tpu.memref_slice %arg3[%dma_start3A_386, %dma_start3A_387] : memref<100000x64xf32, #tpu.memory_space<hbm>> -> memref<100000x64xf32, #tpu.memory_space<hbm>>
    tpu.enqueue_indirect_dma source(%dma_start3A_388 : memref<100000x64xf32, #tpu.memory_space<hbm>>) target(%dma_start3A_383 : memref<128x64xf32, #tpu.memory_space<vmem>>) offsets(%dma_start3A_385 : memref<128xi32, #tpu.memory_space<vmem>>) semaphore(%arg8 : memref<!tpu.dma_semaphore, #tpu.memory_space<semaphore_mem>>)
    %dma_start3A_389 = arith.constant 512 : i32
    %dma_start3A_390 = arith.constant 0 : i32
    %dma_start3A_391 = tpu.memref_slice %arg6[%dma_start3A_389, %dma_start3A_390] : memref<640x64xf32, #tpu.memory_space<vmem>> -> memref<128x64xf32, #tpu.memory_space<vmem>>
    %dma_start3A_392 = arith.constant 3072 : i32
    %dma_start3A_393 = tpu.memref_slice %arg5[%dma_start3A_392] : memref<6400xi32, #tpu.memory_space<vmem>> -> memref<128xi32, #tpu.memory_space<vmem>>
    %dma_start3A_394 = arith.constant 0 : i32
    %dma_start3A_395 = arith.constant 0 : i32
    %dma_start3A_396 = tpu.memref_slice %arg3[%dma_start3A_394, %dma_start3A_395] : memref<100000x64xf32, #tpu.memory_space<hbm>> -> memref<100000x64xf32, #tpu.memory_space<hbm>>
    tpu.enqueue_indirect_dma source(%dma_start3A_396 : memref<100000x64xf32, #tpu.memory_space<hbm>>) target(%dma_start3A_391 : memref<128x64xf32, #tpu.memory_space<vmem>>) offsets(%dma_start3A_393 : memref<128xi32, #tpu.memory_space<vmem>>) semaphore(%arg8 : memref<!tpu.dma_semaphore, #tpu.memory_space<semaphore_mem>>)
    %dma_wait3A_397 = arith.constant 0 : i32
    %dma_wait3A_398 = arith.constant 0 : i32
    %dma_wait3A_399 = tpu.memref_slice %arg6[%dma_wait3A_397, %dma_wait3A_398] : memref<640x64xf32, #tpu.memory_space<vmem>> -> memref<128x64xf32, #tpu.memory_space<vmem>>
    %dma_wait3A_400 = arith.constant 2560 : i32
    %dma_wait3A_401 = tpu.memref_slice %arg5[%dma_wait3A_400] : memref<6400xi32, #tpu.memory_space<vmem>> -> memref<128xi32, #tpu.memory_space<vmem>>
    %dma_wait3A_402 = arith.constant 0 : i32
    %dma_wait3A_403 = arith.constant 0 : i32
    %dma_wait3A_404 = tpu.memref_slice %arg3[%dma_wait3A_402, %dma_wait3A_403] : memref<100000x64xf32, #tpu.memory_space<hbm>> -> memref<100000x64xf32, #tpu.memory_space<hbm>>
    tpu.wait_indirect_dma semaphore(%arg8 : memref<!tpu.dma_semaphore, #tpu.memory_space<semaphore_mem>>) src(%dma_wait3A_404 : memref<100000x64xf32, #tpu.memory_space<hbm>>) dst(%dma_wait3A_399 : memref<128x64xf32, #tpu.memory_space<vmem>>)
    %dma_wait3A_405 = arith.constant 128 : i32
    %dma_wait3A_406 = arith.constant 0 : i32
    %dma_wait3A_407 = tpu.memref_slice %arg6[%dma_wait3A_405, %dma_wait3A_406] : memref<640x64xf32, #tpu.memory_space<vmem>> -> memref<128x64xf32, #tpu.memory_space<vmem>>
    %dma_wait3A_408 = arith.constant 2688 : i32
    %dma_wait3A_409 = tpu.memref_slice %arg5[%dma_wait3A_408] : memref<6400xi32, #tpu.memory_space<vmem>> -> memref<128xi32, #tpu.memory_space<vmem>>
    %dma_wait3A_410 = arith.constant 0 : i32
    %dma_wait3A_411 = arith.constant 0 : i32
    %dma_wait3A_412 = tpu.memref_slice %arg3[%dma_wait3A_410, %dma_wait3A_411] : memref<100000x64xf32, #tpu.memory_space<hbm>> -> memref<100000x64xf32, #tpu.memory_space<hbm>>
    tpu.wait_indirect_dma semaphore(%arg8 : memref<!tpu.dma_semaphore, #tpu.memory_space<semaphore_mem>>) src(%dma_wait3A_412 : memref<100000x64xf32, #tpu.memory_space<hbm>>) dst(%dma_wait3A_407 : memref<128x64xf32, #tpu.memory_space<vmem>>)
    %dma_wait3A_413 = arith.constant 256 : i32
    %dma_wait3A_414 = arith.constant 0 : i32
    %dma_wait3A_415 = tpu.memref_slice %arg6[%dma_wait3A_413, %dma_wait3A_414] : memref<640x64xf32, #tpu.memory_space<vmem>> -> memref<128x64xf32, #tpu.memory_space<vmem>>
    %dma_wait3A_416 = arith.constant 2816 : i32
    %dma_wait3A_417 = tpu.memref_slice %arg5[%dma_wait3A_416] : memref<6400xi32, #tpu.memory_space<vmem>> -> memref<128xi32, #tpu.memory_space<vmem>>
    %dma_wait3A_418 = arith.constant 0 : i32
    %dma_wait3A_419 = arith.constant 0 : i32
    %dma_wait3A_420 = tpu.memref_slice %arg3[%dma_wait3A_418, %dma_wait3A_419] : memref<100000x64xf32, #tpu.memory_space<hbm>> -> memref<100000x64xf32, #tpu.memory_space<hbm>>
    tpu.wait_indirect_dma semaphore(%arg8 : memref<!tpu.dma_semaphore, #tpu.memory_space<semaphore_mem>>) src(%dma_wait3A_420 : memref<100000x64xf32, #tpu.memory_space<hbm>>) dst(%dma_wait3A_415 : memref<128x64xf32, #tpu.memory_space<vmem>>)
    %dma_wait3A_421 = arith.constant 384 : i32
    %dma_wait3A_422 = arith.constant 0 : i32
    %dma_wait3A_423 = tpu.memref_slice %arg6[%dma_wait3A_421, %dma_wait3A_422] : memref<640x64xf32, #tpu.memory_space<vmem>> -> memref<128x64xf32, #tpu.memory_space<vmem>>
    %dma_wait3A_424 = arith.constant 2944 : i32
    %dma_wait3A_425 = tpu.memref_slice %arg5[%dma_wait3A_424] : memref<6400xi32, #tpu.memory_space<vmem>> -> memref<128xi32, #tpu.memory_space<vmem>>
    %dma_wait3A_426 = arith.constant 0 : i32
    %dma_wait3A_427 = arith.constant 0 : i32
    %dma_wait3A_428 = tpu.memref_slice %arg3[%dma_wait3A_426, %dma_wait3A_427] : memref<100000x64xf32, #tpu.memory_space<hbm>> -> memref<100000x64xf32, #tpu.memory_space<hbm>>
    tpu.wait_indirect_dma semaphore(%arg8 : memref<!tpu.dma_semaphore, #tpu.memory_space<semaphore_mem>>) src(%dma_wait3A_428 : memref<100000x64xf32, #tpu.memory_space<hbm>>) dst(%dma_wait3A_423 : memref<128x64xf32, #tpu.memory_space<vmem>>)
    %dma_wait3A_429 = arith.constant 512 : i32
    %dma_wait3A_430 = arith.constant 0 : i32
    %dma_wait3A_431 = tpu.memref_slice %arg6[%dma_wait3A_429, %dma_wait3A_430] : memref<640x64xf32, #tpu.memory_space<vmem>> -> memref<128x64xf32, #tpu.memory_space<vmem>>
    %dma_wait3A_432 = arith.constant 3072 : i32
    %dma_wait3A_433 = tpu.memref_slice %arg5[%dma_wait3A_432] : memref<6400xi32, #tpu.memory_space<vmem>> -> memref<128xi32, #tpu.memory_space<vmem>>
    %dma_wait3A_434 = arith.constant 0 : i32
    %dma_wait3A_435 = arith.constant 0 : i32
    %dma_wait3A_436 = tpu.memref_slice %arg3[%dma_wait3A_434, %dma_wait3A_435] : memref<100000x64xf32, #tpu.memory_space<hbm>> -> memref<100000x64xf32, #tpu.memory_space<hbm>>
    tpu.wait_indirect_dma semaphore(%arg8 : memref<!tpu.dma_semaphore, #tpu.memory_space<semaphore_mem>>) src(%dma_wait3A_436 : memref<100000x64xf32, #tpu.memory_space<hbm>>) dst(%dma_wait3A_431 : memref<128x64xf32, #tpu.memory_space<vmem>>)
    %add3A_437 = arith.constant 2560 : i32
    %add3A_438 = arith.addi %mul3A_2, %add3A_437 : i32
    %dma_start3A_439 = arith.constant 0 : i32
    %dma_start3A_440 = tpu.memref_slice %arg4[%add3A_438, %dma_start3A_439] : memref<204800x64xf32, #tpu.memory_space<hbm>> -> memref<640x64xf32, #tpu.memory_space<hbm>>
    %dma_start3A_441 = arith.constant 0 : i32
    %dma_start3A_442 = tpu.memref_slice %arg4[%add3A_438, %dma_start3A_441] : memref<204800x64xf32, #tpu.memory_space<hbm>> -> memref<640x64xf32, #tpu.memory_space<hbm>>
    tpu.enqueue_dma source(%arg6 : memref<640x64xf32, #tpu.memory_space<vmem>>) target(%dma_start3A_442 : memref<640x64xf32, #tpu.memory_space<hbm>>) target_semaphore(%arg10 : memref<!tpu.dma_semaphore, #tpu.memory_space<semaphore_mem>>)
    %dma_wait3A_443 = arith.constant 0 : i32
    %dma_wait3A_444 = tpu.memref_slice %arg4[%add3A_348, %dma_wait3A_443] : memref<204800x64xf32, #tpu.memory_space<hbm>> -> memref<640x64xf32, #tpu.memory_space<hbm>>
    %dma_wait3A_445 = arith.constant 0 : i32
    %dma_wait3A_446 = tpu.memref_slice %arg4[%add3A_348, %dma_wait3A_445] : memref<204800x64xf32, #tpu.memory_space<hbm>> -> memref<640x64xf32, #tpu.memory_space<hbm>>
    tpu.wait_dma2 semaphore(%arg11 : memref<!tpu.dma_semaphore, #tpu.memory_space<semaphore_mem>>) src(%arg7 : memref<640x64xf32, #tpu.memory_space<vmem>>) dst(%dma_wait3A_446 : memref<640x64xf32, #tpu.memory_space<hbm>>)
    %dma_start3A_447 = arith.constant 0 : i32
    %dma_start3A_448 = arith.constant 0 : i32
    %dma_start3A_449 = tpu.memref_slice %arg7[%dma_start3A_447, %dma_start3A_448] : memref<640x64xf32, #tpu.memory_space<vmem>> -> memref<128x64xf32, #tpu.memory_space<vmem>>
    %dma_start3A_450 = arith.constant 3200 : i32
    %dma_start3A_451 = tpu.memref_slice %arg5[%dma_start3A_450] : memref<6400xi32, #tpu.memory_space<vmem>> -> memref<128xi32, #tpu.memory_space<vmem>>
    %dma_start3A_452 = arith.constant 0 : i32
    %dma_start3A_453 = arith.constant 0 : i32
    %dma_start3A_454 = tpu.memref_slice %arg3[%dma_start3A_452, %dma_start3A_453] : memref<100000x64xf32, #tpu.memory_space<hbm>> -> memref<100000x64xf32, #tpu.memory_space<hbm>>
    tpu.enqueue_indirect_dma source(%dma_start3A_454 : memref<100000x64xf32, #tpu.memory_space<hbm>>) target(%dma_start3A_449 : memref<128x64xf32, #tpu.memory_space<vmem>>) offsets(%dma_start3A_451 : memref<128xi32, #tpu.memory_space<vmem>>) semaphore(%arg9 : memref<!tpu.dma_semaphore, #tpu.memory_space<semaphore_mem>>)
    %dma_start3A_455 = arith.constant 128 : i32
    %dma_start3A_456 = arith.constant 0 : i32
    %dma_start3A_457 = tpu.memref_slice %arg7[%dma_start3A_455, %dma_start3A_456] : memref<640x64xf32, #tpu.memory_space<vmem>> -> memref<128x64xf32, #tpu.memory_space<vmem>>
    %dma_start3A_458 = arith.constant 3328 : i32
    %dma_start3A_459 = tpu.memref_slice %arg5[%dma_start3A_458] : memref<6400xi32, #tpu.memory_space<vmem>> -> memref<128xi32, #tpu.memory_space<vmem>>
    %dma_start3A_460 = arith.constant 0 : i32
    %dma_start3A_461 = arith.constant 0 : i32
    %dma_start3A_462 = tpu.memref_slice %arg3[%dma_start3A_460, %dma_start3A_461] : memref<100000x64xf32, #tpu.memory_space<hbm>> -> memref<100000x64xf32, #tpu.memory_space<hbm>>
    tpu.enqueue_indirect_dma source(%dma_start3A_462 : memref<100000x64xf32, #tpu.memory_space<hbm>>) target(%dma_start3A_457 : memref<128x64xf32, #tpu.memory_space<vmem>>) offsets(%dma_start3A_459 : memref<128xi32, #tpu.memory_space<vmem>>) semaphore(%arg9 : memref<!tpu.dma_semaphore, #tpu.memory_space<semaphore_mem>>)
    %dma_start3A_463 = arith.constant 256 : i32
    %dma_start3A_464 = arith.constant 0 : i32
    %dma_start3A_465 = tpu.memref_slice %arg7[%dma_start3A_463, %dma_start3A_464] : memref<640x64xf32, #tpu.memory_space<vmem>> -> memref<128x64xf32, #tpu.memory_space<vmem>>
    %dma_start3A_466 = arith.constant 3456 : i32
    %dma_start3A_467 = tpu.memref_slice %arg5[%dma_start3A_466] : memref<6400xi32, #tpu.memory_space<vmem>> -> memref<128xi32, #tpu.memory_space<vmem>>
    %dma_start3A_468 = arith.constant 0 : i32
    %dma_start3A_469 = arith.constant 0 : i32
    %dma_start3A_470 = tpu.memref_slice %arg3[%dma_start3A_468, %dma_start3A_469] : memref<100000x64xf32, #tpu.memory_space<hbm>> -> memref<100000x64xf32, #tpu.memory_space<hbm>>
    tpu.enqueue_indirect_dma source(%dma_start3A_470 : memref<100000x64xf32, #tpu.memory_space<hbm>>) target(%dma_start3A_465 : memref<128x64xf32, #tpu.memory_space<vmem>>) offsets(%dma_start3A_467 : memref<128xi32, #tpu.memory_space<vmem>>) semaphore(%arg9 : memref<!tpu.dma_semaphore, #tpu.memory_space<semaphore_mem>>)
    %dma_start3A_471 = arith.constant 384 : i32
    %dma_start3A_472 = arith.constant 0 : i32
    %dma_start3A_473 = tpu.memref_slice %arg7[%dma_start3A_471, %dma_start3A_472] : memref<640x64xf32, #tpu.memory_space<vmem>> -> memref<128x64xf32, #tpu.memory_space<vmem>>
    %dma_start3A_474 = arith.constant 3584 : i32
    %dma_start3A_475 = tpu.memref_slice %arg5[%dma_start3A_474] : memref<6400xi32, #tpu.memory_space<vmem>> -> memref<128xi32, #tpu.memory_space<vmem>>
    %dma_start3A_476 = arith.constant 0 : i32
    %dma_start3A_477 = arith.constant 0 : i32
    %dma_start3A_478 = tpu.memref_slice %arg3[%dma_start3A_476, %dma_start3A_477] : memref<100000x64xf32, #tpu.memory_space<hbm>> -> memref<100000x64xf32, #tpu.memory_space<hbm>>
    tpu.enqueue_indirect_dma source(%dma_start3A_478 : memref<100000x64xf32, #tpu.memory_space<hbm>>) target(%dma_start3A_473 : memref<128x64xf32, #tpu.memory_space<vmem>>) offsets(%dma_start3A_475 : memref<128xi32, #tpu.memory_space<vmem>>) semaphore(%arg9 : memref<!tpu.dma_semaphore, #tpu.memory_space<semaphore_mem>>)
    %dma_start3A_479 = arith.constant 512 : i32
    %dma_start3A_480 = arith.constant 0 : i32
    %dma_start3A_481 = tpu.memref_slice %arg7[%dma_start3A_479, %dma_start3A_480] : memref<640x64xf32, #tpu.memory_space<vmem>> -> memref<128x64xf32, #tpu.memory_space<vmem>>
    %dma_start3A_482 = arith.constant 3712 : i32
    %dma_start3A_483 = tpu.memref_slice %arg5[%dma_start3A_482] : memref<6400xi32, #tpu.memory_space<vmem>> -> memref<128xi32, #tpu.memory_space<vmem>>
    %dma_start3A_484 = arith.constant 0 : i32
    %dma_start3A_485 = arith.constant 0 : i32
    %dma_start3A_486 = tpu.memref_slice %arg3[%dma_start3A_484, %dma_start3A_485] : memref<100000x64xf32, #tpu.memory_space<hbm>> -> memref<100000x64xf32, #tpu.memory_space<hbm>>
    tpu.enqueue_indirect_dma source(%dma_start3A_486 : memref<100000x64xf32, #tpu.memory_space<hbm>>) target(%dma_start3A_481 : memref<128x64xf32, #tpu.memory_space<vmem>>) offsets(%dma_start3A_483 : memref<128xi32, #tpu.memory_space<vmem>>) semaphore(%arg9 : memref<!tpu.dma_semaphore, #tpu.memory_space<semaphore_mem>>)
    %dma_wait3A_487 = arith.constant 0 : i32
    %dma_wait3A_488 = arith.constant 0 : i32
    %dma_wait3A_489 = tpu.memref_slice %arg7[%dma_wait3A_487, %dma_wait3A_488] : memref<640x64xf32, #tpu.memory_space<vmem>> -> memref<128x64xf32, #tpu.memory_space<vmem>>
    %dma_wait3A_490 = arith.constant 3200 : i32
    %dma_wait3A_491 = tpu.memref_slice %arg5[%dma_wait3A_490] : memref<6400xi32, #tpu.memory_space<vmem>> -> memref<128xi32, #tpu.memory_space<vmem>>
    %dma_wait3A_492 = arith.constant 0 : i32
    %dma_wait3A_493 = arith.constant 0 : i32
    %dma_wait3A_494 = tpu.memref_slice %arg3[%dma_wait3A_492, %dma_wait3A_493] : memref<100000x64xf32, #tpu.memory_space<hbm>> -> memref<100000x64xf32, #tpu.memory_space<hbm>>
    tpu.wait_indirect_dma semaphore(%arg9 : memref<!tpu.dma_semaphore, #tpu.memory_space<semaphore_mem>>) src(%dma_wait3A_494 : memref<100000x64xf32, #tpu.memory_space<hbm>>) dst(%dma_wait3A_489 : memref<128x64xf32, #tpu.memory_space<vmem>>)
    %dma_wait3A_495 = arith.constant 128 : i32
    %dma_wait3A_496 = arith.constant 0 : i32
    %dma_wait3A_497 = tpu.memref_slice %arg7[%dma_wait3A_495, %dma_wait3A_496] : memref<640x64xf32, #tpu.memory_space<vmem>> -> memref<128x64xf32, #tpu.memory_space<vmem>>
    %dma_wait3A_498 = arith.constant 3328 : i32
    %dma_wait3A_499 = tpu.memref_slice %arg5[%dma_wait3A_498] : memref<6400xi32, #tpu.memory_space<vmem>> -> memref<128xi32, #tpu.memory_space<vmem>>
    %dma_wait3A_500 = arith.constant 0 : i32
    %dma_wait3A_501 = arith.constant 0 : i32
    %dma_wait3A_502 = tpu.memref_slice %arg3[%dma_wait3A_500, %dma_wait3A_501] : memref<100000x64xf32, #tpu.memory_space<hbm>> -> memref<100000x64xf32, #tpu.memory_space<hbm>>
    tpu.wait_indirect_dma semaphore(%arg9 : memref<!tpu.dma_semaphore, #tpu.memory_space<semaphore_mem>>) src(%dma_wait3A_502 : memref<100000x64xf32, #tpu.memory_space<hbm>>) dst(%dma_wait3A_497 : memref<128x64xf32, #tpu.memory_space<vmem>>)
    %dma_wait3A_503 = arith.constant 256 : i32
    %dma_wait3A_504 = arith.constant 0 : i32
    %dma_wait3A_505 = tpu.memref_slice %arg7[%dma_wait3A_503, %dma_wait3A_504] : memref<640x64xf32, #tpu.memory_space<vmem>> -> memref<128x64xf32, #tpu.memory_space<vmem>>
    %dma_wait3A_506 = arith.constant 3456 : i32
    %dma_wait3A_507 = tpu.memref_slice %arg5[%dma_wait3A_506] : memref<6400xi32, #tpu.memory_space<vmem>> -> memref<128xi32, #tpu.memory_space<vmem>>
    %dma_wait3A_508 = arith.constant 0 : i32
    %dma_wait3A_509 = arith.constant 0 : i32
    %dma_wait3A_510 = tpu.memref_slice %arg3[%dma_wait3A_508, %dma_wait3A_509] : memref<100000x64xf32, #tpu.memory_space<hbm>> -> memref<100000x64xf32, #tpu.memory_space<hbm>>
    tpu.wait_indirect_dma semaphore(%arg9 : memref<!tpu.dma_semaphore, #tpu.memory_space<semaphore_mem>>) src(%dma_wait3A_510 : memref<100000x64xf32, #tpu.memory_space<hbm>>) dst(%dma_wait3A_505 : memref<128x64xf32, #tpu.memory_space<vmem>>)
    %dma_wait3A_511 = arith.constant 384 : i32
    %dma_wait3A_512 = arith.constant 0 : i32
    %dma_wait3A_513 = tpu.memref_slice %arg7[%dma_wait3A_511, %dma_wait3A_512] : memref<640x64xf32, #tpu.memory_space<vmem>> -> memref<128x64xf32, #tpu.memory_space<vmem>>
    %dma_wait3A_514 = arith.constant 3584 : i32
    %dma_wait3A_515 = tpu.memref_slice %arg5[%dma_wait3A_514] : memref<6400xi32, #tpu.memory_space<vmem>> -> memref<128xi32, #tpu.memory_space<vmem>>
    %dma_wait3A_516 = arith.constant 0 : i32
    %dma_wait3A_517 = arith.constant 0 : i32
    %dma_wait3A_518 = tpu.memref_slice %arg3[%dma_wait3A_516, %dma_wait3A_517] : memref<100000x64xf32, #tpu.memory_space<hbm>> -> memref<100000x64xf32, #tpu.memory_space<hbm>>
    tpu.wait_indirect_dma semaphore(%arg9 : memref<!tpu.dma_semaphore, #tpu.memory_space<semaphore_mem>>) src(%dma_wait3A_518 : memref<100000x64xf32, #tpu.memory_space<hbm>>) dst(%dma_wait3A_513 : memref<128x64xf32, #tpu.memory_space<vmem>>)
    %dma_wait3A_519 = arith.constant 512 : i32
    %dma_wait3A_520 = arith.constant 0 : i32
    %dma_wait3A_521 = tpu.memref_slice %arg7[%dma_wait3A_519, %dma_wait3A_520] : memref<640x64xf32, #tpu.memory_space<vmem>> -> memref<128x64xf32, #tpu.memory_space<vmem>>
    %dma_wait3A_522 = arith.constant 3712 : i32
    %dma_wait3A_523 = tpu.memref_slice %arg5[%dma_wait3A_522] : memref<6400xi32, #tpu.memory_space<vmem>> -> memref<128xi32, #tpu.memory_space<vmem>>
    %dma_wait3A_524 = arith.constant 0 : i32
    %dma_wait3A_525 = arith.constant 0 : i32
    %dma_wait3A_526 = tpu.memref_slice %arg3[%dma_wait3A_524, %dma_wait3A_525] : memref<100000x64xf32, #tpu.memory_space<hbm>> -> memref<100000x64xf32, #tpu.memory_space<hbm>>
    tpu.wait_indirect_dma semaphore(%arg9 : memref<!tpu.dma_semaphore, #tpu.memory_space<semaphore_mem>>) src(%dma_wait3A_526 : memref<100000x64xf32, #tpu.memory_space<hbm>>) dst(%dma_wait3A_521 : memref<128x64xf32, #tpu.memory_space<vmem>>)
    %add3A_527 = arith.constant 3200 : i32
    %add3A_528 = arith.addi %mul3A_2, %add3A_527 : i32
    %dma_start3A_529 = arith.constant 0 : i32
    %dma_start3A_530 = tpu.memref_slice %arg4[%add3A_528, %dma_start3A_529] : memref<204800x64xf32, #tpu.memory_space<hbm>> -> memref<640x64xf32, #tpu.memory_space<hbm>>
    %dma_start3A_531 = arith.constant 0 : i32
    %dma_start3A_532 = tpu.memref_slice %arg4[%add3A_528, %dma_start3A_531] : memref<204800x64xf32, #tpu.memory_space<hbm>> -> memref<640x64xf32, #tpu.memory_space<hbm>>
    tpu.enqueue_dma source(%arg7 : memref<640x64xf32, #tpu.memory_space<vmem>>) target(%dma_start3A_532 : memref<640x64xf32, #tpu.memory_space<hbm>>) target_semaphore(%arg11 : memref<!tpu.dma_semaphore, #tpu.memory_space<semaphore_mem>>)
    %dma_wait3A_533 = arith.constant 0 : i32
    %dma_wait3A_534 = tpu.memref_slice %arg4[%add3A_438, %dma_wait3A_533] : memref<204800x64xf32, #tpu.memory_space<hbm>> -> memref<640x64xf32, #tpu.memory_space<hbm>>
    %dma_wait3A_535 = arith.constant 0 : i32
    %dma_wait3A_536 = tpu.memref_slice %arg4[%add3A_438, %dma_wait3A_535] : memref<204800x64xf32, #tpu.memory_space<hbm>> -> memref<640x64xf32, #tpu.memory_space<hbm>>
    tpu.wait_dma2 semaphore(%arg10 : memref<!tpu.dma_semaphore, #tpu.memory_space<semaphore_mem>>) src(%arg6 : memref<640x64xf32, #tpu.memory_space<vmem>>) dst(%dma_wait3A_536 : memref<640x64xf32, #tpu.memory_space<hbm>>)
    %dma_start3A_537 = arith.constant 0 : i32
    %dma_start3A_538 = arith.constant 0 : i32
    %dma_start3A_539 = tpu.memref_slice %arg6[%dma_start3A_537, %dma_start3A_538] : memref<640x64xf32, #tpu.memory_space<vmem>> -> memref<128x64xf32, #tpu.memory_space<vmem>>
    %dma_start3A_540 = arith.constant 3840 : i32
    %dma_start3A_541 = tpu.memref_slice %arg5[%dma_start3A_540] : memref<6400xi32, #tpu.memory_space<vmem>> -> memref<128xi32, #tpu.memory_space<vmem>>
    %dma_start3A_542 = arith.constant 0 : i32
    %dma_start3A_543 = arith.constant 0 : i32
    %dma_start3A_544 = tpu.memref_slice %arg3[%dma_start3A_542, %dma_start3A_543] : memref<100000x64xf32, #tpu.memory_space<hbm>> -> memref<100000x64xf32, #tpu.memory_space<hbm>>
    tpu.enqueue_indirect_dma source(%dma_start3A_544 : memref<100000x64xf32, #tpu.memory_space<hbm>>) target(%dma_start3A_539 : memref<128x64xf32, #tpu.memory_space<vmem>>) offsets(%dma_start3A_541 : memref<128xi32, #tpu.memory_space<vmem>>) semaphore(%arg8 : memref<!tpu.dma_semaphore, #tpu.memory_space<semaphore_mem>>)
    %dma_start3A_545 = arith.constant 128 : i32
    %dma_start3A_546 = arith.constant 0 : i32
    %dma_start3A_547 = tpu.memref_slice %arg6[%dma_start3A_545, %dma_start3A_546] : memref<640x64xf32, #tpu.memory_space<vmem>> -> memref<128x64xf32, #tpu.memory_space<vmem>>
    %dma_start3A_548 = arith.constant 3968 : i32
    %dma_start3A_549 = tpu.memref_slice %arg5[%dma_start3A_548] : memref<6400xi32, #tpu.memory_space<vmem>> -> memref<128xi32, #tpu.memory_space<vmem>>
    %dma_start3A_550 = arith.constant 0 : i32
    %dma_start3A_551 = arith.constant 0 : i32
    %dma_start3A_552 = tpu.memref_slice %arg3[%dma_start3A_550, %dma_start3A_551] : memref<100000x64xf32, #tpu.memory_space<hbm>> -> memref<100000x64xf32, #tpu.memory_space<hbm>>
    tpu.enqueue_indirect_dma source(%dma_start3A_552 : memref<100000x64xf32, #tpu.memory_space<hbm>>) target(%dma_start3A_547 : memref<128x64xf32, #tpu.memory_space<vmem>>) offsets(%dma_start3A_549 : memref<128xi32, #tpu.memory_space<vmem>>) semaphore(%arg8 : memref<!tpu.dma_semaphore, #tpu.memory_space<semaphore_mem>>)
    %dma_start3A_553 = arith.constant 256 : i32
    %dma_start3A_554 = arith.constant 0 : i32
    %dma_start3A_555 = tpu.memref_slice %arg6[%dma_start3A_553, %dma_start3A_554] : memref<640x64xf32, #tpu.memory_space<vmem>> -> memref<128x64xf32, #tpu.memory_space<vmem>>
    %dma_start3A_556 = arith.constant 4096 : i32
    %dma_start3A_557 = tpu.memref_slice %arg5[%dma_start3A_556] : memref<6400xi32, #tpu.memory_space<vmem>> -> memref<128xi32, #tpu.memory_space<vmem>>
    %dma_start3A_558 = arith.constant 0 : i32
    %dma_start3A_559 = arith.constant 0 : i32
    %dma_start3A_560 = tpu.memref_slice %arg3[%dma_start3A_558, %dma_start3A_559] : memref<100000x64xf32, #tpu.memory_space<hbm>> -> memref<100000x64xf32, #tpu.memory_space<hbm>>
    tpu.enqueue_indirect_dma source(%dma_start3A_560 : memref<100000x64xf32, #tpu.memory_space<hbm>>) target(%dma_start3A_555 : memref<128x64xf32, #tpu.memory_space<vmem>>) offsets(%dma_start3A_557 : memref<128xi32, #tpu.memory_space<vmem>>) semaphore(%arg8 : memref<!tpu.dma_semaphore, #tpu.memory_space<semaphore_mem>>)
    %dma_start3A_561 = arith.constant 384 : i32
    %dma_start3A_562 = arith.constant 0 : i32
    %dma_start3A_563 = tpu.memref_slice %arg6[%dma_start3A_561, %dma_start3A_562] : memref<640x64xf32, #tpu.memory_space<vmem>> -> memref<128x64xf32, #tpu.memory_space<vmem>>
    %dma_start3A_564 = arith.constant 4224 : i32
    %dma_start3A_565 = tpu.memref_slice %arg5[%dma_start3A_564] : memref<6400xi32, #tpu.memory_space<vmem>> -> memref<128xi32, #tpu.memory_space<vmem>>
    %dma_start3A_566 = arith.constant 0 : i32
    %dma_start3A_567 = arith.constant 0 : i32
    %dma_start3A_568 = tpu.memref_slice %arg3[%dma_start3A_566, %dma_start3A_567] : memref<100000x64xf32, #tpu.memory_space<hbm>> -> memref<100000x64xf32, #tpu.memory_space<hbm>>
    tpu.enqueue_indirect_dma source(%dma_start3A_568 : memref<100000x64xf32, #tpu.memory_space<hbm>>) target(%dma_start3A_563 : memref<128x64xf32, #tpu.memory_space<vmem>>) offsets(%dma_start3A_565 : memref<128xi32, #tpu.memory_space<vmem>>) semaphore(%arg8 : memref<!tpu.dma_semaphore, #tpu.memory_space<semaphore_mem>>)
    %dma_start3A_569 = arith.constant 512 : i32
    %dma_start3A_570 = arith.constant 0 : i32
    %dma_start3A_571 = tpu.memref_slice %arg6[%dma_start3A_569, %dma_start3A_570] : memref<640x64xf32, #tpu.memory_space<vmem>> -> memref<128x64xf32, #tpu.memory_space<vmem>>
    %dma_start3A_572 = arith.constant 4352 : i32
    %dma_start3A_573 = tpu.memref_slice %arg5[%dma_start3A_572] : memref<6400xi32, #tpu.memory_space<vmem>> -> memref<128xi32, #tpu.memory_space<vmem>>
    %dma_start3A_574 = arith.constant 0 : i32
    %dma_start3A_575 = arith.constant 0 : i32
    %dma_start3A_576 = tpu.memref_slice %arg3[%dma_start3A_574, %dma_start3A_575] : memref<100000x64xf32, #tpu.memory_space<hbm>> -> memref<100000x64xf32, #tpu.memory_space<hbm>>
    tpu.enqueue_indirect_dma source(%dma_start3A_576 : memref<100000x64xf32, #tpu.memory_space<hbm>>) target(%dma_start3A_571 : memref<128x64xf32, #tpu.memory_space<vmem>>) offsets(%dma_start3A_573 : memref<128xi32, #tpu.memory_space<vmem>>) semaphore(%arg8 : memref<!tpu.dma_semaphore, #tpu.memory_space<semaphore_mem>>)
    %dma_wait3A_577 = arith.constant 0 : i32
    %dma_wait3A_578 = arith.constant 0 : i32
    %dma_wait3A_579 = tpu.memref_slice %arg6[%dma_wait3A_577, %dma_wait3A_578] : memref<640x64xf32, #tpu.memory_space<vmem>> -> memref<128x64xf32, #tpu.memory_space<vmem>>
    %dma_wait3A_580 = arith.constant 3840 : i32
    %dma_wait3A_581 = tpu.memref_slice %arg5[%dma_wait3A_580] : memref<6400xi32, #tpu.memory_space<vmem>> -> memref<128xi32, #tpu.memory_space<vmem>>
    %dma_wait3A_582 = arith.constant 0 : i32
    %dma_wait3A_583 = arith.constant 0 : i32
    %dma_wait3A_584 = tpu.memref_slice %arg3[%dma_wait3A_582, %dma_wait3A_583] : memref<100000x64xf32, #tpu.memory_space<hbm>> -> memref<100000x64xf32, #tpu.memory_space<hbm>>
    tpu.wait_indirect_dma semaphore(%arg8 : memref<!tpu.dma_semaphore, #tpu.memory_space<semaphore_mem>>) src(%dma_wait3A_584 : memref<100000x64xf32, #tpu.memory_space<hbm>>) dst(%dma_wait3A_579 : memref<128x64xf32, #tpu.memory_space<vmem>>)
    %dma_wait3A_585 = arith.constant 128 : i32
    %dma_wait3A_586 = arith.constant 0 : i32
    %dma_wait3A_587 = tpu.memref_slice %arg6[%dma_wait3A_585, %dma_wait3A_586] : memref<640x64xf32, #tpu.memory_space<vmem>> -> memref<128x64xf32, #tpu.memory_space<vmem>>
    %dma_wait3A_588 = arith.constant 3968 : i32
    %dma_wait3A_589 = tpu.memref_slice %arg5[%dma_wait3A_588] : memref<6400xi32, #tpu.memory_space<vmem>> -> memref<128xi32, #tpu.memory_space<vmem>>
    %dma_wait3A_590 = arith.constant 0 : i32
    %dma_wait3A_591 = arith.constant 0 : i32
    %dma_wait3A_592 = tpu.memref_slice %arg3[%dma_wait3A_590, %dma_wait3A_591] : memref<100000x64xf32, #tpu.memory_space<hbm>> -> memref<100000x64xf32, #tpu.memory_space<hbm>>
    tpu.wait_indirect_dma semaphore(%arg8 : memref<!tpu.dma_semaphore, #tpu.memory_space<semaphore_mem>>) src(%dma_wait3A_592 : memref<100000x64xf32, #tpu.memory_space<hbm>>) dst(%dma_wait3A_587 : memref<128x64xf32, #tpu.memory_space<vmem>>)
    %dma_wait3A_593 = arith.constant 256 : i32
    %dma_wait3A_594 = arith.constant 0 : i32
    %dma_wait3A_595 = tpu.memref_slice %arg6[%dma_wait3A_593, %dma_wait3A_594] : memref<640x64xf32, #tpu.memory_space<vmem>> -> memref<128x64xf32, #tpu.memory_space<vmem>>
    %dma_wait3A_596 = arith.constant 4096 : i32
    %dma_wait3A_597 = tpu.memref_slice %arg5[%dma_wait3A_596] : memref<6400xi32, #tpu.memory_space<vmem>> -> memref<128xi32, #tpu.memory_space<vmem>>
    %dma_wait3A_598 = arith.constant 0 : i32
    %dma_wait3A_599 = arith.constant 0 : i32
    %dma_wait3A_600 = tpu.memref_slice %arg3[%dma_wait3A_598, %dma_wait3A_599] : memref<100000x64xf32, #tpu.memory_space<hbm>> -> memref<100000x64xf32, #tpu.memory_space<hbm>>
    tpu.wait_indirect_dma semaphore(%arg8 : memref<!tpu.dma_semaphore, #tpu.memory_space<semaphore_mem>>) src(%dma_wait3A_600 : memref<100000x64xf32, #tpu.memory_space<hbm>>) dst(%dma_wait3A_595 : memref<128x64xf32, #tpu.memory_space<vmem>>)
    %dma_wait3A_601 = arith.constant 384 : i32
    %dma_wait3A_602 = arith.constant 0 : i32
    %dma_wait3A_603 = tpu.memref_slice %arg6[%dma_wait3A_601, %dma_wait3A_602] : memref<640x64xf32, #tpu.memory_space<vmem>> -> memref<128x64xf32, #tpu.memory_space<vmem>>
    %dma_wait3A_604 = arith.constant 4224 : i32
    %dma_wait3A_605 = tpu.memref_slice %arg5[%dma_wait3A_604] : memref<6400xi32, #tpu.memory_space<vmem>> -> memref<128xi32, #tpu.memory_space<vmem>>
    %dma_wait3A_606 = arith.constant 0 : i32
    %dma_wait3A_607 = arith.constant 0 : i32
    %dma_wait3A_608 = tpu.memref_slice %arg3[%dma_wait3A_606, %dma_wait3A_607] : memref<100000x64xf32, #tpu.memory_space<hbm>> -> memref<100000x64xf32, #tpu.memory_space<hbm>>
    tpu.wait_indirect_dma semaphore(%arg8 : memref<!tpu.dma_semaphore, #tpu.memory_space<semaphore_mem>>) src(%dma_wait3A_608 : memref<100000x64xf32, #tpu.memory_space<hbm>>) dst(%dma_wait3A_603 : memref<128x64xf32, #tpu.memory_space<vmem>>)
    %dma_wait3A_609 = arith.constant 512 : i32
    %dma_wait3A_610 = arith.constant 0 : i32
    %dma_wait3A_611 = tpu.memref_slice %arg6[%dma_wait3A_609, %dma_wait3A_610] : memref<640x64xf32, #tpu.memory_space<vmem>> -> memref<128x64xf32, #tpu.memory_space<vmem>>
    %dma_wait3A_612 = arith.constant 4352 : i32
    %dma_wait3A_613 = tpu.memref_slice %arg5[%dma_wait3A_612] : memref<6400xi32, #tpu.memory_space<vmem>> -> memref<128xi32, #tpu.memory_space<vmem>>
    %dma_wait3A_614 = arith.constant 0 : i32
    %dma_wait3A_615 = arith.constant 0 : i32
    %dma_wait3A_616 = tpu.memref_slice %arg3[%dma_wait3A_614, %dma_wait3A_615] : memref<100000x64xf32, #tpu.memory_space<hbm>> -> memref<100000x64xf32, #tpu.memory_space<hbm>>
    tpu.wait_indirect_dma semaphore(%arg8 : memref<!tpu.dma_semaphore, #tpu.memory_space<semaphore_mem>>) src(%dma_wait3A_616 : memref<100000x64xf32, #tpu.memory_space<hbm>>) dst(%dma_wait3A_611 : memref<128x64xf32, #tpu.memory_space<vmem>>)
    %add3A_617 = arith.constant 3840 : i32
    %add3A_618 = arith.addi %mul3A_2, %add3A_617 : i32
    %dma_start3A_619 = arith.constant 0 : i32
    %dma_start3A_620 = tpu.memref_slice %arg4[%add3A_618, %dma_start3A_619] : memref<204800x64xf32, #tpu.memory_space<hbm>> -> memref<640x64xf32, #tpu.memory_space<hbm>>
    %dma_start3A_621 = arith.constant 0 : i32
    %dma_start3A_622 = tpu.memref_slice %arg4[%add3A_618, %dma_start3A_621] : memref<204800x64xf32, #tpu.memory_space<hbm>> -> memref<640x64xf32, #tpu.memory_space<hbm>>
    tpu.enqueue_dma source(%arg6 : memref<640x64xf32, #tpu.memory_space<vmem>>) target(%dma_start3A_622 : memref<640x64xf32, #tpu.memory_space<hbm>>) target_semaphore(%arg10 : memref<!tpu.dma_semaphore, #tpu.memory_space<semaphore_mem>>)
    %dma_wait3A_623 = arith.constant 0 : i32
    %dma_wait3A_624 = tpu.memref_slice %arg4[%add3A_528, %dma_wait3A_623] : memref<204800x64xf32, #tpu.memory_space<hbm>> -> memref<640x64xf32, #tpu.memory_space<hbm>>
    %dma_wait3A_625 = arith.constant 0 : i32
    %dma_wait3A_626 = tpu.memref_slice %arg4[%add3A_528, %dma_wait3A_625] : memref<204800x64xf32, #tpu.memory_space<hbm>> -> memref<640x64xf32, #tpu.memory_space<hbm>>
    tpu.wait_dma2 semaphore(%arg11 : memref<!tpu.dma_semaphore, #tpu.memory_space<semaphore_mem>>) src(%arg7 : memref<640x64xf32, #tpu.memory_space<vmem>>) dst(%dma_wait3A_626 : memref<640x64xf32, #tpu.memory_space<hbm>>)
    %dma_start3A_627 = arith.constant 0 : i32
    %dma_start3A_628 = arith.constant 0 : i32
    %dma_start3A_629 = tpu.memref_slice %arg7[%dma_start3A_627, %dma_start3A_628] : memref<640x64xf32, #tpu.memory_space<vmem>> -> memref<128x64xf32, #tpu.memory_space<vmem>>
    %dma_start3A_630 = arith.constant 4480 : i32
    %dma_start3A_631 = tpu.memref_slice %arg5[%dma_start3A_630] : memref<6400xi32, #tpu.memory_space<vmem>> -> memref<128xi32, #tpu.memory_space<vmem>>
    %dma_start3A_632 = arith.constant 0 : i32
    %dma_start3A_633 = arith.constant 0 : i32
    %dma_start3A_634 = tpu.memref_slice %arg3[%dma_start3A_632, %dma_start3A_633] : memref<100000x64xf32, #tpu.memory_space<hbm>> -> memref<100000x64xf32, #tpu.memory_space<hbm>>
    tpu.enqueue_indirect_dma source(%dma_start3A_634 : memref<100000x64xf32, #tpu.memory_space<hbm>>) target(%dma_start3A_629 : memref<128x64xf32, #tpu.memory_space<vmem>>) offsets(%dma_start3A_631 : memref<128xi32, #tpu.memory_space<vmem>>) semaphore(%arg9 : memref<!tpu.dma_semaphore, #tpu.memory_space<semaphore_mem>>)
    %dma_start3A_635 = arith.constant 128 : i32
    %dma_start3A_636 = arith.constant 0 : i32
    %dma_start3A_637 = tpu.memref_slice %arg7[%dma_start3A_635, %dma_start3A_636] : memref<640x64xf32, #tpu.memory_space<vmem>> -> memref<128x64xf32, #tpu.memory_space<vmem>>
    %dma_start3A_638 = arith.constant 4608 : i32
    %dma_start3A_639 = tpu.memref_slice %arg5[%dma_start3A_638] : memref<6400xi32, #tpu.memory_space<vmem>> -> memref<128xi32, #tpu.memory_space<vmem>>
    %dma_start3A_640 = arith.constant 0 : i32
    %dma_start3A_641 = arith.constant 0 : i32
    %dma_start3A_642 = tpu.memref_slice %arg3[%dma_start3A_640, %dma_start3A_641] : memref<100000x64xf32, #tpu.memory_space<hbm>> -> memref<100000x64xf32, #tpu.memory_space<hbm>>
    tpu.enqueue_indirect_dma source(%dma_start3A_642 : memref<100000x64xf32, #tpu.memory_space<hbm>>) target(%dma_start3A_637 : memref<128x64xf32, #tpu.memory_space<vmem>>) offsets(%dma_start3A_639 : memref<128xi32, #tpu.memory_space<vmem>>) semaphore(%arg9 : memref<!tpu.dma_semaphore, #tpu.memory_space<semaphore_mem>>)
    %dma_start3A_643 = arith.constant 256 : i32
    %dma_start3A_644 = arith.constant 0 : i32
    %dma_start3A_645 = tpu.memref_slice %arg7[%dma_start3A_643, %dma_start3A_644] : memref<640x64xf32, #tpu.memory_space<vmem>> -> memref<128x64xf32, #tpu.memory_space<vmem>>
    %dma_start3A_646 = arith.constant 4736 : i32
    %dma_start3A_647 = tpu.memref_slice %arg5[%dma_start3A_646] : memref<6400xi32, #tpu.memory_space<vmem>> -> memref<128xi32, #tpu.memory_space<vmem>>
    %dma_start3A_648 = arith.constant 0 : i32
    %dma_start3A_649 = arith.constant 0 : i32
    %dma_start3A_650 = tpu.memref_slice %arg3[%dma_start3A_648, %dma_start3A_649] : memref<100000x64xf32, #tpu.memory_space<hbm>> -> memref<100000x64xf32, #tpu.memory_space<hbm>>
    tpu.enqueue_indirect_dma source(%dma_start3A_650 : memref<100000x64xf32, #tpu.memory_space<hbm>>) target(%dma_start3A_645 : memref<128x64xf32, #tpu.memory_space<vmem>>) offsets(%dma_start3A_647 : memref<128xi32, #tpu.memory_space<vmem>>) semaphore(%arg9 : memref<!tpu.dma_semaphore, #tpu.memory_space<semaphore_mem>>)
    %dma_start3A_651 = arith.constant 384 : i32
    %dma_start3A_652 = arith.constant 0 : i32
    %dma_start3A_653 = tpu.memref_slice %arg7[%dma_start3A_651, %dma_start3A_652] : memref<640x64xf32, #tpu.memory_space<vmem>> -> memref<128x64xf32, #tpu.memory_space<vmem>>
    %dma_start3A_654 = arith.constant 4864 : i32
    %dma_start3A_655 = tpu.memref_slice %arg5[%dma_start3A_654] : memref<6400xi32, #tpu.memory_space<vmem>> -> memref<128xi32, #tpu.memory_space<vmem>>
    %dma_start3A_656 = arith.constant 0 : i32
    %dma_start3A_657 = arith.constant 0 : i32
    %dma_start3A_658 = tpu.memref_slice %arg3[%dma_start3A_656, %dma_start3A_657] : memref<100000x64xf32, #tpu.memory_space<hbm>> -> memref<100000x64xf32, #tpu.memory_space<hbm>>
    tpu.enqueue_indirect_dma source(%dma_start3A_658 : memref<100000x64xf32, #tpu.memory_space<hbm>>) target(%dma_start3A_653 : memref<128x64xf32, #tpu.memory_space<vmem>>) offsets(%dma_start3A_655 : memref<128xi32, #tpu.memory_space<vmem>>) semaphore(%arg9 : memref<!tpu.dma_semaphore, #tpu.memory_space<semaphore_mem>>)
    %dma_start3A_659 = arith.constant 512 : i32
    %dma_start3A_660 = arith.constant 0 : i32
    %dma_start3A_661 = tpu.memref_slice %arg7[%dma_start3A_659, %dma_start3A_660] : memref<640x64xf32, #tpu.memory_space<vmem>> -> memref<128x64xf32, #tpu.memory_space<vmem>>
    %dma_start3A_662 = arith.constant 4992 : i32
    %dma_start3A_663 = tpu.memref_slice %arg5[%dma_start3A_662] : memref<6400xi32, #tpu.memory_space<vmem>> -> memref<128xi32, #tpu.memory_space<vmem>>
    %dma_start3A_664 = arith.constant 0 : i32
    %dma_start3A_665 = arith.constant 0 : i32
    %dma_start3A_666 = tpu.memref_slice %arg3[%dma_start3A_664, %dma_start3A_665] : memref<100000x64xf32, #tpu.memory_space<hbm>> -> memref<100000x64xf32, #tpu.memory_space<hbm>>
    tpu.enqueue_indirect_dma source(%dma_start3A_666 : memref<100000x64xf32, #tpu.memory_space<hbm>>) target(%dma_start3A_661 : memref<128x64xf32, #tpu.memory_space<vmem>>) offsets(%dma_start3A_663 : memref<128xi32, #tpu.memory_space<vmem>>) semaphore(%arg9 : memref<!tpu.dma_semaphore, #tpu.memory_space<semaphore_mem>>)
    %dma_wait3A_667 = arith.constant 0 : i32
    %dma_wait3A_668 = arith.constant 0 : i32
    %dma_wait3A_669 = tpu.memref_slice %arg7[%dma_wait3A_667, %dma_wait3A_668] : memref<640x64xf32, #tpu.memory_space<vmem>> -> memref<128x64xf32, #tpu.memory_space<vmem>>
    %dma_wait3A_670 = arith.constant 4480 : i32
    %dma_wait3A_671 = tpu.memref_slice %arg5[%dma_wait3A_670] : memref<6400xi32, #tpu.memory_space<vmem>> -> memref<128xi32, #tpu.memory_space<vmem>>
    %dma_wait3A_672 = arith.constant 0 : i32
    %dma_wait3A_673 = arith.constant 0 : i32
    %dma_wait3A_674 = tpu.memref_slice %arg3[%dma_wait3A_672, %dma_wait3A_673] : memref<100000x64xf32, #tpu.memory_space<hbm>> -> memref<100000x64xf32, #tpu.memory_space<hbm>>
    tpu.wait_indirect_dma semaphore(%arg9 : memref<!tpu.dma_semaphore, #tpu.memory_space<semaphore_mem>>) src(%dma_wait3A_674 : memref<100000x64xf32, #tpu.memory_space<hbm>>) dst(%dma_wait3A_669 : memref<128x64xf32, #tpu.memory_space<vmem>>)
    %dma_wait3A_675 = arith.constant 128 : i32
    %dma_wait3A_676 = arith.constant 0 : i32
    %dma_wait3A_677 = tpu.memref_slice %arg7[%dma_wait3A_675, %dma_wait3A_676] : memref<640x64xf32, #tpu.memory_space<vmem>> -> memref<128x64xf32, #tpu.memory_space<vmem>>
    %dma_wait3A_678 = arith.constant 4608 : i32
    %dma_wait3A_679 = tpu.memref_slice %arg5[%dma_wait3A_678] : memref<6400xi32, #tpu.memory_space<vmem>> -> memref<128xi32, #tpu.memory_space<vmem>>
    %dma_wait3A_680 = arith.constant 0 : i32
    %dma_wait3A_681 = arith.constant 0 : i32
    %dma_wait3A_682 = tpu.memref_slice %arg3[%dma_wait3A_680, %dma_wait3A_681] : memref<100000x64xf32, #tpu.memory_space<hbm>> -> memref<100000x64xf32, #tpu.memory_space<hbm>>
    tpu.wait_indirect_dma semaphore(%arg9 : memref<!tpu.dma_semaphore, #tpu.memory_space<semaphore_mem>>) src(%dma_wait3A_682 : memref<100000x64xf32, #tpu.memory_space<hbm>>) dst(%dma_wait3A_677 : memref<128x64xf32, #tpu.memory_space<vmem>>)
    %dma_wait3A_683 = arith.constant 256 : i32
    %dma_wait3A_684 = arith.constant 0 : i32
    %dma_wait3A_685 = tpu.memref_slice %arg7[%dma_wait3A_683, %dma_wait3A_684] : memref<640x64xf32, #tpu.memory_space<vmem>> -> memref<128x64xf32, #tpu.memory_space<vmem>>
    %dma_wait3A_686 = arith.constant 4736 : i32
    %dma_wait3A_687 = tpu.memref_slice %arg5[%dma_wait3A_686] : memref<6400xi32, #tpu.memory_space<vmem>> -> memref<128xi32, #tpu.memory_space<vmem>>
    %dma_wait3A_688 = arith.constant 0 : i32
    %dma_wait3A_689 = arith.constant 0 : i32
    %dma_wait3A_690 = tpu.memref_slice %arg3[%dma_wait3A_688, %dma_wait3A_689] : memref<100000x64xf32, #tpu.memory_space<hbm>> -> memref<100000x64xf32, #tpu.memory_space<hbm>>
    tpu.wait_indirect_dma semaphore(%arg9 : memref<!tpu.dma_semaphore, #tpu.memory_space<semaphore_mem>>) src(%dma_wait3A_690 : memref<100000x64xf32, #tpu.memory_space<hbm>>) dst(%dma_wait3A_685 : memref<128x64xf32, #tpu.memory_space<vmem>>)
    %dma_wait3A_691 = arith.constant 384 : i32
    %dma_wait3A_692 = arith.constant 0 : i32
    %dma_wait3A_693 = tpu.memref_slice %arg7[%dma_wait3A_691, %dma_wait3A_692] : memref<640x64xf32, #tpu.memory_space<vmem>> -> memref<128x64xf32, #tpu.memory_space<vmem>>
    %dma_wait3A_694 = arith.constant 4864 : i32
    %dma_wait3A_695 = tpu.memref_slice %arg5[%dma_wait3A_694] : memref<6400xi32, #tpu.memory_space<vmem>> -> memref<128xi32, #tpu.memory_space<vmem>>
    %dma_wait3A_696 = arith.constant 0 : i32
    %dma_wait3A_697 = arith.constant 0 : i32
    %dma_wait3A_698 = tpu.memref_slice %arg3[%dma_wait3A_696, %dma_wait3A_697] : memref<100000x64xf32, #tpu.memory_space<hbm>> -> memref<100000x64xf32, #tpu.memory_space<hbm>>
    tpu.wait_indirect_dma semaphore(%arg9 : memref<!tpu.dma_semaphore, #tpu.memory_space<semaphore_mem>>) src(%dma_wait3A_698 : memref<100000x64xf32, #tpu.memory_space<hbm>>) dst(%dma_wait3A_693 : memref<128x64xf32, #tpu.memory_space<vmem>>)
    %dma_wait3A_699 = arith.constant 512 : i32
    %dma_wait3A_700 = arith.constant 0 : i32
    %dma_wait3A_701 = tpu.memref_slice %arg7[%dma_wait3A_699, %dma_wait3A_700] : memref<640x64xf32, #tpu.memory_space<vmem>> -> memref<128x64xf32, #tpu.memory_space<vmem>>
    %dma_wait3A_702 = arith.constant 4992 : i32
    %dma_wait3A_703 = tpu.memref_slice %arg5[%dma_wait3A_702] : memref<6400xi32, #tpu.memory_space<vmem>> -> memref<128xi32, #tpu.memory_space<vmem>>
    %dma_wait3A_704 = arith.constant 0 : i32
    %dma_wait3A_705 = arith.constant 0 : i32
    %dma_wait3A_706 = tpu.memref_slice %arg3[%dma_wait3A_704, %dma_wait3A_705] : memref<100000x64xf32, #tpu.memory_space<hbm>> -> memref<100000x64xf32, #tpu.memory_space<hbm>>
    tpu.wait_indirect_dma semaphore(%arg9 : memref<!tpu.dma_semaphore, #tpu.memory_space<semaphore_mem>>) src(%dma_wait3A_706 : memref<100000x64xf32, #tpu.memory_space<hbm>>) dst(%dma_wait3A_701 : memref<128x64xf32, #tpu.memory_space<vmem>>)
    %add3A_707 = arith.constant 4480 : i32
    %add3A_708 = arith.addi %mul3A_2, %add3A_707 : i32
    %dma_start3A_709 = arith.constant 0 : i32
    %dma_start3A_710 = tpu.memref_slice %arg4[%add3A_708, %dma_start3A_709] : memref<204800x64xf32, #tpu.memory_space<hbm>> -> memref<640x64xf32, #tpu.memory_space<hbm>>
    %dma_start3A_711 = arith.constant 0 : i32
    %dma_start3A_712 = tpu.memref_slice %arg4[%add3A_708, %dma_start3A_711] : memref<204800x64xf32, #tpu.memory_space<hbm>> -> memref<640x64xf32, #tpu.memory_space<hbm>>
    tpu.enqueue_dma source(%arg7 : memref<640x64xf32, #tpu.memory_space<vmem>>) target(%dma_start3A_712 : memref<640x64xf32, #tpu.memory_space<hbm>>) target_semaphore(%arg11 : memref<!tpu.dma_semaphore, #tpu.memory_space<semaphore_mem>>)
    %dma_wait3A_713 = arith.constant 0 : i32
    %dma_wait3A_714 = tpu.memref_slice %arg4[%add3A_618, %dma_wait3A_713] : memref<204800x64xf32, #tpu.memory_space<hbm>> -> memref<640x64xf32, #tpu.memory_space<hbm>>
    %dma_wait3A_715 = arith.constant 0 : i32
    %dma_wait3A_716 = tpu.memref_slice %arg4[%add3A_618, %dma_wait3A_715] : memref<204800x64xf32, #tpu.memory_space<hbm>> -> memref<640x64xf32, #tpu.memory_space<hbm>>
    tpu.wait_dma2 semaphore(%arg10 : memref<!tpu.dma_semaphore, #tpu.memory_space<semaphore_mem>>) src(%arg6 : memref<640x64xf32, #tpu.memory_space<vmem>>) dst(%dma_wait3A_716 : memref<640x64xf32, #tpu.memory_space<hbm>>)
    %dma_start3A_717 = arith.constant 0 : i32
    %dma_start3A_718 = arith.constant 0 : i32
    %dma_start3A_719 = tpu.memref_slice %arg6[%dma_start3A_717, %dma_start3A_718] : memref<640x64xf32, #tpu.memory_space<vmem>> -> memref<128x64xf32, #tpu.memory_space<vmem>>
    %dma_start3A_720 = arith.constant 5120 : i32
    %dma_start3A_721 = tpu.memref_slice %arg5[%dma_start3A_720] : memref<6400xi32, #tpu.memory_space<vmem>> -> memref<128xi32, #tpu.memory_space<vmem>>
    %dma_start3A_722 = arith.constant 0 : i32
    %dma_start3A_723 = arith.constant 0 : i32
    %dma_start3A_724 = tpu.memref_slice %arg3[%dma_start3A_722, %dma_start3A_723] : memref<100000x64xf32, #tpu.memory_space<hbm>> -> memref<100000x64xf32, #tpu.memory_space<hbm>>
    tpu.enqueue_indirect_dma source(%dma_start3A_724 : memref<100000x64xf32, #tpu.memory_space<hbm>>) target(%dma_start3A_719 : memref<128x64xf32, #tpu.memory_space<vmem>>) offsets(%dma_start3A_721 : memref<128xi32, #tpu.memory_space<vmem>>) semaphore(%arg8 : memref<!tpu.dma_semaphore, #tpu.memory_space<semaphore_mem>>)
    %dma_start3A_725 = arith.constant 128 : i32
    %dma_start3A_726 = arith.constant 0 : i32
    %dma_start3A_727 = tpu.memref_slice %arg6[%dma_start3A_725, %dma_start3A_726] : memref<640x64xf32, #tpu.memory_space<vmem>> -> memref<128x64xf32, #tpu.memory_space<vmem>>
    %dma_start3A_728 = arith.constant 5248 : i32
    %dma_start3A_729 = tpu.memref_slice %arg5[%dma_start3A_728] : memref<6400xi32, #tpu.memory_space<vmem>> -> memref<128xi32, #tpu.memory_space<vmem>>
    %dma_start3A_730 = arith.constant 0 : i32
    %dma_start3A_731 = arith.constant 0 : i32
    %dma_start3A_732 = tpu.memref_slice %arg3[%dma_start3A_730, %dma_start3A_731] : memref<100000x64xf32, #tpu.memory_space<hbm>> -> memref<100000x64xf32, #tpu.memory_space<hbm>>
    tpu.enqueue_indirect_dma source(%dma_start3A_732 : memref<100000x64xf32, #tpu.memory_space<hbm>>) target(%dma_start3A_727 : memref<128x64xf32, #tpu.memory_space<vmem>>) offsets(%dma_start3A_729 : memref<128xi32, #tpu.memory_space<vmem>>) semaphore(%arg8 : memref<!tpu.dma_semaphore, #tpu.memory_space<semaphore_mem>>)
    %dma_start3A_733 = arith.constant 256 : i32
    %dma_start3A_734 = arith.constant 0 : i32
    %dma_start3A_735 = tpu.memref_slice %arg6[%dma_start3A_733, %dma_start3A_734] : memref<640x64xf32, #tpu.memory_space<vmem>> -> memref<128x64xf32, #tpu.memory_space<vmem>>
    %dma_start3A_736 = arith.constant 5376 : i32
    %dma_start3A_737 = tpu.memref_slice %arg5[%dma_start3A_736] : memref<6400xi32, #tpu.memory_space<vmem>> -> memref<128xi32, #tpu.memory_space<vmem>>
    %dma_start3A_738 = arith.constant 0 : i32
    %dma_start3A_739 = arith.constant 0 : i32
    %dma_start3A_740 = tpu.memref_slice %arg3[%dma_start3A_738, %dma_start3A_739] : memref<100000x64xf32, #tpu.memory_space<hbm>> -> memref<100000x64xf32, #tpu.memory_space<hbm>>
    tpu.enqueue_indirect_dma source(%dma_start3A_740 : memref<100000x64xf32, #tpu.memory_space<hbm>>) target(%dma_start3A_735 : memref<128x64xf32, #tpu.memory_space<vmem>>) offsets(%dma_start3A_737 : memref<128xi32, #tpu.memory_space<vmem>>) semaphore(%arg8 : memref<!tpu.dma_semaphore, #tpu.memory_space<semaphore_mem>>)
    %dma_start3A_741 = arith.constant 384 : i32
    %dma_start3A_742 = arith.constant 0 : i32
    %dma_start3A_743 = tpu.memref_slice %arg6[%dma_start3A_741, %dma_start3A_742] : memref<640x64xf32, #tpu.memory_space<vmem>> -> memref<128x64xf32, #tpu.memory_space<vmem>>
    %dma_start3A_744 = arith.constant 5504 : i32
    %dma_start3A_745 = tpu.memref_slice %arg5[%dma_start3A_744] : memref<6400xi32, #tpu.memory_space<vmem>> -> memref<128xi32, #tpu.memory_space<vmem>>
    %dma_start3A_746 = arith.constant 0 : i32
    %dma_start3A_747 = arith.constant 0 : i32
    %dma_start3A_748 = tpu.memref_slice %arg3[%dma_start3A_746, %dma_start3A_747] : memref<100000x64xf32, #tpu.memory_space<hbm>> -> memref<100000x64xf32, #tpu.memory_space<hbm>>
    tpu.enqueue_indirect_dma source(%dma_start3A_748 : memref<100000x64xf32, #tpu.memory_space<hbm>>) target(%dma_start3A_743 : memref<128x64xf32, #tpu.memory_space<vmem>>) offsets(%dma_start3A_745 : memref<128xi32, #tpu.memory_space<vmem>>) semaphore(%arg8 : memref<!tpu.dma_semaphore, #tpu.memory_space<semaphore_mem>>)
    %dma_start3A_749 = arith.constant 512 : i32
    %dma_start3A_750 = arith.constant 0 : i32
    %dma_start3A_751 = tpu.memref_slice %arg6[%dma_start3A_749, %dma_start3A_750] : memref<640x64xf32, #tpu.memory_space<vmem>> -> memref<128x64xf32, #tpu.memory_space<vmem>>
    %dma_start3A_752 = arith.constant 5632 : i32
    %dma_start3A_753 = tpu.memref_slice %arg5[%dma_start3A_752] : memref<6400xi32, #tpu.memory_space<vmem>> -> memref<128xi32, #tpu.memory_space<vmem>>
    %dma_start3A_754 = arith.constant 0 : i32
    %dma_start3A_755 = arith.constant 0 : i32
    %dma_start3A_756 = tpu.memref_slice %arg3[%dma_start3A_754, %dma_start3A_755] : memref<100000x64xf32, #tpu.memory_space<hbm>> -> memref<100000x64xf32, #tpu.memory_space<hbm>>
    tpu.enqueue_indirect_dma source(%dma_start3A_756 : memref<100000x64xf32, #tpu.memory_space<hbm>>) target(%dma_start3A_751 : memref<128x64xf32, #tpu.memory_space<vmem>>) offsets(%dma_start3A_753 : memref<128xi32, #tpu.memory_space<vmem>>) semaphore(%arg8 : memref<!tpu.dma_semaphore, #tpu.memory_space<semaphore_mem>>)
    %dma_wait3A_757 = arith.constant 0 : i32
    %dma_wait3A_758 = arith.constant 0 : i32
    %dma_wait3A_759 = tpu.memref_slice %arg6[%dma_wait3A_757, %dma_wait3A_758] : memref<640x64xf32, #tpu.memory_space<vmem>> -> memref<128x64xf32, #tpu.memory_space<vmem>>
    %dma_wait3A_760 = arith.constant 5120 : i32
    %dma_wait3A_761 = tpu.memref_slice %arg5[%dma_wait3A_760] : memref<6400xi32, #tpu.memory_space<vmem>> -> memref<128xi32, #tpu.memory_space<vmem>>
    %dma_wait3A_762 = arith.constant 0 : i32
    %dma_wait3A_763 = arith.constant 0 : i32
    %dma_wait3A_764 = tpu.memref_slice %arg3[%dma_wait3A_762, %dma_wait3A_763] : memref<100000x64xf32, #tpu.memory_space<hbm>> -> memref<100000x64xf32, #tpu.memory_space<hbm>>
    tpu.wait_indirect_dma semaphore(%arg8 : memref<!tpu.dma_semaphore, #tpu.memory_space<semaphore_mem>>) src(%dma_wait3A_764 : memref<100000x64xf32, #tpu.memory_space<hbm>>) dst(%dma_wait3A_759 : memref<128x64xf32, #tpu.memory_space<vmem>>)
    %dma_wait3A_765 = arith.constant 128 : i32
    %dma_wait3A_766 = arith.constant 0 : i32
    %dma_wait3A_767 = tpu.memref_slice %arg6[%dma_wait3A_765, %dma_wait3A_766] : memref<640x64xf32, #tpu.memory_space<vmem>> -> memref<128x64xf32, #tpu.memory_space<vmem>>
    %dma_wait3A_768 = arith.constant 5248 : i32
    %dma_wait3A_769 = tpu.memref_slice %arg5[%dma_wait3A_768] : memref<6400xi32, #tpu.memory_space<vmem>> -> memref<128xi32, #tpu.memory_space<vmem>>
    %dma_wait3A_770 = arith.constant 0 : i32
    %dma_wait3A_771 = arith.constant 0 : i32
    %dma_wait3A_772 = tpu.memref_slice %arg3[%dma_wait3A_770, %dma_wait3A_771] : memref<100000x64xf32, #tpu.memory_space<hbm>> -> memref<100000x64xf32, #tpu.memory_space<hbm>>
    tpu.wait_indirect_dma semaphore(%arg8 : memref<!tpu.dma_semaphore, #tpu.memory_space<semaphore_mem>>) src(%dma_wait3A_772 : memref<100000x64xf32, #tpu.memory_space<hbm>>) dst(%dma_wait3A_767 : memref<128x64xf32, #tpu.memory_space<vmem>>)
    %dma_wait3A_773 = arith.constant 256 : i32
    %dma_wait3A_774 = arith.constant 0 : i32
    %dma_wait3A_775 = tpu.memref_slice %arg6[%dma_wait3A_773, %dma_wait3A_774] : memref<640x64xf32, #tpu.memory_space<vmem>> -> memref<128x64xf32, #tpu.memory_space<vmem>>
    %dma_wait3A_776 = arith.constant 5376 : i32
    %dma_wait3A_777 = tpu.memref_slice %arg5[%dma_wait3A_776] : memref<6400xi32, #tpu.memory_space<vmem>> -> memref<128xi32, #tpu.memory_space<vmem>>
    %dma_wait3A_778 = arith.constant 0 : i32
    %dma_wait3A_779 = arith.constant 0 : i32
    %dma_wait3A_780 = tpu.memref_slice %arg3[%dma_wait3A_778, %dma_wait3A_779] : memref<100000x64xf32, #tpu.memory_space<hbm>> -> memref<100000x64xf32, #tpu.memory_space<hbm>>
    tpu.wait_indirect_dma semaphore(%arg8 : memref<!tpu.dma_semaphore, #tpu.memory_space<semaphore_mem>>) src(%dma_wait3A_780 : memref<100000x64xf32, #tpu.memory_space<hbm>>) dst(%dma_wait3A_775 : memref<128x64xf32, #tpu.memory_space<vmem>>)
    %dma_wait3A_781 = arith.constant 384 : i32
    %dma_wait3A_782 = arith.constant 0 : i32
    %dma_wait3A_783 = tpu.memref_slice %arg6[%dma_wait3A_781, %dma_wait3A_782] : memref<640x64xf32, #tpu.memory_space<vmem>> -> memref<128x64xf32, #tpu.memory_space<vmem>>
    %dma_wait3A_784 = arith.constant 5504 : i32
    %dma_wait3A_785 = tpu.memref_slice %arg5[%dma_wait3A_784] : memref<6400xi32, #tpu.memory_space<vmem>> -> memref<128xi32, #tpu.memory_space<vmem>>
    %dma_wait3A_786 = arith.constant 0 : i32
    %dma_wait3A_787 = arith.constant 0 : i32
    %dma_wait3A_788 = tpu.memref_slice %arg3[%dma_wait3A_786, %dma_wait3A_787] : memref<100000x64xf32, #tpu.memory_space<hbm>> -> memref<100000x64xf32, #tpu.memory_space<hbm>>
    tpu.wait_indirect_dma semaphore(%arg8 : memref<!tpu.dma_semaphore, #tpu.memory_space<semaphore_mem>>) src(%dma_wait3A_788 : memref<100000x64xf32, #tpu.memory_space<hbm>>) dst(%dma_wait3A_783 : memref<128x64xf32, #tpu.memory_space<vmem>>)
    %dma_wait3A_789 = arith.constant 512 : i32
    %dma_wait3A_790 = arith.constant 0 : i32
    %dma_wait3A_791 = tpu.memref_slice %arg6[%dma_wait3A_789, %dma_wait3A_790] : memref<640x64xf32, #tpu.memory_space<vmem>> -> memref<128x64xf32, #tpu.memory_space<vmem>>
    %dma_wait3A_792 = arith.constant 5632 : i32
    %dma_wait3A_793 = tpu.memref_slice %arg5[%dma_wait3A_792] : memref<6400xi32, #tpu.memory_space<vmem>> -> memref<128xi32, #tpu.memory_space<vmem>>
    %dma_wait3A_794 = arith.constant 0 : i32
    %dma_wait3A_795 = arith.constant 0 : i32
    %dma_wait3A_796 = tpu.memref_slice %arg3[%dma_wait3A_794, %dma_wait3A_795] : memref<100000x64xf32, #tpu.memory_space<hbm>> -> memref<100000x64xf32, #tpu.memory_space<hbm>>
    tpu.wait_indirect_dma semaphore(%arg8 : memref<!tpu.dma_semaphore, #tpu.memory_space<semaphore_mem>>) src(%dma_wait3A_796 : memref<100000x64xf32, #tpu.memory_space<hbm>>) dst(%dma_wait3A_791 : memref<128x64xf32, #tpu.memory_space<vmem>>)
    %add3A_797 = arith.constant 5120 : i32
    %add3A_798 = arith.addi %mul3A_2, %add3A_797 : i32
    %dma_start3A_799 = arith.constant 0 : i32
    %dma_start3A_800 = tpu.memref_slice %arg4[%add3A_798, %dma_start3A_799] : memref<204800x64xf32, #tpu.memory_space<hbm>> -> memref<640x64xf32, #tpu.memory_space<hbm>>
    %dma_start3A_801 = arith.constant 0 : i32
    %dma_start3A_802 = tpu.memref_slice %arg4[%add3A_798, %dma_start3A_801] : memref<204800x64xf32, #tpu.memory_space<hbm>> -> memref<640x64xf32, #tpu.memory_space<hbm>>
    tpu.enqueue_dma source(%arg6 : memref<640x64xf32, #tpu.memory_space<vmem>>) target(%dma_start3A_802 : memref<640x64xf32, #tpu.memory_space<hbm>>) target_semaphore(%arg10 : memref<!tpu.dma_semaphore, #tpu.memory_space<semaphore_mem>>)
    %dma_wait3A_803 = arith.constant 0 : i32
    %dma_wait3A_804 = tpu.memref_slice %arg4[%add3A_708, %dma_wait3A_803] : memref<204800x64xf32, #tpu.memory_space<hbm>> -> memref<640x64xf32, #tpu.memory_space<hbm>>
    %dma_wait3A_805 = arith.constant 0 : i32
    %dma_wait3A_806 = tpu.memref_slice %arg4[%add3A_708, %dma_wait3A_805] : memref<204800x64xf32, #tpu.memory_space<hbm>> -> memref<640x64xf32, #tpu.memory_space<hbm>>
    tpu.wait_dma2 semaphore(%arg11 : memref<!tpu.dma_semaphore, #tpu.memory_space<semaphore_mem>>) src(%arg7 : memref<640x64xf32, #tpu.memory_space<vmem>>) dst(%dma_wait3A_806 : memref<640x64xf32, #tpu.memory_space<hbm>>)
    %dma_start3A_807 = arith.constant 0 : i32
    %dma_start3A_808 = arith.constant 0 : i32
    %dma_start3A_809 = tpu.memref_slice %arg7[%dma_start3A_807, %dma_start3A_808] : memref<640x64xf32, #tpu.memory_space<vmem>> -> memref<128x64xf32, #tpu.memory_space<vmem>>
    %dma_start3A_810 = arith.constant 5760 : i32
    %dma_start3A_811 = tpu.memref_slice %arg5[%dma_start3A_810] : memref<6400xi32, #tpu.memory_space<vmem>> -> memref<128xi32, #tpu.memory_space<vmem>>
    %dma_start3A_812 = arith.constant 0 : i32
    %dma_start3A_813 = arith.constant 0 : i32
    %dma_start3A_814 = tpu.memref_slice %arg3[%dma_start3A_812, %dma_start3A_813] : memref<100000x64xf32, #tpu.memory_space<hbm>> -> memref<100000x64xf32, #tpu.memory_space<hbm>>
    tpu.enqueue_indirect_dma source(%dma_start3A_814 : memref<100000x64xf32, #tpu.memory_space<hbm>>) target(%dma_start3A_809 : memref<128x64xf32, #tpu.memory_space<vmem>>) offsets(%dma_start3A_811 : memref<128xi32, #tpu.memory_space<vmem>>) semaphore(%arg9 : memref<!tpu.dma_semaphore, #tpu.memory_space<semaphore_mem>>)
    %dma_start3A_815 = arith.constant 128 : i32
    %dma_start3A_816 = arith.constant 0 : i32
    %dma_start3A_817 = tpu.memref_slice %arg7[%dma_start3A_815, %dma_start3A_816] : memref<640x64xf32, #tpu.memory_space<vmem>> -> memref<128x64xf32, #tpu.memory_space<vmem>>
    %dma_start3A_818 = arith.constant 5888 : i32
    %dma_start3A_819 = tpu.memref_slice %arg5[%dma_start3A_818] : memref<6400xi32, #tpu.memory_space<vmem>> -> memref<128xi32, #tpu.memory_space<vmem>>
    %dma_start3A_820 = arith.constant 0 : i32
    %dma_start3A_821 = arith.constant 0 : i32
    %dma_start3A_822 = tpu.memref_slice %arg3[%dma_start3A_820, %dma_start3A_821] : memref<100000x64xf32, #tpu.memory_space<hbm>> -> memref<100000x64xf32, #tpu.memory_space<hbm>>
    tpu.enqueue_indirect_dma source(%dma_start3A_822 : memref<100000x64xf32, #tpu.memory_space<hbm>>) target(%dma_start3A_817 : memref<128x64xf32, #tpu.memory_space<vmem>>) offsets(%dma_start3A_819 : memref<128xi32, #tpu.memory_space<vmem>>) semaphore(%arg9 : memref<!tpu.dma_semaphore, #tpu.memory_space<semaphore_mem>>)
    %dma_start3A_823 = arith.constant 256 : i32
    %dma_start3A_824 = arith.constant 0 : i32
    %dma_start3A_825 = tpu.memref_slice %arg7[%dma_start3A_823, %dma_start3A_824] : memref<640x64xf32, #tpu.memory_space<vmem>> -> memref<128x64xf32, #tpu.memory_space<vmem>>
    %dma_start3A_826 = arith.constant 6016 : i32
    %dma_start3A_827 = tpu.memref_slice %arg5[%dma_start3A_826] : memref<6400xi32, #tpu.memory_space<vmem>> -> memref<128xi32, #tpu.memory_space<vmem>>
    %dma_start3A_828 = arith.constant 0 : i32
    %dma_start3A_829 = arith.constant 0 : i32
    %dma_start3A_830 = tpu.memref_slice %arg3[%dma_start3A_828, %dma_start3A_829] : memref<100000x64xf32, #tpu.memory_space<hbm>> -> memref<100000x64xf32, #tpu.memory_space<hbm>>
    tpu.enqueue_indirect_dma source(%dma_start3A_830 : memref<100000x64xf32, #tpu.memory_space<hbm>>) target(%dma_start3A_825 : memref<128x64xf32, #tpu.memory_space<vmem>>) offsets(%dma_start3A_827 : memref<128xi32, #tpu.memory_space<vmem>>) semaphore(%arg9 : memref<!tpu.dma_semaphore, #tpu.memory_space<semaphore_mem>>)
    %dma_start3A_831 = arith.constant 384 : i32
    %dma_start3A_832 = arith.constant 0 : i32
    %dma_start3A_833 = tpu.memref_slice %arg7[%dma_start3A_831, %dma_start3A_832] : memref<640x64xf32, #tpu.memory_space<vmem>> -> memref<128x64xf32, #tpu.memory_space<vmem>>
    %dma_start3A_834 = arith.constant 6144 : i32
    %dma_start3A_835 = tpu.memref_slice %arg5[%dma_start3A_834] : memref<6400xi32, #tpu.memory_space<vmem>> -> memref<128xi32, #tpu.memory_space<vmem>>
    %dma_start3A_836 = arith.constant 0 : i32
    %dma_start3A_837 = arith.constant 0 : i32
    %dma_start3A_838 = tpu.memref_slice %arg3[%dma_start3A_836, %dma_start3A_837] : memref<100000x64xf32, #tpu.memory_space<hbm>> -> memref<100000x64xf32, #tpu.memory_space<hbm>>
    tpu.enqueue_indirect_dma source(%dma_start3A_838 : memref<100000x64xf32, #tpu.memory_space<hbm>>) target(%dma_start3A_833 : memref<128x64xf32, #tpu.memory_space<vmem>>) offsets(%dma_start3A_835 : memref<128xi32, #tpu.memory_space<vmem>>) semaphore(%arg9 : memref<!tpu.dma_semaphore, #tpu.memory_space<semaphore_mem>>)
    %dma_start3A_839 = arith.constant 512 : i32
    %dma_start3A_840 = arith.constant 0 : i32
    %dma_start3A_841 = tpu.memref_slice %arg7[%dma_start3A_839, %dma_start3A_840] : memref<640x64xf32, #tpu.memory_space<vmem>> -> memref<128x64xf32, #tpu.memory_space<vmem>>
    %dma_start3A_842 = arith.constant 6272 : i32
    %dma_start3A_843 = tpu.memref_slice %arg5[%dma_start3A_842] : memref<6400xi32, #tpu.memory_space<vmem>> -> memref<128xi32, #tpu.memory_space<vmem>>
    %dma_start3A_844 = arith.constant 0 : i32
    %dma_start3A_845 = arith.constant 0 : i32
    %dma_start3A_846 = tpu.memref_slice %arg3[%dma_start3A_844, %dma_start3A_845] : memref<100000x64xf32, #tpu.memory_space<hbm>> -> memref<100000x64xf32, #tpu.memory_space<hbm>>
    tpu.enqueue_indirect_dma source(%dma_start3A_846 : memref<100000x64xf32, #tpu.memory_space<hbm>>) target(%dma_start3A_841 : memref<128x64xf32, #tpu.memory_space<vmem>>) offsets(%dma_start3A_843 : memref<128xi32, #tpu.memory_space<vmem>>) semaphore(%arg9 : memref<!tpu.dma_semaphore, #tpu.memory_space<semaphore_mem>>)
    %dma_wait3A_847 = arith.constant 0 : i32
    %dma_wait3A_848 = arith.constant 0 : i32
    %dma_wait3A_849 = tpu.memref_slice %arg7[%dma_wait3A_847, %dma_wait3A_848] : memref<640x64xf32, #tpu.memory_space<vmem>> -> memref<128x64xf32, #tpu.memory_space<vmem>>
    %dma_wait3A_850 = arith.constant 5760 : i32
    %dma_wait3A_851 = tpu.memref_slice %arg5[%dma_wait3A_850] : memref<6400xi32, #tpu.memory_space<vmem>> -> memref<128xi32, #tpu.memory_space<vmem>>
    %dma_wait3A_852 = arith.constant 0 : i32
    %dma_wait3A_853 = arith.constant 0 : i32
    %dma_wait3A_854 = tpu.memref_slice %arg3[%dma_wait3A_852, %dma_wait3A_853] : memref<100000x64xf32, #tpu.memory_space<hbm>> -> memref<100000x64xf32, #tpu.memory_space<hbm>>
    tpu.wait_indirect_dma semaphore(%arg9 : memref<!tpu.dma_semaphore, #tpu.memory_space<semaphore_mem>>) src(%dma_wait3A_854 : memref<100000x64xf32, #tpu.memory_space<hbm>>) dst(%dma_wait3A_849 : memref<128x64xf32, #tpu.memory_space<vmem>>)
    %dma_wait3A_855 = arith.constant 128 : i32
    %dma_wait3A_856 = arith.constant 0 : i32
    %dma_wait3A_857 = tpu.memref_slice %arg7[%dma_wait3A_855, %dma_wait3A_856] : memref<640x64xf32, #tpu.memory_space<vmem>> -> memref<128x64xf32, #tpu.memory_space<vmem>>
    %dma_wait3A_858 = arith.constant 5888 : i32
    %dma_wait3A_859 = tpu.memref_slice %arg5[%dma_wait3A_858] : memref<6400xi32, #tpu.memory_space<vmem>> -> memref<128xi32, #tpu.memory_space<vmem>>
    %dma_wait3A_860 = arith.constant 0 : i32
    %dma_wait3A_861 = arith.constant 0 : i32
    %dma_wait3A_862 = tpu.memref_slice %arg3[%dma_wait3A_860, %dma_wait3A_861] : memref<100000x64xf32, #tpu.memory_space<hbm>> -> memref<100000x64xf32, #tpu.memory_space<hbm>>
    tpu.wait_indirect_dma semaphore(%arg9 : memref<!tpu.dma_semaphore, #tpu.memory_space<semaphore_mem>>) src(%dma_wait3A_862 : memref<100000x64xf32, #tpu.memory_space<hbm>>) dst(%dma_wait3A_857 : memref<128x64xf32, #tpu.memory_space<vmem>>)
    %dma_wait3A_863 = arith.constant 256 : i32
    %dma_wait3A_864 = arith.constant 0 : i32
    %dma_wait3A_865 = tpu.memref_slice %arg7[%dma_wait3A_863, %dma_wait3A_864] : memref<640x64xf32, #tpu.memory_space<vmem>> -> memref<128x64xf32, #tpu.memory_space<vmem>>
    %dma_wait3A_866 = arith.constant 6016 : i32
    %dma_wait3A_867 = tpu.memref_slice %arg5[%dma_wait3A_866] : memref<6400xi32, #tpu.memory_space<vmem>> -> memref<128xi32, #tpu.memory_space<vmem>>
    %dma_wait3A_868 = arith.constant 0 : i32
    %dma_wait3A_869 = arith.constant 0 : i32
    %dma_wait3A_870 = tpu.memref_slice %arg3[%dma_wait3A_868, %dma_wait3A_869] : memref<100000x64xf32, #tpu.memory_space<hbm>> -> memref<100000x64xf32, #tpu.memory_space<hbm>>
    tpu.wait_indirect_dma semaphore(%arg9 : memref<!tpu.dma_semaphore, #tpu.memory_space<semaphore_mem>>) src(%dma_wait3A_870 : memref<100000x64xf32, #tpu.memory_space<hbm>>) dst(%dma_wait3A_865 : memref<128x64xf32, #tpu.memory_space<vmem>>)
    %dma_wait3A_871 = arith.constant 384 : i32
    %dma_wait3A_872 = arith.constant 0 : i32
    %dma_wait3A_873 = tpu.memref_slice %arg7[%dma_wait3A_871, %dma_wait3A_872] : memref<640x64xf32, #tpu.memory_space<vmem>> -> memref<128x64xf32, #tpu.memory_space<vmem>>
    %dma_wait3A_874 = arith.constant 6144 : i32
    %dma_wait3A_875 = tpu.memref_slice %arg5[%dma_wait3A_874] : memref<6400xi32, #tpu.memory_space<vmem>> -> memref<128xi32, #tpu.memory_space<vmem>>
    %dma_wait3A_876 = arith.constant 0 : i32
    %dma_wait3A_877 = arith.constant 0 : i32
    %dma_wait3A_878 = tpu.memref_slice %arg3[%dma_wait3A_876, %dma_wait3A_877] : memref<100000x64xf32, #tpu.memory_space<hbm>> -> memref<100000x64xf32, #tpu.memory_space<hbm>>
    tpu.wait_indirect_dma semaphore(%arg9 : memref<!tpu.dma_semaphore, #tpu.memory_space<semaphore_mem>>) src(%dma_wait3A_878 : memref<100000x64xf32, #tpu.memory_space<hbm>>) dst(%dma_wait3A_873 : memref<128x64xf32, #tpu.memory_space<vmem>>)
    %dma_wait3A_879 = arith.constant 512 : i32
    %dma_wait3A_880 = arith.constant 0 : i32
    %dma_wait3A_881 = tpu.memref_slice %arg7[%dma_wait3A_879, %dma_wait3A_880] : memref<640x64xf32, #tpu.memory_space<vmem>> -> memref<128x64xf32, #tpu.memory_space<vmem>>
    %dma_wait3A_882 = arith.constant 6272 : i32
    %dma_wait3A_883 = tpu.memref_slice %arg5[%dma_wait3A_882] : memref<6400xi32, #tpu.memory_space<vmem>> -> memref<128xi32, #tpu.memory_space<vmem>>
    %dma_wait3A_884 = arith.constant 0 : i32
    %dma_wait3A_885 = arith.constant 0 : i32
    %dma_wait3A_886 = tpu.memref_slice %arg3[%dma_wait3A_884, %dma_wait3A_885] : memref<100000x64xf32, #tpu.memory_space<hbm>> -> memref<100000x64xf32, #tpu.memory_space<hbm>>
    tpu.wait_indirect_dma semaphore(%arg9 : memref<!tpu.dma_semaphore, #tpu.memory_space<semaphore_mem>>) src(%dma_wait3A_886 : memref<100000x64xf32, #tpu.memory_space<hbm>>) dst(%dma_wait3A_881 : memref<128x64xf32, #tpu.memory_space<vmem>>)
    %add3A_887 = arith.constant 5760 : i32
    %add3A_888 = arith.addi %mul3A_2, %add3A_887 : i32
    %dma_start3A_889 = arith.constant 0 : i32
    %dma_start3A_890 = tpu.memref_slice %arg4[%add3A_888, %dma_start3A_889] : memref<204800x64xf32, #tpu.memory_space<hbm>> -> memref<640x64xf32, #tpu.memory_space<hbm>>
    %dma_start3A_891 = arith.constant 0 : i32
    %dma_start3A_892 = tpu.memref_slice %arg4[%add3A_888, %dma_start3A_891] : memref<204800x64xf32, #tpu.memory_space<hbm>> -> memref<640x64xf32, #tpu.memory_space<hbm>>
    tpu.enqueue_dma source(%arg7 : memref<640x64xf32, #tpu.memory_space<vmem>>) target(%dma_start3A_892 : memref<640x64xf32, #tpu.memory_space<hbm>>) target_semaphore(%arg11 : memref<!tpu.dma_semaphore, #tpu.memory_space<semaphore_mem>>)
    %dma_wait3A_893 = arith.constant 0 : i32
    %dma_wait3A_894 = tpu.memref_slice %arg4[%add3A_798, %dma_wait3A_893] : memref<204800x64xf32, #tpu.memory_space<hbm>> -> memref<640x64xf32, #tpu.memory_space<hbm>>
    %dma_wait3A_895 = arith.constant 0 : i32
    %dma_wait3A_896 = tpu.memref_slice %arg4[%add3A_798, %dma_wait3A_895] : memref<204800x64xf32, #tpu.memory_space<hbm>> -> memref<640x64xf32, #tpu.memory_space<hbm>>
    tpu.wait_dma2 semaphore(%arg10 : memref<!tpu.dma_semaphore, #tpu.memory_space<semaphore_mem>>) src(%arg6 : memref<640x64xf32, #tpu.memory_space<vmem>>) dst(%dma_wait3A_896 : memref<640x64xf32, #tpu.memory_space<hbm>>)
    %dma_wait3A_897 = arith.constant 0 : i32
    %dma_wait3A_898 = tpu.memref_slice %arg4[%add3A_888, %dma_wait3A_897] : memref<204800x64xf32, #tpu.memory_space<hbm>> -> memref<640x64xf32, #tpu.memory_space<hbm>>
    %dma_wait3A_899 = arith.constant 0 : i32
    %dma_wait3A_900 = tpu.memref_slice %arg4[%add3A_888, %dma_wait3A_899] : memref<204800x64xf32, #tpu.memory_space<hbm>> -> memref<640x64xf32, #tpu.memory_space<hbm>>
    tpu.wait_dma2 semaphore(%arg11 : memref<!tpu.dma_semaphore, #tpu.memory_space<semaphore_mem>>) src(%arg7 : memref<640x64xf32, #tpu.memory_space<vmem>>) dst(%dma_wait3A_900 : memref<640x64xf32, #tpu.memory_space<hbm>>)
    return
  }
}

</mosaic_0001>

<sc_bundles>
// kernel: kernel.3.cloned.1.call-start
scs
__scs_entry_jumppad:
0x0: {  	(pc) =	sbr.rel $0x88, $3  }
0x1: {  	(tag) =	ssettag $0x0;
	lr =	simm.s32 $0x1  }
0x2: {  	[smem:$0x3F9F] =	sst lr;
	_ =	strace $0xD0000000  }
0x3: {  	_ = 	snop  }
0x4: {  	_ = 	snop  }
0x5: {  	_ = 	snop  }
0x6: {  	_ = 	snop  }
0x7: {  	_ = 	snop  }
__scs_overlays_trampoline_lowered:
0x8: {  	[smem:$0x3FAE] =	sst s0  }
0x9: {  	[smem:$0x3FAF] =	sst s1  }
0xa: {  	[smem:$0x3FB0] =	sst s2  }
0xb: {  	[smem:$0x3FB1] =	sst s3  }
0xc: {  	[smem:$0x3FB2] =	sst s4  }
0xd: {  	[smem:$0x3FB3] =	sst s5  }
0xe: {  	[smem:$0x3FB4] =	sst s6  }
0xf: {  	[smem:$0x3FB5] =	sst s7  }
0x10: {  	[smem:$0x3FB6] =	sst s8  }
0x11: {  	[smem:$0x3FB7] =	sst s9;
	s0 =	simm.s32 @!p0 $0x0  }
0x12: {  	s1 =	sld [smem:$0x3F9D];
	s0 =	simm.s32 @p0 $0x1  }
0x13: {  	[smem:$0x3FB8] =	sst s0;
	s0 =	simm.s32 @!p1 $0x0  }
0x14: {  	s2 =	sld [smem:$0x3F9C];
	s0 =	simm.s32 @p1 $0x1  }
0x15: {  	[smem:$0x3FB9] =	sst s0;
	s0 =	simm.s32 @!p2 $0x0  }
0x16: {  	s3 =	sld [smem:$0x3FDB];
	s0 =	simm.s32 @p2 $0x1  }
0x17: {  	s4 =	simm.s32 $0x1BF5;
	[smem:$0x3FBB] =	sst s0  }
0x18: {  	s0 =	sld [smem:$0x3F9E];
	_ =	swait.ge [sflag:s4], $0x0  }
0x19: {  	s7 =	sld [smem:$0x3F9F]  }
0x1a: {  	s8 =	sadd.s32 $0xFFFFE003, lr  }
0x1b: {  	s9 =	sadd.s32 $0xFFFFFEF7, lr;
	s5 =	simm.s32 $0xFFFFFFFF;
	p2 =	slt.u32 s8, $0xFFFFF086  }
0x1c: {  	p1 =	slt.u32 s9, $0xF7A;
	s5 =	simm.s32 @!p2 $0x0  }
0x1d: {  	s5 =	simm.s32 @p1 $0x1;
	p0 =	seq.s32 s7, s2  }
0x1e: {  	s7 =	smul.u32 @!p0 $0xF7A, s2;
	p2 =	seq.s32 @!p0 s5, $0x0  }
0x1f: {  	s9 =	smul.u32 $0xF7A, s1;
	s8 =	simm.s32 @!p0 $0x1BF5;
	p2 =	por !p2, p0  }
0x20: {  	[sflag:s8] =	ssyncset.s32 @!p0 $0xFFFFF086;
	s6 =	sadd.s32 @!p0 s3, s7;
	s7 =	simm.s32 @!p0 $0x108  }
0x21: {  	s3 =	sadd.s32 s3, s9;
	s6 =	sadd.s32 @!p0 $0x88, s6;
	s7 =	simm.s32 @p2 $0x1082  }
0x22: {  	[simem:s7], [sflag:s8] =	dma.local @!p0 [hbm:s6], $0xF7A  }
0x23: {  	s9 =	sor.u32 $0xD0000000, s2;
	s6 =	simm.s32 $0x108;
	_ =	swait.ge @!p0 [sflag:s8], $0x0  }
0x24: {  	s3 =	sadd.s32 $0x88, s3;
	s6 =	simm.s32 @!p1 $0x1082;
	[sflag:s4] =	ssyncset.s32 $0xFFFFF086  }
0x25: {  	[simem:s6], [sflag:s4] =	dma.local [hbm:s3], $0xF7A  }
0x26: {  	[smem:$0x3F9F] =	sst s1;
	(tag) =	ssettag s2;
	_ =	strace s9  }
0x27: {  	s1 =	sld [smem:$0x3FAF]  }
0x28: {  	s2 =	sld [smem:$0x3FB0]  }
0x29: {  	s4 =	sld [smem:$0x3FB2]  }
0x2a: {  	p0 =	seq.s32 s5, $0x0;
	s5 =	sld [smem:$0x3FB3]  }
0x2b: {  	s6 =	sld [smem:$0x3FB4]  }
0x2c: {  	s7 =	sld [smem:$0x3FB5]  }
0x2d: {  	s3 =	simm.s32 $0x108;
	s8 =	sld [smem:$0x3FB6]  }
0x2e: {  	s3 =	simm.s32 @!p0 $0x1082;
	s9 =	sld [smem:$0x3FB7]  }
0x2f: {  	lr =	sadd.s32 s0, s3;
	s0 =	sld [smem:$0x3FAE]  }
0x30: {  	s3 =	sld [smem:$0x3FB1]  }
0x31: {  	[smem:$0x3FBA] =	sst s10  }
0x32: {  	s10 =	sld [smem:$0x3FB8];
	_ =	sdelay $0x3  }
0x33: {  	p0 =	seq.s32 s10, $0x1;
	s10 =	sld [smem:$0x3FBA];
	_ =	sdelay $0x3  }
0x34: {  	[smem:$0x3FBA] =	sst s10  }
0x35: {  	s10 =	sld [smem:$0x3FB9];
	_ =	sdelay $0x3  }
0x36: {  	p1 =	seq.s32 s10, $0x1;
	s10 =	sld [smem:$0x3FBA];
	_ =	sdelay $0x3  }
0x37: {  	[smem:$0x3FBA] =	sst s10  }
0x38: {  	s10 =	sld [smem:$0x3FBB]  }
0x39: {  	_ = 	snop;
	(pc) =	sbr.ind lr, $3  }
0x3a: {  	_ = 	snop  }
0x3b: {  	_ = 	snop  }
0x3c: {  	p2 =	seq.s32 s10, $0x1;
	s10 =	sld [smem:$0x3FBA]  }
0x3d: {  	_ =	shalt  }
0x3e: {  	_ =	shalt  }
0x3f: {  	_ =	shalt  }
0x40: {  	_ =	shalt  }
0x41: {  	_ =	shalt  }
0x42: {  	_ =	shalt  }
0x43: {  	_ =	shalt  }
0x44: {  	_ =	shalt  }
0x45: {  	_ =	shalt  }
0x46: {  	_ =	shalt  }
0x47: {  	_ =	shalt  }
0x48: {  	_ =	shalt  }
0x49: {  	_ =	shalt  }
0x4a: {  	_ =	shalt  }
0x4b: {  	_ =	shalt  }
0x4c: {  	_ =	shalt  }
0x4d: {  	_ =	shalt  }
0x4e: {  	_ =	shalt  }
0x4f: {  	_ =	shalt  }
0x50: {  	_ =	shalt  }
0x51: {  	_ =	shalt  }
0x52: {  	_ =	shalt  }
0x53: {  	_ =	shalt  }
0x54: {  	_ =	shalt  }
0x55: {  	_ =	shalt  }
0x56: {  	_ =	shalt  }
0x57: {  	_ =	shalt  }
0x58: {  	_ =	shalt  }
0x59: {  	_ =	shalt  }
0x5a: {  	_ =	shalt  }
0x5b: {  	_ =	shalt  }
0x5c: {  	_ =	shalt  }
0x5d: {  	_ =	shalt  }
0x5e: {  	_ =	shalt  }
0x5f: {  	_ =	shalt  }
0x60: {  	_ =	shalt  }
0x61: {  	_ =	shalt  }
0x62: {  	_ =	shalt  }
0x63: {  	_ =	shalt  }
0x64: {  	_ =	shalt  }
0x65: {  	_ =	shalt  }
0x66: {  	_ =	shalt  }
0x67: {  	_ =	shalt  }
0x68: {  	_ =	shalt  }
0x69: {  	_ =	shalt  }
0x6a: {  	_ =	shalt  }
0x6b: {  	_ =	shalt  }
0x6c: {  	_ =	shalt  }
0x6d: {  	_ =	shalt  }
0x6e: {  	_ =	shalt  }
0x6f: {  	_ =	shalt  }
0x70: {  	_ =	shalt  }
0x71: {  	_ =	shalt  }
0x72: {  	_ =	shalt  }
0x73: {  	_ =	shalt  }
0x74: {  	_ =	shalt  }
0x75: {  	_ =	shalt  }
0x76: {  	_ =	shalt  }
0x77: {  	_ =	shalt  }
0x78: {  	_ =	shalt  }
0x79: {  	_ =	shalt  }
0x7a: {  	_ =	shalt  }
0x7b: {  	_ =	shalt  }
0x7c: {  	_ =	shalt  }
0x7d: {  	_ =	shalt  }
0x7e: {  	_ =	shalt  }
0x7f: {  	_ =	shalt  }
0x80: {  	_ =	shalt  }
0x81: {  	_ =	shalt  }
0x82: {  	_ =	shalt  }
0x83: {  	_ =	shalt  }
0x84: {  	_ =	shalt  }
0x85: {  	_ =	shalt  }
0x86: {  	_ =	shalt  }
0x87: {  	_ =	shalt  }
.Lfunc_end0:
.L_simem_size_0:
called_computation.1_lowered:
.L_overlay_start_0:
0x88: {  	s2 =	sld [smem:$0x3FD9]  }
0x89: {  	s3 =	sld [smem:$0x3FFE];
	_ =	sdelay $0x1  }
0x8a: {  	s1 =	srdreg.scid  }
0x8b: {  	s0 =	sand.u32 $0x1, s1  }
0x8c: {  	s17 =	sshll.u32 s0, $0xA;
	s2 =	sadd.s32 s3, s2  }
0x8d: {  	s2 =	sadd.s32 s2, s17  }
0x8e: {  	[smem:$0x3FC6] =	sst s2  }
0x8f: {  	_ = 	snop  }
0x90: {  	s2 =	sld [smem:$0x3FD0];
	(tm) =	ssettm $0x1  }
0x91: {  	s18 =	sld [smem:$0x3FFB];
	_ =	sdelay $0x3  }
0x92: {  	_ =	strace s18  }
0x93: {  	s3 =	sld [smem:$0x3FFC];
	_ =	sdelay $0x3  }
0x94: {  	_ =	strace s3  }
0x95: {  	s3 =	sld [smem:$0x3FFD];
	_ =	sdelay $0x3  }
0x96: {  	_ =	strace s3  }
0x97: {  	_ =	strace $0x8FFFFFFF  }
0x98: {  	s19 =	sld [smem:$0x3FDB];
	_ =	sdelay $0x1  }
0x99: {  	s4 =	simm.s32 $_scs_section_size  }
0x9a: {  	s5 =	simm.s32 $_size__tile_overlayer_lowered;
	s6 =	simm.s32 $_tile_overlayer_lowered  }
0x9b: {  	s22 =	simm.s32 $0x1BFF;
	s21 =	sshll.u32 s6, $0x1;
	s3 =	sadd.s32 s4, s19  }
0x9c: {  	s7 =	simm.s32 $0x0;
	s20 =	sshll.u32 s5, $0x1;
	s5 =	sadd.s32 s21, s3  }
0x9d: {  	[timem:s7], [sflag:s22] =	dma.local [hbm:s5], s20  }
0x9e: {  	_ =	swait.ge [sflag:s22], s20  }
0x9f: {  	s4 =	ssub.s32 $0x0, s20;
	[sflag:s22] =	ssyncset.done $0x0  }
0xa0: {  	[sflag:s22] =	ssyncadd.s32 s4;
	_ =	sdelay $0x1  }
0xa1: {  	s23 =	simm.s32 $0x1B8B  }
0xa2: {  	_ =	swait.ge [sflag:s23], $0x1  }
0xa3: {  	[sflag:s23] =	ssyncset.done $0x0  }
0xa4: {  	s25 =	simm.s32 $0x1B8E;
	s24 =	sld [smem:$0x3FFE];
	[sflag:s23] =	ssyncadd.s32 $0xFFFFFFFF  }
0xa5: {  	s26 =	simm.s32 $execute0_lowered;
	[smem:$0x3FD2] =	sst s25  }
0xa6: {  	s5 =	sshll.u32 s26, $0x1;
	_ =	strace $0x80000046;
	[dreg:$0x1] =	wrdreg $0xFFFFFFFF  }
0xa7: {  	s28 =	simm.s32 $_size_execute0_lowered;
	s3 =	sadd.s32 s3, s5;
	[dreg:$0x0] =	wrdreg $0x0  }
0xa8: {  	s5 =	sshll.u32 s28, $0x1;
	[dreg:$0x2] =	wrdreg s3  }
0xa9: {  	[dreg:$0x3] =	wrdreg s5  }
0xaa: {  	[dreg:$0x4] =	wrdreg $0xC0  }
0xab: {  	_ =	task [dreg:s7], $0x5FFFF  }
0xac: {  	[dreg:$0x1] =	wrdreg $0xFFFFFFFF  }
0xad: {  	[dreg:$0x0] =	wrdreg $0x60  }
0xae: {  	[dreg:$0x2] =	wrdreg s24  }
0xaf: {  	[dreg:$0x3] =	wrdreg s2  }
0xb0: {  	[dreg:$0x4] =	wrdreg $0x9  }
0xb1: {  	_ =	task.clear_ibuf [dreg:s7], $0x5FFFF;
	_ =	strace $0x90000046  }
0xb2: {  	s29 =	simm.s32 $0x9;
	_ =	strace $0x80000048  }
0xb3: {  	_ =	swait.ge [sflag:s29], $0x1  }
0xb4: {  	[sflag:s29] =	ssyncadd.s32 $0xFFFFFFFF  }
0xb5: {  	_ =	strace $0x90000048  }
0xb6: {  	_ =	sfence  }
0xb7: {  	s30 =	sld [smem:$0x0];
	_ =	sdelay $0x2  }
0xb8: {  	s31 =	sshll.u32 s1, $0xD;
	s1 =	sshrl.u32 s1, $0x2  }
0xb9: {  	s3 =	sand.u32 $0x4000, s31;
	s1 =	sadd.s32 s1, s30  }
0xba: {  	s0 =	sor.u32 s3, s0;
	s1 =	sshll.u32 s1, $0x11  }
0xbb: {  	s0 =	sor.u32 s1, s0  }
0xbc: {  	s0 =	sadd.s32 $0x8F2B, s0  }
0xbd: {  	[sflag:s0] =	ssyncadd.remote.s32 $0x1  }
0xbe: {  	_ =	sfence.sel $0xFFFF  }
0xbf: {  	[dreg:$0x0] =	wrdreg $0xFFFFFFFF;
	(pc) =	sbr.abs _section_cstart, $3  }
0xc0: {  	[dreg:$0x1] =	wrdreg $0xFFFFFFFF  }
0xc1: {  	_ =	task.clear_ibuf [dreg:s7], $0x2FFFF;
	_ =	strace $0x9FFFFFFF  }
0xc2: {  	(tm) =	ssettm $0x7FFFFFFF  }
0xc3: {  	_ =	shalt  }
tec
execute0_lowered:
.L_overlay_start_1:
0x0: {  	(tag) =	ssettag $0x1  }
0x1: {  	s3 =	rddreg [dreg:$0x0]  }
0x2: {  	s4 =	rddreg [dreg:$0x1];
	s2 =	simm.s32 $0x0  }
0x3: {  	s7 =	simm.s32 $0x200;
	[smem:$0x7FF] =	sst s2  }
0x4: {  	s8 =	simm.s32 $0x280;
	_ =	strace $0x80000047;
	[dreg:$0x10] =	wrdreg s7  }
0x5: {  	s9 =	simm.s32 $0x300;
	[dreg:$0x11] =	wrdreg s8  }
0x6: {  	s10 =	simm.s32 $0x380;
	[dreg:$0x12] =	wrdreg s9  }
0x7: {  	s11 =	simm.s32 $0x400;
	[dreg:$0x13] =	wrdreg s10  }
0x8: {  	s12 =	simm.s32 $0x480;
	[dreg:$0x14] =	wrdreg s11  }
0x9: {  	s0 =	srdreg.scid;
	s13 =	simm.s32 $0x500;
	[dreg:$0x15] =	wrdreg s12  }
0xa: {  	s19 =	stileid.u32;
	s14 =	simm.s32 $0x580;
	[dreg:$0x16] =	wrdreg s13  }
0xb: {  	s15 =	simm.s32 $0x600;
	s16 =	simm.s32 $0x680;
	[dreg:$0x17] =	wrdreg s14  }
0xc: {  	s1 =	sand.u32 $0x1, s0;
	s17 =	sshll.u32 s19, $0x1;
	[dreg:$0x18] =	wrdreg s15  }
0xd: {  	s0 =	sor.u32 s1, s17;
	[dreg:$0x19] =	wrdreg s16;
	s17 =	simm.s32 $0x700  }
0xe: {  	s7 =	simm.s32 $0xC00;
	[dreg:$0x1a] =	wrdreg s17  }
0xf: {  	s8 =	simm.s32 $0xC80;
	[smem:$0x7EF] =	sst s7  }
0x10: {  	s9 =	simm.s32 $0xD00;
	[smem:$0x7F0] =	sst s8  }
0x11: {  	s10 =	simm.s32 $0xD80;
	[smem:$0x7F1] =	sst s9  }
0x12: {  	s11 =	simm.s32 $0xE00;
	s5 =	smul.u32 $0x320, s0;
	[smem:$0x7F2] =	sst s10  }
0x13: {  	s12 =	simm.s32 $0xE80;
	s6 =	smul.u32 $0x64000, s0;
	[smem:$0x7F3] =	sst s11  }
0x14: {  	s13 =	simm.s32 $0xF00;
	s0 =	smul.u32 $0xC800, s0;
	[smem:$0x7F4] =	sst s12  }
0x15: {  	s14 =	simm.s32 $0xF80;
	[smem:$0x7F5] =	sst s13  }
0x16: {  	[smem:$0x7F6] =	sst s14;
	s5 =	sadd.s32 s5, s3;
	s0 =	sadd.s32 s4, s0  }
0x17: {  	s6 =	sshrl.u32 s6, $0x3;
	s5 =	sadd.s32 $0x800, s5;
	[dreg:$0x4] =	wrdreg s0  }
0x18: {  	s4 =	sadd.s32 s4, s6;
	s6 =	simm.s32 $0x180;
	[dreg:$0x3] =	wrdreg s5  }
0x19: {  	s18 =	sadd.s32 $0x1400, s4;
	[dreg:$0xf] =	wrdreg s6  }
0x1a: {  	s31 =	simm.s32 $0x5;
	s20 =	sadd.s32 $0x2800, s4;
	[dreg:$0x5] =	wrdreg s18  }
0x1b: {  	s28 =	simm.s32 $0x1500;
	s21 =	sadd.s32 $0x3C00, s4;
	[dreg:$0x6] =	wrdreg s20  }
0x1c: {  	s29 =	simm.s32 $0x1580;
	s22 =	sadd.s32 $0x5000, s4;
	[dreg:$0x7] =	wrdreg s21  }
0x1d: {  	p0 =	por $0x0, $0x0;
	s23 =	sadd.s32 $0x6400, s4;
	[dreg:$0x8] =	wrdreg s22  }
0x1e: {  	s30 =	simm.s32 $0x1600;
	s24 =	sadd.s32 $0x7800, s4;
	[dreg:$0x9] =	wrdreg s23  }
0x1f: {  	s1 =	ssub.s32 $0x2, s1;
	s25 =	sadd.s32 $0x8C00, s4;
	[dreg:$0xa] =	wrdreg s24  }
0x20: {  	s15 =	simm.s32 $0x3900;
	s26 =	sadd.s32 $0xA000, s4;
	[dreg:$0xb] =	wrdreg s25  }
0x21: {  	s16 =	simm.s32 $0x5900;
	s4 =	sadd.s32 $0xB400, s4;
	[dreg:$0xc] =	wrdreg s26  }
0x22: {  	s17 =	simm.s32 $0x7900;
	s5 =	simm.s32 $0x100;
	[dreg:$0xd] =	wrdreg s4  }
0x23: {  	s10 =	simm.s32 $0x1;
	s6 =	simm.s32 $0xB80;
	[dreg:$0xe] =	wrdreg s5  }
0x24: {  	s11 =	simm.s32 $0xD900;
	s12 =	simm.s32 $0xF900;
	[smem:$0x7EE] =	sst s6  }
0x25: {  	s13 =	simm.s32 $0x11900;
	s18 =	simm.s32 $0x780;
	s0 =	rddreg [dreg:$0x3]  }
0x26: {  	s14 =	simm.s32 $0x13900;
	s20 =	simm.s32 $0x800;
	[dreg:$0x1b] =	wrdreg s18  }
0x27: {  	s9 =	simm.s32 $0x2;
	s21 =	simm.s32 $0x880;
	[dreg:$0x1c] =	wrdreg s20  }
0x28: {  	s8 =	simm.s32 $0x3;
	s22 =	simm.s32 $0x900;
	[dreg:$0x1d] =	wrdreg s21  }
0x29: {  	s7 =	simm.s32 $0x4;
	s23 =	simm.s32 $0x980;
	[dreg:$0x1e] =	wrdreg s22  }
0x2a: {  	s3 =	sadd.s32 $0x6C00, s3;
	s24 =	simm.s32 $0xA00;
	[dreg:$0x1f] =	wrdreg s23  }
0x2b: {  	s25 =	simm.s32 $0xA80;
	s26 =	sshrl.u32 s1, $0x1;
	[smem:$0x7EB] =	sst s24  }
0x2c: {  	s5 =	simm.s32 $0xB00;
	s4 =	simm.s32 $0x80;
	[smem:$0x7EC] =	sst s25  }
0x2d: {  	s6 =	simm.s32 $0x1900;
	[smem:$0x7ED] =	sst s5;
	s20 =	simm.s32 $0x1000  }
0x2e: {  	s1 =	ssub.s32 s1, s26;
	s21 =	simm.s32 $0x1080;
	[smem:$0x7F7] =	sst s20  }
0x2f: {  	s18 =	simm.s32 $0x9900;
	s22 =	simm.s32 $0x1100;
	[smem:$0x7F8] =	sst s21  }
0x30: {  	s23 =	simm.s32 $0x1180;
	s1 =	smax.u32 s1, $0x1;
	[smem:$0x7F9] =	sst s22  }
0x31: {  	s24 =	simm.s32 $0x1200;
	[smem:$0x7FA] =	sst s23;
	p1 =	sne.s32 s1, $0x1  }
.Ltmp0:
0x32: {  	s25 =	simm.s32 $0x1280;
	[smem:$0x7FB] =	sst s24;
	(pc) =	sbr.rel @!p1 .LBB2_1-.Ltmp0, $4  }
0x33: {  	s5 =	simm.s32 $0xB900;
	s26 =	simm.s32 $0x1300;
	[smem:$0x7FC] =	sst s25  }
0x34: {  	[smem:$0x7FD] =	sst s26;
	s25 =	simm.s32 $0x1380;
	s26 =	simm.s32 $0x1480  }
0x35: {  	s20 =	simm.s32 $0x1680;
	s21 =	simm.s32 $0x1700;
	s22 =	simm.s32 $0x1780  }
0x36: {  	s23 =	simm.s32 $0x1800;
	s24 =	simm.s32 $0x1880;
	s1 =	sadd.s32 $0xFFFFFFFF, s1  }
0x37: {  	[tilespmem:s2], [sflag:$0x5] =	stream.linear.gather [hbm4b:s0+s2], $0x1900, $0x38;
	[tilespmem:$0x15900] =	vst v63  }
0x38: {  	_ =	swait.ge [sflag:s31], $0x1900  }
0x39: {  	[sflag:s31] =	ssyncset.done $0x0  }
0x3a: {  	[sflag:s31] =	ssyncadd.s32 $0xFFFFE700  }
0x3b: {  	[tilespmem:s6], [sflag:$0x1] =	stream.indirect.gather [hbm4b:s3+s4], $0x40, s2, s4, $0xb8;
	[tilespmem:$0x15900] =	vst v63  }
0x3c: {  	_ = 	snop  }
0x3d: {  	[tilespmem:s15], [sflag:$0x1] =	stream.indirect.gather [hbm4b:s3+s4], $0x40, s4, s4, $0xb8;
	[tilespmem:$0x15900] =	vst v63  }
0x3e: {  	s0 =	rddreg [dreg:$0xe]  }
0x3f: {  	[tilespmem:s16], [sflag:$0x1] =	stream.indirect.gather [hbm4b:s3+s4], $0x40, s0, s4, $0xb8;
	[tilespmem:$0x15900] =	vst v63  }
0x40: {  	s19 =	smov.u32 s1;
	s1 =	rddreg [dreg:$0xf]  }
0x41: {  	[tilespmem:s17], [sflag:$0x1] =	stream.indirect.gather [hbm4b:s3+s4], $0x40, s1, s4, $0xb8;
	[tilespmem:$0x15900] =	vst v63  }
0x42: {  	s0 =	rddreg [dreg:$0x10]  }
0x43: {  	[tilespmem:s18], [sflag:$0x1] =	stream.indirect.gather [hbm4b:s3+s4], $0x40, s0, s4, $0xb8;
	[tilespmem:$0x15900] =	vst v63  }
0x44: {  	_ =	swait.ge [sflag:s10], $0x2000  }
0x45: {  	[sflag:s10] =	ssyncset.done $0x0  }
0x46: {  	[sflag:s10] =	ssyncadd.s32 $0xFFFFE000  }
0x47: {  	_ =	swait.ge [sflag:s10], $0x2000  }
0x48: {  	[sflag:s10] =	ssyncset.done $0x0  }
0x49: {  	[sflag:s10] =	ssyncadd.s32 $0xFFFFE000  }
0x4a: {  	_ =	swait.ge [sflag:s10], $0x2000  }
0x4b: {  	[sflag:s10] =	ssyncset.done $0x0  }
0x4c: {  	[sflag:s10] =	ssyncadd.s32 $0xFFFFE000  }
0x4d: {  	_ =	swait.ge [sflag:s10], $0x2000  }
0x4e: {  	[sflag:s10] =	ssyncset.done $0x0  }
0x4f: {  	[sflag:s10] =	ssyncadd.s32 $0xFFFFE000  }
0x50: {  	_ =	swait.ge [sflag:s10], $0x2000  }
0x51: {  	[sflag:s10] =	ssyncset.done $0x0  }
0x52: {  	s0 =	rddreg [dreg:$0x4];
	[sflag:s10] =	ssyncadd.s32 $0xFFFFE000  }
0x53: {  	[hbm4b:s0+s2] =	stream.linear.scatter [tilespmem:s6], [sflag:$0x3], $0xA000, $0x38;
	[tilespmem:$0x15900] =	vst v63  }
0x54: {  	s1 =	rddreg [dreg:$0x11]  }
0x55: {  	[tilespmem:s5], [sflag:$0x2] =	stream.indirect.gather [hbm4b:s3+s4], $0x40, s1, s4, $0xb8;
	[tilespmem:$0x15900] =	vst v63  }
0x56: {  	s0 =	rddreg [dreg:$0x12]  }
0x57: {  	[tilespmem:s11], [sflag:$0x2] =	stream.indirect.gather [hbm4b:s3+s4], $0x40, s0, s4, $0xb8;
	[tilespmem:$0x15900] =	vst v63  }
0x58: {  	s1 =	rddreg [dreg:$0x13]  }
0x59: {  	[tilespmem:s12], [sflag:$0x2] =	stream.indirect.gather [hbm4b:s3+s4], $0x40, s1, s4, $0xb8;
	[tilespmem:$0x15900] =	vst v63  }
0x5a: {  	s0 =	rddreg [dreg:$0x14]  }
0x5b: {  	[tilespmem:s13], [sflag:$0x2] =	stream.indirect.gather [hbm4b:s3+s4], $0x40, s0, s4, $0xb8;
	[tilespmem:$0x15900] =	vst v63  }
0x5c: {  	s1 =	rddreg [dreg:$0x15]  }
0x5d: {  	[tilespmem:s14], [sflag:$0x2] =	stream.indirect.gather [hbm4b:s3+s4], $0x40, s1, s4, $0xb8;
	[tilespmem:$0x15900] =	vst v63  }
0x5e: {  	_ =	swait.ge [sflag:s9], $0x2000  }
0x5f: {  	[sflag:s9] =	ssyncset.done $0x0  }
0x60: {  	[sflag:s9] =	ssyncadd.s32 $0xFFFFE000  }
0x61: {  	_ =	swait.ge [sflag:s9], $0x2000  }
0x62: {  	[sflag:s9] =	ssyncset.done $0x0  }
0x63: {  	[sflag:s9] =	ssyncadd.s32 $0xFFFFE000  }
0x64: {  	_ =	swait.ge [sflag:s9], $0x2000  }
0x65: {  	[sflag:s9] =	ssyncset.done $0x0  }
0x66: {  	[sflag:s9] =	ssyncadd.s32 $0xFFFFE000  }
0x67: {  	_ =	swait.ge [sflag:s9], $0x2000  }
0x68: {  	[sflag:s9] =	ssyncset.done $0x0  }
0x69: {  	[sflag:s9] =	ssyncadd.s32 $0xFFFFE000  }
0x6a: {  	_ =	swait.ge [sflag:s9], $0x2000  }
0x6b: {  	[sflag:s9] =	ssyncset.done $0x0  }
0x6c: {  	s1 =	rddreg [dreg:$0x5];
	[sflag:s9] =	ssyncadd.s32 $0xFFFFE000  }
0x6d: {  	[hbm4b:s1+s2] =	stream.linear.scatter [tilespmem:s5], [sflag:$0x4], $0xA000, $0x38;
	[tilespmem:$0x15900] =	vst v63  }
0x6e: {  	_ =	swait.ge [sflag:s8], $0xA000  }
0x6f: {  	[sflag:s8] =	ssyncset.done $0x0  }
0x70: {  	s0 =	rddreg [dreg:$0x16];
	[sflag:s8] =	ssyncadd.s32 $0xFFFF6000  }
0x71: {  	[tilespmem:s6], [sflag:$0x1] =	stream.indirect.gather [hbm4b:s3+s4], $0x40, s0, s4, $0xb8;
	[tilespmem:$0x15900] =	vst v63  }
0x72: {  	s1 =	rddreg [dreg:$0x17]  }
0x73: {  	[tilespmem:s15], [sflag:$0x1] =	stream.indirect.gather [hbm4b:s3+s4], $0x40, s1, s4, $0xb8;
	[tilespmem:$0x15900] =	vst v63  }
0x74: {  	s0 =	rddreg [dreg:$0x18]  }
0x75: {  	[tilespmem:s16], [sflag:$0x1] =	stream.indirect.gather [hbm4b:s3+s4], $0x40, s0, s4, $0xb8;
	[tilespmem:$0x15900] =	vst v63  }
0x76: {  	s1 =	rddreg [dreg:$0x19]  }
0x77: {  	[tilespmem:s17], [sflag:$0x1] =	stream.indirect.gather [hbm4b:s3+s4], $0x40, s1, s4, $0xb8;
	[tilespmem:$0x15900] =	vst v63  }
0x78: {  	s0 =	rddreg [dreg:$0x1a]  }
0x79: {  	[tilespmem:s18], [sflag:$0x1] =	stream.indirect.gather [hbm4b:s3+s4], $0x40, s0, s4, $0xb8;
	[tilespmem:$0x15900] =	vst v63  }
0x7a: {  	_ =	swait.ge [sflag:s10], $0x2000  }
0x7b: {  	[sflag:s10] =	ssyncset.done $0x0  }
0x7c: {  	[sflag:s10] =	ssyncadd.s32 $0xFFFFE000  }
0x7d: {  	_ =	swait.ge [sflag:s10], $0x2000  }
0x7e: {  	[sflag:s10] =	ssyncset.done $0x0  }
0x7f: {  	[sflag:s10] =	ssyncadd.s32 $0xFFFFE000  }
0x80: {  	_ =	swait.ge [sflag:s10], $0x2000  }
0x81: {  	[sflag:s10] =	ssyncset.done $0x0  }
0x82: {  	[sflag:s10] =	ssyncadd.s32 $0xFFFFE000  }
0x83: {  	_ =	swait.ge [sflag:s10], $0x2000  }
0x84: {  	[sflag:s10] =	ssyncset.done $0x0  }
0x85: {  	[sflag:s10] =	ssyncadd.s32 $0xFFFFE000  }
0x86: {  	_ =	swait.ge [sflag:s10], $0x2000  }
0x87: {  	[sflag:s10] =	ssyncset.done $0x0  }
0x88: {  	s1 =	rddreg [dreg:$0x6];
	[sflag:s10] =	ssyncadd.s32 $0xFFFFE000  }
0x89: {  	[hbm4b:s1+s2] =	stream.linear.scatter [tilespmem:s6], [sflag:$0x3], $0xA000, $0x38;
	[tilespmem:$0x15900] =	vst v63  }
0x8a: {  	_ =	swait.ge [sflag:s7], $0xA000  }
0x8b: {  	[sflag:s7] =	ssyncset.done $0x0  }
0x8c: {  	s0 =	rddreg [dreg:$0x1b];
	[sflag:s7] =	ssyncadd.s32 $0xFFFF6000  }
0x8d: {  	[tilespmem:s5], [sflag:$0x2] =	stream.indirect.gather [hbm4b:s3+s4], $0x40, s0, s4, $0xb8;
	[tilespmem:$0x15900] =	vst v63  }
0x8e: {  	s1 =	rddreg [dreg:$0x1c]  }
0x8f: {  	[tilespmem:s11], [sflag:$0x2] =	stream.indirect.gather [hbm4b:s3+s4], $0x40, s1, s4, $0xb8;
	[tilespmem:$0x15900] =	vst v63  }
0x90: {  	s0 =	rddreg [dreg:$0x1d]  }
0x91: {  	[tilespmem:s12], [sflag:$0x2] =	stream.indirect.gather [hbm4b:s3+s4], $0x40, s0, s4, $0xb8;
	[tilespmem:$0x15900] =	vst v63  }
0x92: {  	s1 =	rddreg [dreg:$0x1e]  }
0x93: {  	[tilespmem:s13], [sflag:$0x2] =	stream.indirect.gather [hbm4b:s3+s4], $0x40, s1, s4, $0xb8;
	[tilespmem:$0x15900] =	vst v63  }
0x94: {  	s0 =	rddreg [dreg:$0x1f]  }
0x95: {  	[tilespmem:s14], [sflag:$0x2] =	stream.indirect.gather [hbm4b:s3+s4], $0x40, s0, s4, $0xb8;
	[tilespmem:$0x15900] =	vst v63  }
0x96: {  	_ =	swait.ge [sflag:s9], $0x2000  }
0x97: {  	[sflag:s9] =	ssyncset.done $0x0  }
0x98: {  	[sflag:s9] =	ssyncadd.s32 $0xFFFFE000  }
0x99: {  	_ =	swait.ge [sflag:s9], $0x2000  }
0x9a: {  	[sflag:s9] =	ssyncset.done $0x0  }
0x9b: {  	[sflag:s9] =	ssyncadd.s32 $0xFFFFE000  }
0x9c: {  	_ =	swait.ge [sflag:s9], $0x2000  }
0x9d: {  	[sflag:s9] =	ssyncset.done $0x0  }
0x9e: {  	[sflag:s9] =	ssyncadd.s32 $0xFFFFE000  }
0x9f: {  	_ =	swait.ge [sflag:s9], $0x2000  }
0xa0: {  	[sflag:s9] =	ssyncset.done $0x0  }
0xa1: {  	[sflag:s9] =	ssyncadd.s32 $0xFFFFE000  }
0xa2: {  	_ =	swait.ge [sflag:s9], $0x2000  }
0xa3: {  	[sflag:s9] =	ssyncset.done $0x0  }
0xa4: {  	s1 =	rddreg [dreg:$0x7];
	[sflag:s9] =	ssyncadd.s32 $0xFFFFE000  }
0xa5: {  	[hbm4b:s1+s2] =	stream.linear.scatter [tilespmem:s5], [sflag:$0x4], $0xA000, $0x38;
	[tilespmem:$0x15900] =	vst v63  }
0xa6: {  	_ =	swait.ge [sflag:s8], $0xA000  }
0xa7: {  	s0 =	sld [smem:$0x7EB]  }
0xa8: {  	[sflag:s8] =	ssyncset.done $0x0  }
0xa9: {  	s1 =	sld [smem:$0x7EC];
	[sflag:s8] =	ssyncadd.s32 $0xFFFF6000  }
0xaa: {  	[tilespmem:s6], [sflag:$0x1] =	stream.indirect.gather [hbm4b:s3+s4], $0x40, s0, s4, $0xb8;
	[tilespmem:$0x15900] =	vst v63  }
0xab: {  	s0 =	sld [smem:$0x7ED]  }
0xac: {  	[tilespmem:s15], [sflag:$0x1] =	stream.indirect.gather [hbm4b:s3+s4], $0x40, s1, s4, $0xb8;
	[tilespmem:$0x15900] =	vst v63  }
0xad: {  	s1 =	sld [smem:$0x7EE]  }
0xae: {  	[tilespmem:s16], [sflag:$0x1] =	stream.indirect.gather [hbm4b:s3+s4], $0x40, s0, s4, $0xb8;
	[tilespmem:$0x15900] =	vst v63  }
0xaf: {  	s0 =	sld [smem:$0x7EF]  }
0xb0: {  	[tilespmem:s17], [sflag:$0x1] =	stream.indirect.gather [hbm4b:s3+s4], $0x40, s1, s4, $0xb8;
	[tilespmem:$0x15900] =	vst v63  }
0xb1: {  	_ = 	snop  }
0xb2: {  	[tilespmem:s18], [sflag:$0x1] =	stream.indirect.gather [hbm4b:s3+s4], $0x40, s0, s4, $0xb8;
	[tilespmem:$0x15900] =	vst v63  }
0xb3: {  	_ =	swait.ge [sflag:s10], $0x2000  }
0xb4: {  	[sflag:s10] =	ssyncset.done $0x0  }
0xb5: {  	[sflag:s10] =	ssyncadd.s32 $0xFFFFE000  }
0xb6: {  	_ =	swait.ge [sflag:s10], $0x2000  }
0xb7: {  	[sflag:s10] =	ssyncset.done $0x0  }
0xb8: {  	[sflag:s10] =	ssyncadd.s32 $0xFFFFE000  }
0xb9: {  	_ =	swait.ge [sflag:s10], $0x2000  }
0xba: {  	[sflag:s10] =	ssyncset.done $0x0  }
0xbb: {  	[sflag:s10] =	ssyncadd.s32 $0xFFFFE000  }
0xbc: {  	_ =	swait.ge [sflag:s10], $0x2000  }
0xbd: {  	[sflag:s10] =	ssyncset.done $0x0  }
0xbe: {  	[sflag:s10] =	ssyncadd.s32 $0xFFFFE000  }
0xbf: {  	_ =	swait.ge [sflag:s10], $0x2000  }
0xc0: {  	[sflag:s10] =	ssyncset.done $0x0  }
0xc1: {  	s1 =	rddreg [dreg:$0x8];
	[sflag:s10] =	ssyncadd.s32 $0xFFFFE000  }
0xc2: {  	[hbm4b:s1+s2] =	stream.linear.scatter [tilespmem:s6], [sflag:$0x3], $0xA000, $0x38;
	[tilespmem:$0x15900] =	vst v63  }
0xc3: {  	_ =	swait.ge [sflag:s7], $0xA000  }
0xc4: {  	s0 =	sld [smem:$0x7F0]  }
0xc5: {  	[sflag:s7] =	ssyncset.done $0x0  }
0xc6: {  	s1 =	sld [smem:$0x7F1];
	[sflag:s7] =	ssyncadd.s32 $0xFFFF6000  }
0xc7: {  	[tilespmem:s5], [sflag:$0x2] =	stream.indirect.gather [hbm4b:s3+s4], $0x40, s0, s4, $0xb8;
	[tilespmem:$0x15900] =	vst v63  }
0xc8: {  	s0 =	sld [smem:$0x7F2]  }
0xc9: {  	[tilespmem:s11], [sflag:$0x2] =	stream.indirect.gather [hbm4b:s3+s4], $0x40, s1, s4, $0xb8;
	[tilespmem:$0x15900] =	vst v63  }
0xca: {  	s1 =	sld [smem:$0x7F3]  }
0xcb: {  	[tilespmem:s12], [sflag:$0x2] =	stream.indirect.gather [hbm4b:s3+s4], $0x40, s0, s4, $0xb8;
	[tilespmem:$0x15900] =	vst v63  }
0xcc: {  	s0 =	sld [smem:$0x7F4]  }
0xcd: {  	[tilespmem:s13], [sflag:$0x2] =	stream.indirect.gather [hbm4b:s3+s4], $0x40, s1, s4, $0xb8;
	[tilespmem:$0x15900] =	vst v63  }
0xce: {  	_ = 	snop  }
0xcf: {  	[tilespmem:s14], [sflag:$0x2] =	stream.indirect.gather [hbm4b:s3+s4], $0x40, s0, s4, $0xb8;
	[tilespmem:$0x15900] =	vst v63  }
0xd0: {  	_ =	swait.ge [sflag:s9], $0x2000  }
0xd1: {  	[sflag:s9] =	ssyncset.done $0x0  }
0xd2: {  	[sflag:s9] =	ssyncadd.s32 $0xFFFFE000  }
0xd3: {  	_ =	swait.ge [sflag:s9], $0x2000  }
0xd4: {  	[sflag:s9] =	ssyncset.done $0x0  }
0xd5: {  	[sflag:s9] =	ssyncadd.s32 $0xFFFFE000  }
0xd6: {  	_ =	swait.ge [sflag:s9], $0x2000  }
0xd7: {  	[sflag:s9] =	ssyncset.done $0x0  }
0xd8: {  	[sflag:s9] =	ssyncadd.s32 $0xFFFFE000  }
0xd9: {  	_ =	swait.ge [sflag:s9], $0x2000  }
0xda: {  	[sflag:s9] =	ssyncset.done $0x0  }
0xdb: {  	[sflag:s9] =	ssyncadd.s32 $0xFFFFE000  }
0xdc: {  	_ =	swait.ge [sflag:s9], $0x2000  }
0xdd: {  	[sflag:s9] =	ssyncset.done $0x0  }
0xde: {  	s1 =	rddreg [dreg:$0x9];
	[sflag:s9] =	ssyncadd.s32 $0xFFFFE000  }
0xdf: {  	[hbm4b:s1+s2] =	stream.linear.scatter [tilespmem:s5], [sflag:$0x4], $0xA000, $0x38;
	[tilespmem:$0x15900] =	vst v63  }
0xe0: {  	_ =	swait.ge [sflag:s8], $0xA000  }
0xe1: {  	s0 =	sld [smem:$0x7F5]  }
0xe2: {  	[sflag:s8] =	ssyncset.done $0x0  }
0xe3: {  	s1 =	sld [smem:$0x7F6];
	[sflag:s8] =	ssyncadd.s32 $0xFFFF6000  }
0xe4: {  	[tilespmem:s6], [sflag:$0x1] =	stream.indirect.gather [hbm4b:s3+s4], $0x40, s0, s4, $0xb8;
	[tilespmem:$0x15900] =	vst v63  }
0xe5: {  	s0 =	sld [smem:$0x7F7]  }
0xe6: {  	[tilespmem:s15], [sflag:$0x1] =	stream.indirect.gather [hbm4b:s3+s4], $0x40, s1, s4, $0xb8;
	[tilespmem:$0x15900] =	vst v63  }
0xe7: {  	s1 =	sld [smem:$0x7F8]  }
0xe8: {  	[tilespmem:s16], [sflag:$0x1] =	stream.indirect.gather [hbm4b:s3+s4], $0x40, s0, s4, $0xb8;
	[tilespmem:$0x15900] =	vst v63  }
0xe9: {  	s0 =	sld [smem:$0x7F9]  }
0xea: {  	[tilespmem:s17], [sflag:$0x1] =	stream.indirect.gather [hbm4b:s3+s4], $0x40, s1, s4, $0xb8;
	[tilespmem:$0x15900] =	vst v63  }
0xeb: {  	_ = 	snop  }
0xec: {  	[tilespmem:s18], [sflag:$0x1] =	stream.indirect.gather [hbm4b:s3+s4], $0x40, s0, s4, $0xb8;
	[tilespmem:$0x15900] =	vst v63  }
0xed: {  	_ =	swait.ge [sflag:s10], $0x2000  }
0xee: {  	[sflag:s10] =	ssyncset.done $0x0  }
0xef: {  	[sflag:s10] =	ssyncadd.s32 $0xFFFFE000  }
0xf0: {  	_ =	swait.ge [sflag:s10], $0x2000  }
0xf1: {  	[sflag:s10] =	ssyncset.done $0x0  }
0xf2: {  	[sflag:s10] =	ssyncadd.s32 $0xFFFFE000  }
0xf3: {  	_ =	swait.ge [sflag:s10], $0x2000  }
0xf4: {  	[sflag:s10] =	ssyncset.done $0x0  }
0xf5: {  	[sflag:s10] =	ssyncadd.s32 $0xFFFFE000  }
0xf6: {  	_ =	swait.ge [sflag:s10], $0x2000  }
0xf7: {  	[sflag:s10] =	ssyncset.done $0x0  }
0xf8: {  	[sflag:s10] =	ssyncadd.s32 $0xFFFFE000  }
0xf9: {  	_ =	swait.ge [sflag:s10], $0x2000  }
0xfa: {  	[sflag:s10] =	ssyncset.done $0x0  }
0xfb: {  	s1 =	rddreg [dreg:$0xa];
	[sflag:s10] =	ssyncadd.s32 $0xFFFFE000  }
0xfc: {  	[hbm4b:s1+s2] =	stream.linear.scatter [tilespmem:s6], [sflag:$0x3], $0xA000, $0x38;
	[tilespmem:$0x15900] =	vst v63  }
0xfd: {  	_ =	swait.ge [sflag:s7], $0xA000  }
0xfe: {  	s0 =	sld [smem:$0x7FA]  }
0xff: {  	[sflag:s7] =	ssyncset.done $0x0  }
0x100: {  	s1 =	sld [smem:$0x7FB];
	[sflag:s7] =	ssyncadd.s32 $0xFFFF6000  }
0x101: {  	[tilespmem:s5], [sflag:$0x2] =	stream.indirect.gather [hbm4b:s3+s4], $0x40, s0, s4, $0xb8;
	[tilespmem:$0x15900] =	vst v63  }
0x102: {  	s0 =	sld [smem:$0x7FC]  }
0x103: {  	[tilespmem:s11], [sflag:$0x2] =	stream.indirect.gather [hbm4b:s3+s4], $0x40, s1, s4, $0xb8;
	[tilespmem:$0x15900] =	vst v63  }
0x104: {  	s1 =	sld [smem:$0x7FD]  }
0x105: {  	[tilespmem:s12], [sflag:$0x2] =	stream.indirect.gather [hbm4b:s3+s4], $0x40, s0, s4, $0xb8;
	[tilespmem:$0x15900] =	vst v63  }
0x106: {  	_ = 	snop  }
0x107: {  	[tilespmem:s13], [sflag:$0x2] =	stream.indirect.gather [hbm4b:s3+s4], $0x40, s1, s4, $0xb8;
	[tilespmem:$0x15900] =	vst v63  }
0x108: {  	_ = 	snop  }
0x109: {  	[tilespmem:s14], [sflag:$0x2] =	stream.indirect.gather [hbm4b:s3+s4], $0x40, s25, s4, $0xb8;
	[tilespmem:$0x15900] =	vst v63  }
0x10a: {  	_ =	swait.ge [sflag:s9], $0x2000  }
0x10b: {  	[sflag:s9] =	ssyncset.done $0x0  }
0x10c: {  	[sflag:s9] =	ssyncadd.s32 $0xFFFFE000  }
0x10d: {  	_ =	swait.ge [sflag:s9], $0x2000  }
0x10e: {  	[sflag:s9] =	ssyncset.done $0x0  }
0x10f: {  	[sflag:s9] =	ssyncadd.s32 $0xFFFFE000  }
0x110: {  	_ =	swait.ge [sflag:s9], $0x2000  }
0x111: {  	[sflag:s9] =	ssyncset.done $0x0  }
0x112: {  	[sflag:s9] =	ssyncadd.s32 $0xFFFFE000  }
0x113: {  	_ =	swait.ge [sflag:s9], $0x2000  }
0x114: {  	[sflag:s9] =	ssyncset.done $0x0  }
0x115: {  	[sflag:s9] =	ssyncadd.s32 $0xFFFFE000  }
0x116: {  	_ =	swait.ge [sflag:s9], $0x2000  }
0x117: {  	[sflag:s9] =	ssyncset.done $0x0  }
0x118: {  	s1 =	rddreg [dreg:$0xb];
	[sflag:s9] =	ssyncadd.s32 $0xFFFFE000  }
0x119: {  	[hbm4b:s1+s2] =	stream.linear.scatter [tilespmem:s5], [sflag:$0x4], $0xA000, $0x38;
	[tilespmem:$0x15900] =	vst v63  }
0x11a: {  	_ =	swait.ge [sflag:s8], $0xA000  }
0x11b: {  	[sflag:s8] =	ssyncset.done $0x0  }
0x11c: {  	s1 =	simm.s32 $0x1400;
	[sflag:s8] =	ssyncadd.s32 $0xFFFF6000  }
0x11d: {  	[tilespmem:s6], [sflag:$0x1] =	stream.indirect.gather [hbm4b:s3+s4], $0x40, s1, s4, $0xb8;
	[tilespmem:$0x15900] =	vst v63  }
0x11e: {  	_ = 	snop  }
0x11f: {  	[tilespmem:s15], [sflag:$0x1] =	stream.indirect.gather [hbm4b:s3+s4], $0x40, s26, s4, $0xb8;
	[tilespmem:$0x15900] =	vst v63  }
0x120: {  	_ = 	snop  }
0x121: {  	[tilespmem:s16], [sflag:$0x1] =	stream.indirect.gather [hbm4b:s3+s4], $0x40, s28, s4, $0xb8;
	[tilespmem:$0x15900] =	vst v63  }
0x122: {  	_ = 	snop  }
0x123: {  	[tilespmem:s17], [sflag:$0x1] =	stream.indirect.gather [hbm4b:s3+s4], $0x40, s29, s4, $0xb8;
	[tilespmem:$0x15900] =	vst v63  }
0x124: {  	_ = 	snop  }
0x125: {  	[tilespmem:s18], [sflag:$0x1] =	stream.indirect.gather [hbm4b:s3+s4], $0x40, s30, s4, $0xb8;
	[tilespmem:$0x15900] =	vst v63  }
0x126: {  	_ =	swait.ge [sflag:s10], $0x2000  }
0x127: {  	[sflag:s10] =	ssyncset.done $0x0  }
0x128: {  	[sflag:s10] =	ssyncadd.s32 $0xFFFFE000  }
0x129: {  	_ =	swait.ge [sflag:s10], $0x2000  }
0x12a: {  	[sflag:s10] =	ssyncset.done $0x0  }
0x12b: {  	[sflag:s10] =	ssyncadd.s32 $0xFFFFE000  }
0x12c: {  	_ =	swait.ge [sflag:s10], $0x2000  }
0x12d: {  	[sflag:s10] =	ssyncset.done $0x0  }
0x12e: {  	[sflag:s10] =	ssyncadd.s32 $0xFFFFE000  }
0x12f: {  	_ =	swait.ge [sflag:s10], $0x2000  }
0x130: {  	[sflag:s10] =	ssyncset.done $0x0  }
0x131: {  	[sflag:s10] =	ssyncadd.s32 $0xFFFFE000  }
0x132: {  	_ =	swait.ge [sflag:s10], $0x2000  }
0x133: {  	[sflag:s10] =	ssyncset.done $0x0  }
0x134: {  	s1 =	rddreg [dreg:$0xc];
	[sflag:s10] =	ssyncadd.s32 $0xFFFFE000  }
0x135: {  	[hbm4b:s1+s2] =	stream.linear.scatter [tilespmem:s6], [sflag:$0x3], $0xA000, $0x38;
	[tilespmem:$0x15900] =	vst v63  }
0x136: {  	_ =	swait.ge [sflag:s7], $0xA000  }
0x137: {  	[sflag:s7] =	ssyncset.done $0x0  }
0x138: {  	[sflag:s7] =	ssyncadd.s32 $0xFFFF6000  }
0x139: {  	[tilespmem:s5], [sflag:$0x2] =	stream.indirect.gather [hbm4b:s3+s4], $0x40, s20, s4, $0xb8;
	[tilespmem:$0x15900] =	vst v63  }
0x13a: {  	_ = 	snop  }
0x13b: {  	[tilespmem:s11], [sflag:$0x2] =	stream.indirect.gather [hbm4b:s3+s4], $0x40, s21, s4, $0xb8;
	[tilespmem:$0x15900] =	vst v63  }
0x13c: {  	_ = 	snop  }
0x13d: {  	[tilespmem:s12], [sflag:$0x2] =	stream.indirect.gather [hbm4b:s3+s4], $0x40, s22, s4, $0xb8;
	[tilespmem:$0x15900] =	vst v63  }
0x13e: {  	_ = 	snop  }
0x13f: {  	[tilespmem:s13], [sflag:$0x2] =	stream.indirect.gather [hbm4b:s3+s4], $0x40, s23, s4, $0xb8;
	[tilespmem:$0x15900] =	vst v63  }
0x140: {  	_ = 	snop  }
0x141: {  	[tilespmem:s14], [sflag:$0x2] =	stream.indirect.gather [hbm4b:s3+s4], $0x40, s24, s4, $0xb8;
	[tilespmem:$0x15900] =	vst v63  }
0x142: {  	_ =	swait.ge [sflag:s9], $0x2000  }
0x143: {  	[sflag:s9] =	ssyncset.done $0x0  }
0x144: {  	[sflag:s9] =	ssyncadd.s32 $0xFFFFE000  }
0x145: {  	_ =	swait.ge [sflag:s9], $0x2000  }
0x146: {  	[sflag:s9] =	ssyncset.done $0x0  }
0x147: {  	[sflag:s9] =	ssyncadd.s32 $0xFFFFE000  }
0x148: {  	_ =	swait.ge [sflag:s9], $0x2000  }
0x149: {  	[sflag:s9] =	ssyncset.done $0x0  }
0x14a: {  	[sflag:s9] =	ssyncadd.s32 $0xFFFFE000  }
0x14b: {  	_ =	swait.ge [sflag:s9], $0x2000  }
0x14c: {  	[sflag:s9] =	ssyncset.done $0x0  }
0x14d: {  	[sflag:s9] =	ssyncadd.s32 $0xFFFFE000  }
0x14e: {  	_ =	swait.ge [sflag:s9], $0x2000  }
0x14f: {  	[sflag:s9] =	ssyncset.done $0x0  }
0x150: {  	p1 =	sne.s32 s19, $0x1;
	s1 =	rddreg [dreg:$0xd];
	[sflag:s9] =	ssyncadd.s32 $0xFFFFE000  }
0x151: {  	[hbm4b:s1+s2] =	stream.linear.scatter [tilespmem:s5], [sflag:$0x4], $0xA000, $0x38;
	[tilespmem:$0x15900] =	vst v63  }
.Ltmp1:
0x152: {  	_ =	swait.ge [sflag:s8], $0xA000;
	(pc) =	sbr.rel @!p1 .LBB2_3-.Ltmp1, $4  }
0x153: {  	[sflag:s8] =	ssyncset.done $0x0  }
0x154: {  	[sflag:s8] =	ssyncadd.s32 $0xFFFF6000  }
0x155: {  	p0 =	por $0x1, $0x1;
	_ =	swait.ge [sflag:s7], $0xA000  }
0x156: {  	s1 =	sadd.s32 $0xFFFFFFFF, s19;
	s0 =	rddreg [dreg:$0x3];
	[sflag:s7] =	ssyncset.done $0x0  }
.LBB2_4:
0x157: {  	[sflag:s7] =	ssyncadd.s32 $0xFFFF6000  }
0x158: {  	[tilespmem:s2], [sflag:$0x5] =	stream.linear.gather [hbm4b:s0+s2], $0x1900, $0x38;
	[tilespmem:$0x15900] =	vst v63  }
0x159: {  	_ =	swait.ge [sflag:s31], $0x1900  }
0x15a: {  	[sflag:s31] =	ssyncset.done $0x0  }
0x15b: {  	[sflag:s31] =	ssyncadd.s32 $0xFFFFE700  }
0x15c: {  	[tilespmem:s6], [sflag:$0x1] =	stream.indirect.gather [hbm4b:s3+s4], $0x40, s2, s4, $0xb8;
	[tilespmem:$0x15900] =	vst v63  }
0x15d: {  	_ = 	snop  }
0x15e: {  	[tilespmem:s15], [sflag:$0x1] =	stream.indirect.gather [hbm4b:s3+s4], $0x40, s4, s4, $0xb8;
	[tilespmem:$0x15900] =	vst v63  }
0x15f: {  	s0 =	rddreg [dreg:$0xe]  }
0x160: {  	[tilespmem:s16], [sflag:$0x1] =	stream.indirect.gather [hbm4b:s3+s4], $0x40, s0, s4, $0xb8;
	[tilespmem:$0x15900] =	vst v63  }
0x161: {  	s19 =	rddreg [dreg:$0xf]  }
0x162: {  	[tilespmem:s17], [sflag:$0x1] =	stream.indirect.gather [hbm4b:s3+s4], $0x40, s19, s4, $0xb8;
	[tilespmem:$0x15900] =	vst v63  }
0x163: {  	s0 =	rddreg [dreg:$0x10]  }
0x164: {  	[tilespmem:s18], [sflag:$0x1] =	stream.indirect.gather [hbm4b:s3+s4], $0x40, s0, s4, $0xb8;
	[tilespmem:$0x15900] =	vst v63  }
0x165: {  	_ =	swait.ge [sflag:s10], $0x2000  }
0x166: {  	[sflag:s10] =	ssyncset.done $0x0  }
0x167: {  	[sflag:s10] =	ssyncadd.s32 $0xFFFFE000  }
0x168: {  	_ =	swait.ge [sflag:s10], $0x2000  }
0x169: {  	[sflag:s10] =	ssyncset.done $0x0  }
0x16a: {  	[sflag:s10] =	ssyncadd.s32 $0xFFFFE000  }
0x16b: {  	_ =	swait.ge [sflag:s10], $0x2000  }
0x16c: {  	[sflag:s10] =	ssyncset.done $0x0  }
0x16d: {  	[sflag:s10] =	ssyncadd.s32 $0xFFFFE000  }
0x16e: {  	_ =	swait.ge [sflag:s10], $0x2000  }
0x16f: {  	[sflag:s10] =	ssyncset.done $0x0  }
0x170: {  	[sflag:s10] =	ssyncadd.s32 $0xFFFFE000  }
0x171: {  	_ =	swait.ge [sflag:s10], $0x2000  }
0x172: {  	[sflag:s10] =	ssyncset.done $0x0  }
0x173: {  	s0 =	rddreg [dreg:$0x4];
	[sflag:s10] =	ssyncadd.s32 $0xFFFFE000  }
0x174: {  	[hbm4b:s0+s2] =	stream.linear.scatter [tilespmem:s6], [sflag:$0x3], $0xA000, $0x38;
	[tilespmem:$0x15900] =	vst v63  }
0x175: {  	s19 =	rddreg [dreg:$0x11]  }
0x176: {  	[tilespmem:s5], [sflag:$0x2] =	stream.indirect.gather [hbm4b:s3+s4], $0x40, s19, s4, $0xb8;
	[tilespmem:$0x15900] =	vst v63  }
0x177: {  	s0 =	rddreg [dreg:$0x12]  }
0x178: {  	[tilespmem:s11], [sflag:$0x2] =	stream.indirect.gather [hbm4b:s3+s4], $0x40, s0, s4, $0xb8;
	[tilespmem:$0x15900] =	vst v63  }
0x179: {  	s19 =	rddreg [dreg:$0x13]  }
0x17a: {  	[tilespmem:s12], [sflag:$0x2] =	stream.indirect.gather [hbm4b:s3+s4], $0x40, s19, s4, $0xb8;
	[tilespmem:$0x15900] =	vst v63  }
0x17b: {  	s0 =	rddreg [dreg:$0x14]  }
0x17c: {  	[tilespmem:s13], [sflag:$0x2] =	stream.indirect.gather [hbm4b:s3+s4], $0x40, s0, s4, $0xb8;
	[tilespmem:$0x15900] =	vst v63  }
0x17d: {  	s19 =	rddreg [dreg:$0x15]  }
0x17e: {  	[tilespmem:s14], [sflag:$0x2] =	stream.indirect.gather [hbm4b:s3+s4], $0x40, s19, s4, $0xb8;
	[tilespmem:$0x15900] =	vst v63  }
0x17f: {  	_ =	swait.ge [sflag:s9], $0x2000  }
0x180: {  	[sflag:s9] =	ssyncset.done $0x0  }
0x181: {  	[sflag:s9] =	ssyncadd.s32 $0xFFFFE000  }
0x182: {  	_ =	swait.ge [sflag:s9], $0x2000  }
0x183: {  	[sflag:s9] =	ssyncset.done $0x0  }
0x184: {  	[sflag:s9] =	ssyncadd.s32 $0xFFFFE000  }
0x185: {  	_ =	swait.ge [sflag:s9], $0x2000  }
0x186: {  	[sflag:s9] =	ssyncset.done $0x0  }
0x187: {  	[sflag:s9] =	ssyncadd.s32 $0xFFFFE000  }
0x188: {  	_ =	swait.ge [sflag:s9], $0x2000  }
0x189: {  	[sflag:s9] =	ssyncset.done $0x0  }
0x18a: {  	[sflag:s9] =	ssyncadd.s32 $0xFFFFE000  }
0x18b: {  	_ =	swait.ge [sflag:s9], $0x2000  }
0x18c: {  	[sflag:s9] =	ssyncset.done $0x0  }
0x18d: {  	s19 =	rddreg [dreg:$0x5];
	[sflag:s9] =	ssyncadd.s32 $0xFFFFE000  }
0x18e: {  	[hbm4b:s19+s2] =	stream.linear.scatter [tilespmem:s5], [sflag:$0x4], $0xA000, $0x38;
	[tilespmem:$0x15900] =	vst v63  }
0x18f: {  	_ =	swait.ge [sflag:s8], $0xA000  }
0x190: {  	[sflag:s8] =	ssyncset.done $0x0  }
0x191: {  	s0 =	rddreg [dreg:$0x16];
	[sflag:s8] =	ssyncadd.s32 $0xFFFF6000  }
0x192: {  	[tilespmem:s6], [sflag:$0x1] =	stream.indirect.gather [hbm4b:s3+s4], $0x40, s0, s4, $0xb8;
	[tilespmem:$0x15900] =	vst v63  }
0x193: {  	s19 =	rddreg [dreg:$0x17]  }
0x194: {  	[tilespmem:s15], [sflag:$0x1] =	stream.indirect.gather [hbm4b:s3+s4], $0x40, s19, s4, $0xb8;
	[tilespmem:$0x15900] =	vst v63  }
0x195: {  	s0 =	rddreg [dreg:$0x18]  }
0x196: {  	[tilespmem:s16], [sflag:$0x1] =	stream.indirect.gather [hbm4b:s3+s4], $0x40, s0, s4, $0xb8;
	[tilespmem:$0x15900] =	vst v63  }
0x197: {  	s19 =	rddreg [dreg:$0x19]  }
0x198: {  	[tilespmem:s17], [sflag:$0x1] =	stream.indirect.gather [hbm4b:s3+s4], $0x40, s19, s4, $0xb8;
	[tilespmem:$0x15900] =	vst v63  }
0x199: {  	s0 =	rddreg [dreg:$0x1a]  }
0x19a: {  	[tilespmem:s18], [sflag:$0x1] =	stream.indirect.gather [hbm4b:s3+s4], $0x40, s0, s4, $0xb8;
	[tilespmem:$0x15900] =	vst v63  }
0x19b: {  	_ =	swait.ge [sflag:s10], $0x2000  }
0x19c: {  	[sflag:s10] =	ssyncset.done $0x0  }
0x19d: {  	[sflag:s10] =	ssyncadd.s32 $0xFFFFE000  }
0x19e: {  	_ =	swait.ge [sflag:s10], $0x2000  }
0x19f: {  	[sflag:s10] =	ssyncset.done $0x0  }
0x1a0: {  	[sflag:s10] =	ssyncadd.s32 $0xFFFFE000  }
0x1a1: {  	_ =	swait.ge [sflag:s10], $0x2000  }
0x1a2: {  	[sflag:s10] =	ssyncset.done $0x0  }
0x1a3: {  	[sflag:s10] =	ssyncadd.s32 $0xFFFFE000  }
0x1a4: {  	_ =	swait.ge [sflag:s10], $0x2000  }
0x1a5: {  	[sflag:s10] =	ssyncset.done $0x0  }
0x1a6: {  	[sflag:s10] =	ssyncadd.s32 $0xFFFFE000  }
0x1a7: {  	_ =	swait.ge [sflag:s10], $0x2000  }
0x1a8: {  	[sflag:s10] =	ssyncset.done $0x0  }
0x1a9: {  	s19 =	rddreg [dreg:$0x6];
	[sflag:s10] =	ssyncadd.s32 $0xFFFFE000  }
0x1aa: {  	[hbm4b:s19+s2] =	stream.linear.scatter [tilespmem:s6], [sflag:$0x3], $0xA000, $0x38;
	[tilespmem:$0x15900] =	vst v63  }
0x1ab: {  	_ =	swait.ge [sflag:s7], $0xA000  }
0x1ac: {  	[sflag:s7] =	ssyncset.done $0x0  }
0x1ad: {  	s0 =	rddreg [dreg:$0x1b];
	[sflag:s7] =	ssyncadd.s32 $0xFFFF6000  }
0x1ae: {  	[tilespmem:s5], [sflag:$0x2] =	stream.indirect.gather [hbm4b:s3+s4], $0x40, s0, s4, $0xb8;
	[tilespmem:$0x15900] =	vst v63  }
0x1af: {  	s19 =	rddreg [dreg:$0x1c]  }
0x1b0: {  	[tilespmem:s11], [sflag:$0x2] =	stream.indirect.gather [hbm4b:s3+s4], $0x40, s19, s4, $0xb8;
	[tilespmem:$0x15900] =	vst v63  }
0x1b1: {  	s0 =	rddreg [dreg:$0x1d]  }
0x1b2: {  	[tilespmem:s12], [sflag:$0x2] =	stream.indirect.gather [hbm4b:s3+s4], $0x40, s0, s4, $0xb8;
	[tilespmem:$0x15900] =	vst v63  }
0x1b3: {  	s19 =	rddreg [dreg:$0x1e]  }
0x1b4: {  	[tilespmem:s13], [sflag:$0x2] =	stream.indirect.gather [hbm4b:s3+s4], $0x40, s19, s4, $0xb8;
	[tilespmem:$0x15900] =	vst v63  }
0x1b5: {  	s0 =	rddreg [dreg:$0x1f]  }
0x1b6: {  	[tilespmem:s14], [sflag:$0x2] =	stream.indirect.gather [hbm4b:s3+s4], $0x40, s0, s4, $0xb8;
	[tilespmem:$0x15900] =	vst v63  }
0x1b7: {  	_ =	swait.ge [sflag:s9], $0x2000  }
0x1b8: {  	[sflag:s9] =	ssyncset.done $0x0  }
0x1b9: {  	[sflag:s9] =	ssyncadd.s32 $0xFFFFE000  }
0x1ba: {  	_ =	swait.ge [sflag:s9], $0x2000  }
0x1bb: {  	[sflag:s9] =	ssyncset.done $0x0  }
0x1bc: {  	[sflag:s9] =	ssyncadd.s32 $0xFFFFE000  }
0x1bd: {  	_ =	swait.ge [sflag:s9], $0x2000  }
0x1be: {  	[sflag:s9] =	ssyncset.done $0x0  }
0x1bf: {  	[sflag:s9] =	ssyncadd.s32 $0xFFFFE000  }
0x1c0: {  	_ =	swait.ge [sflag:s9], $0x2000  }
0x1c1: {  	[sflag:s9] =	ssyncset.done $0x0  }
0x1c2: {  	[sflag:s9] =	ssyncadd.s32 $0xFFFFE000  }
0x1c3: {  	_ =	swait.ge [sflag:s9], $0x2000  }
0x1c4: {  	[sflag:s9] =	ssyncset.done $0x0  }
0x1c5: {  	s19 =	rddreg [dreg:$0x7];
	[sflag:s9] =	ssyncadd.s32 $0xFFFFE000  }
0x1c6: {  	[hbm4b:s19+s2] =	stream.linear.scatter [tilespmem:s5], [sflag:$0x4], $0xA000, $0x38;
	[tilespmem:$0x15900] =	vst v63  }
0x1c7: {  	_ =	swait.ge [sflag:s8], $0xA000  }
0x1c8: {  	s0 =	sld [smem:$0x7EB]  }
0x1c9: {  	[sflag:s8] =	ssyncset.done $0x0  }
0x1ca: {  	s19 =	sld [smem:$0x7EC];
	[sflag:s8] =	ssyncadd.s32 $0xFFFF6000  }
0x1cb: {  	[tilespmem:s6], [sflag:$0x1] =	stream.indirect.gather [hbm4b:s3+s4], $0x40, s0, s4, $0xb8;
	[tilespmem:$0x15900] =	vst v63  }
0x1cc: {  	s0 =	sld [smem:$0x7ED]  }
0x1cd: {  	[tilespmem:s15], [sflag:$0x1] =	stream.indirect.gather [hbm4b:s3+s4], $0x40, s19, s4, $0xb8;
	[tilespmem:$0x15900] =	vst v63  }
0x1ce: {  	s19 =	sld [smem:$0x7EE]  }
0x1cf: {  	[tilespmem:s16], [sflag:$0x1] =	stream.indirect.gather [hbm4b:s3+s4], $0x40, s0, s4, $0xb8;
	[tilespmem:$0x15900] =	vst v63  }
0x1d0: {  	s0 =	sld [smem:$0x7EF]  }
0x1d1: {  	[tilespmem:s17], [sflag:$0x1] =	stream.indirect.gather [hbm4b:s3+s4], $0x40, s19, s4, $0xb8;
	[tilespmem:$0x15900] =	vst v63  }
0x1d2: {  	_ = 	snop  }
0x1d3: {  	[tilespmem:s18], [sflag:$0x1] =	stream.indirect.gather [hbm4b:s3+s4], $0x40, s0, s4, $0xb8;
	[tilespmem:$0x15900] =	vst v63  }
0x1d4: {  	_ =	swait.ge [sflag:s10], $0x2000  }
0x1d5: {  	[sflag:s10] =	ssyncset.done $0x0  }
0x1d6: {  	[sflag:s10] =	ssyncadd.s32 $0xFFFFE000  }
0x1d7: {  	_ =	swait.ge [sflag:s10], $0x2000  }
0x1d8: {  	[sflag:s10] =	ssyncset.done $0x0  }
0x1d9: {  	[sflag:s10] =	ssyncadd.s32 $0xFFFFE000  }
0x1da: {  	_ =	swait.ge [sflag:s10], $0x2000  }
0x1db: {  	[sflag:s10] =	ssyncset.done $0x0  }
0x1dc: {  	[sflag:s10] =	ssyncadd.s32 $0xFFFFE000  }
0x1dd: {  	_ =	swait.ge [sflag:s10], $0x2000  }
0x1de: {  	[sflag:s10] =	ssyncset.done $0x0  }
0x1df: {  	[sflag:s10] =	ssyncadd.s32 $0xFFFFE000  }
0x1e0: {  	_ =	swait.ge [sflag:s10], $0x2000  }
0x1e1: {  	[sflag:s10] =	ssyncset.done $0x0  }
0x1e2: {  	s19 =	rddreg [dreg:$0x8];
	[sflag:s10] =	ssyncadd.s32 $0xFFFFE000  }
0x1e3: {  	[hbm4b:s19+s2] =	stream.linear.scatter [tilespmem:s6], [sflag:$0x3], $0xA000, $0x38;
	[tilespmem:$0x15900] =	vst v63  }
0x1e4: {  	_ =	swait.ge [sflag:s7], $0xA000  }
0x1e5: {  	s0 =	sld [smem:$0x7F0]  }
0x1e6: {  	[sflag:s7] =	ssyncset.done $0x0  }
0x1e7: {  	s19 =	sld [smem:$0x7F1];
	[sflag:s7] =	ssyncadd.s32 $0xFFFF6000  }
0x1e8: {  	[tilespmem:s5], [sflag:$0x2] =	stream.indirect.gather [hbm4b:s3+s4], $0x40, s0, s4, $0xb8;
	[tilespmem:$0x15900] =	vst v63  }
0x1e9: {  	s0 =	sld [smem:$0x7F2]  }
0x1ea: {  	[tilespmem:s11], [sflag:$0x2] =	stream.indirect.gather [hbm4b:s3+s4], $0x40, s19, s4, $0xb8;
	[tilespmem:$0x15900] =	vst v63  }
0x1eb: {  	s19 =	sld [smem:$0x7F3]  }
0x1ec: {  	[tilespmem:s12], [sflag:$0x2] =	stream.indirect.gather [hbm4b:s3+s4], $0x40, s0, s4, $0xb8;
	[tilespmem:$0x15900] =	vst v63  }
0x1ed: {  	s0 =	sld [smem:$0x7F4]  }
0x1ee: {  	[tilespmem:s13], [sflag:$0x2] =	stream.indirect.gather [hbm4b:s3+s4], $0x40, s19, s4, $0xb8;
	[tilespmem:$0x15900] =	vst v63  }
0x1ef: {  	_ = 	snop  }
0x1f0: {  	[tilespmem:s14], [sflag:$0x2] =	stream.indirect.gather [hbm4b:s3+s4], $0x40, s0, s4, $0xb8;
	[tilespmem:$0x15900] =	vst v63  }
0x1f1: {  	_ =	swait.ge [sflag:s9], $0x2000  }
0x1f2: {  	[sflag:s9] =	ssyncset.done $0x0  }
0x1f3: {  	[sflag:s9] =	ssyncadd.s32 $0xFFFFE000  }
0x1f4: {  	_ =	swait.ge [sflag:s9], $0x2000  }
0x1f5: {  	[sflag:s9] =	ssyncset.done $0x0  }
0x1f6: {  	[sflag:s9] =	ssyncadd.s32 $0xFFFFE000  }
0x1f7: {  	_ =	swait.ge [sflag:s9], $0x2000  }
0x1f8: {  	[sflag:s9] =	ssyncset.done $0x0  }
0x1f9: {  	[sflag:s9] =	ssyncadd.s32 $0xFFFFE000  }
0x1fa: {  	_ =	swait.ge [sflag:s9], $0x2000  }
0x1fb: {  	[sflag:s9] =	ssyncset.done $0x0  }
0x1fc: {  	[sflag:s9] =	ssyncadd.s32 $0xFFFFE000  }
0x1fd: {  	_ =	swait.ge [sflag:s9], $0x2000  }
0x1fe: {  	[sflag:s9] =	ssyncset.done $0x0  }
0x1ff: {  	s19 =	rddreg [dreg:$0x9];
	[sflag:s9] =	ssyncadd.s32 $0xFFFFE000  }
0x200: {  	[hbm4b:s19+s2] =	stream.linear.scatter [tilespmem:s5], [sflag:$0x4], $0xA000, $0x38;
	[tilespmem:$0x15900] =	vst v63  }
0x201: {  	_ =	swait.ge [sflag:s8], $0xA000  }
0x202: {  	s0 =	sld [smem:$0x7F5]  }
0x203: {  	[sflag:s8] =	ssyncset.done $0x0  }
0x204: {  	s19 =	sld [smem:$0x7F6];
	[sflag:s8] =	ssyncadd.s32 $0xFFFF6000  }
0x205: {  	[tilespmem:s6], [sflag:$0x1] =	stream.indirect.gather [hbm4b:s3+s4], $0x40, s0, s4, $0xb8;
	[tilespmem:$0x15900] =	vst v63  }
0x206: {  	s0 =	sld [smem:$0x7F7]  }
0x207: {  	[tilespmem:s15], [sflag:$0x1] =	stream.indirect.gather [hbm4b:s3+s4], $0x40, s19, s4, $0xb8;
	[tilespmem:$0x15900] =	vst v63  }
0x208: {  	s19 =	sld [smem:$0x7F8]  }
0x209: {  	[tilespmem:s16], [sflag:$0x1] =	stream.indirect.gather [hbm4b:s3+s4], $0x40, s0, s4, $0xb8;
	[tilespmem:$0x15900] =	vst v63  }
0x20a: {  	s0 =	sld [smem:$0x7F9]  }
0x20b: {  	[tilespmem:s17], [sflag:$0x1] =	stream.indirect.gather [hbm4b:s3+s4], $0x40, s19, s4, $0xb8;
	[tilespmem:$0x15900] =	vst v63  }
0x20c: {  	_ = 	snop  }
0x20d: {  	[tilespmem:s18], [sflag:$0x1] =	stream.indirect.gather [hbm4b:s3+s4], $0x40, s0, s4, $0xb8;
	[tilespmem:$0x15900] =	vst v63  }
0x20e: {  	_ =	swait.ge [sflag:s10], $0x2000  }
0x20f: {  	[sflag:s10] =	ssyncset.done $0x0  }
0x210: {  	[sflag:s10] =	ssyncadd.s32 $0xFFFFE000  }
0x211: {  	_ =	swait.ge [sflag:s10], $0x2000  }
0x212: {  	[sflag:s10] =	ssyncset.done $0x0  }
0x213: {  	[sflag:s10] =	ssyncadd.s32 $0xFFFFE000  }
0x214: {  	_ =	swait.ge [sflag:s10], $0x2000  }
0x215: {  	[sflag:s10] =	ssyncset.done $0x0  }
0x216: {  	[sflag:s10] =	ssyncadd.s32 $0xFFFFE000  }
0x217: {  	_ =	swait.ge [sflag:s10], $0x2000  }
0x218: {  	[sflag:s10] =	ssyncset.done $0x0  }
0x219: {  	[sflag:s10] =	ssyncadd.s32 $0xFFFFE000  }
0x21a: {  	_ =	swait.ge [sflag:s10], $0x2000  }
0x21b: {  	[sflag:s10] =	ssyncset.done $0x0  }
0x21c: {  	s19 =	rddreg [dreg:$0xa];
	[sflag:s10] =	ssyncadd.s32 $0xFFFFE000  }
0x21d: {  	[hbm4b:s19+s2] =	stream.linear.scatter [tilespmem:s6], [sflag:$0x3], $0xA000, $0x38;
	[tilespmem:$0x15900] =	vst v63  }
0x21e: {  	_ =	swait.ge [sflag:s7], $0xA000  }
0x21f: {  	s0 =	sld [smem:$0x7FA]  }
0x220: {  	[sflag:s7] =	ssyncset.done $0x0  }
0x221: {  	s19 =	sld [smem:$0x7FB];
	[sflag:s7] =	ssyncadd.s32 $0xFFFF6000  }
0x222: {  	[tilespmem:s5], [sflag:$0x2] =	stream.indirect.gather [hbm4b:s3+s4], $0x40, s0, s4, $0xb8;
	[tilespmem:$0x15900] =	vst v63  }
0x223: {  	s0 =	sld [smem:$0x7FC]  }
0x224: {  	[tilespmem:s11], [sflag:$0x2] =	stream.indirect.gather [hbm4b:s3+s4], $0x40, s19, s4, $0xb8;
	[tilespmem:$0x15900] =	vst v63  }
0x225: {  	s19 =	sld [smem:$0x7FD]  }
0x226: {  	[tilespmem:s12], [sflag:$0x2] =	stream.indirect.gather [hbm4b:s3+s4], $0x40, s0, s4, $0xb8;
	[tilespmem:$0x15900] =	vst v63  }
0x227: {  	_ = 	snop  }
0x228: {  	[tilespmem:s13], [sflag:$0x2] =	stream.indirect.gather [hbm4b:s3+s4], $0x40, s19, s4, $0xb8;
	[tilespmem:$0x15900] =	vst v63  }
0x229: {  	_ = 	snop  }
0x22a: {  	[tilespmem:s14], [sflag:$0x2] =	stream.indirect.gather [hbm4b:s3+s4], $0x40, s25, s4, $0xb8;
	[tilespmem:$0x15900] =	vst v63  }
0x22b: {  	_ =	swait.ge [sflag:s9], $0x2000  }
0x22c: {  	[sflag:s9] =	ssyncset.done $0x0  }
0x22d: {  	[sflag:s9] =	ssyncadd.s32 $0xFFFFE000  }
0x22e: {  	_ =	swait.ge [sflag:s9], $0x2000  }
0x22f: {  	[sflag:s9] =	ssyncset.done $0x0  }
0x230: {  	[sflag:s9] =	ssyncadd.s32 $0xFFFFE000  }
0x231: {  	_ =	swait.ge [sflag:s9], $0x2000  }
0x232: {  	[sflag:s9] =	ssyncset.done $0x0  }
0x233: {  	[sflag:s9] =	ssyncadd.s32 $0xFFFFE000  }
0x234: {  	_ =	swait.ge [sflag:s9], $0x2000  }
0x235: {  	[sflag:s9] =	ssyncset.done $0x0  }
0x236: {  	[sflag:s9] =	ssyncadd.s32 $0xFFFFE000  }
0x237: {  	_ =	swait.ge [sflag:s9], $0x2000  }
0x238: {  	[sflag:s9] =	ssyncset.done $0x0  }
0x239: {  	s19 =	rddreg [dreg:$0xb];
	[sflag:s9] =	ssyncadd.s32 $0xFFFFE000  }
0x23a: {  	[hbm4b:s19+s2] =	stream.linear.scatter [tilespmem:s5], [sflag:$0x4], $0xA000, $0x38;
	[tilespmem:$0x15900] =	vst v63  }
0x23b: {  	_ =	swait.ge [sflag:s8], $0xA000  }
0x23c: {  	[sflag:s8] =	ssyncset.done $0x0  }
0x23d: {  	s19 =	simm.s32 $0x1400;
	[sflag:s8] =	ssyncadd.s32 $0xFFFF6000  }
0x23e: {  	[tilespmem:s6], [sflag:$0x1] =	stream.indirect.gather [hbm4b:s3+s4], $0x40, s19, s4, $0xb8;
	[tilespmem:$0x15900] =	vst v63  }
0x23f: {  	_ = 	snop  }
0x240: {  	[tilespmem:s15], [sflag:$0x1] =	stream.indirect.gather [hbm4b:s3+s4], $0x40, s26, s4, $0xb8;
	[tilespmem:$0x15900] =	vst v63  }
0x241: {  	_ = 	snop  }
0x242: {  	[tilespmem:s16], [sflag:$0x1] =	stream.indirect.gather [hbm4b:s3+s4], $0x40, s28, s4, $0xb8;
	[tilespmem:$0x15900] =	vst v63  }
0x243: {  	_ = 	snop  }
0x244: {  	[tilespmem:s17], [sflag:$0x1] =	stream.indirect.gather [hbm4b:s3+s4], $0x40, s29, s4, $0xb8;
	[tilespmem:$0x15900] =	vst v63  }
0x245: {  	_ = 	snop  }
0x246: {  	[tilespmem:s18], [sflag:$0x1] =	stream.indirect.gather [hbm4b:s3+s4], $0x40, s30, s4, $0xb8;
	[tilespmem:$0x15900] =	vst v63  }
0x247: {  	_ =	swait.ge [sflag:s10], $0x2000  }
0x248: {  	[sflag:s10] =	ssyncset.done $0x0  }
0x249: {  	[sflag:s10] =	ssyncadd.s32 $0xFFFFE000  }
0x24a: {  	_ =	swait.ge [sflag:s10], $0x2000  }
0x24b: {  	[sflag:s10] =	ssyncset.done $0x0  }
0x24c: {  	[sflag:s10] =	ssyncadd.s32 $0xFFFFE000  }
0x24d: {  	_ =	swait.ge [sflag:s10], $0x2000  }
0x24e: {  	[sflag:s10] =	ssyncset.done $0x0  }
0x24f: {  	[sflag:s10] =	ssyncadd.s32 $0xFFFFE000  }
0x250: {  	_ =	swait.ge [sflag:s10], $0x2000  }
0x251: {  	[sflag:s10] =	ssyncset.done $0x0  }
0x252: {  	[sflag:s10] =	ssyncadd.s32 $0xFFFFE000  }
0x253: {  	_ =	swait.ge [sflag:s10], $0x2000  }
0x254: {  	[sflag:s10] =	ssyncset.done $0x0  }
0x255: {  	s19 =	rddreg [dreg:$0xc];
	[sflag:s10] =	ssyncadd.s32 $0xFFFFE000  }
0x256: {  	[hbm4b:s19+s2] =	stream.linear.scatter [tilespmem:s6], [sflag:$0x3], $0xA000, $0x38;
	[tilespmem:$0x15900] =	vst v63  }
0x257: {  	_ =	swait.ge [sflag:s7], $0xA000  }
0x258: {  	[sflag:s7] =	ssyncset.done $0x0  }
0x259: {  	[sflag:s7] =	ssyncadd.s32 $0xFFFF6000  }
0x25a: {  	[tilespmem:s5], [sflag:$0x2] =	stream.indirect.gather [hbm4b:s3+s4], $0x40, s20, s4, $0xb8;
	[tilespmem:$0x15900] =	vst v63  }
0x25b: {  	_ = 	snop  }
0x25c: {  	[tilespmem:s11], [sflag:$0x2] =	stream.indirect.gather [hbm4b:s3+s4], $0x40, s21, s4, $0xb8;
	[tilespmem:$0x15900] =	vst v63  }
0x25d: {  	_ = 	snop  }
0x25e: {  	[tilespmem:s12], [sflag:$0x2] =	stream.indirect.gather [hbm4b:s3+s4], $0x40, s22, s4, $0xb8;
	[tilespmem:$0x15900] =	vst v63  }
0x25f: {  	_ = 	snop  }
0x260: {  	[tilespmem:s13], [sflag:$0x2] =	stream.indirect.gather [hbm4b:s3+s4], $0x40, s23, s4, $0xb8;
	[tilespmem:$0x15900] =	vst v63  }
0x261: {  	_ = 	snop  }
0x262: {  	[tilespmem:s14], [sflag:$0x2] =	stream.indirect.gather [hbm4b:s3+s4], $0x40, s24, s4, $0xb8;
	[tilespmem:$0x15900] =	vst v63  }
0x263: {  	_ =	swait.ge [sflag:s9], $0x2000  }
0x264: {  	[sflag:s9] =	ssyncset.done $0x0  }
0x265: {  	[sflag:s9] =	ssyncadd.s32 $0xFFFFE000  }
0x266: {  	_ =	swait.ge [sflag:s9], $0x2000  }
0x267: {  	[sflag:s9] =	ssyncset.done $0x0  }
0x268: {  	[sflag:s9] =	ssyncadd.s32 $0xFFFFE000  }
0x269: {  	_ =	swait.ge [sflag:s9], $0x2000  }
0x26a: {  	[sflag:s9] =	ssyncset.done $0x0  }
0x26b: {  	[sflag:s9] =	ssyncadd.s32 $0xFFFFE000  }
0x26c: {  	_ =	swait.ge [sflag:s9], $0x2000  }
0x26d: {  	[sflag:s9] =	ssyncset.done $0x0  }
0x26e: {  	[sflag:s9] =	ssyncadd.s32 $0xFFFFE000  }
0x26f: {  	_ =	swait.ge [sflag:s9], $0x2000  }
0x270: {  	[sflag:s9] =	ssyncset.done $0x0  }
0x271: {  	p1 =	sne.s32 s1, $0x1;
	s19 =	rddreg [dreg:$0xd];
	[sflag:s9] =	ssyncadd.s32 $0xFFFFE000  }
0x272: {  	[hbm4b:s19+s2] =	stream.linear.scatter [tilespmem:s5], [sflag:$0x4], $0xA000, $0x38;
	[tilespmem:$0x15900] =	vst v63  }
.Ltmp2:
0x273: {  	_ =	swait.ge [sflag:s8], $0xA000;
	(pc) =	sbr.rel @p1 .LBB2_4-.Ltmp2, $4  }
0x274: {  	[sflag:s8] =	ssyncset.done $0x0  }
0x275: {  	[sflag:s8] =	ssyncadd.s32 $0xFFFF6000  }
0x276: {  	_ =	swait.ge [sflag:s7], $0xA000  }
0x277: {  	s1 =	sadd.s32 $0xFFFFFFFF, s1;
	s0 =	rddreg [dreg:$0x3];
	[sflag:s7] =	ssyncset.done $0x0  }
0x278: {  	s24 =	simm.s32 $0x1380;
	s30 =	simm.s32 $0x1600  }
0x279: {  	s29 =	simm.s32 $0x1580;
	s28 =	simm.s32 $0x1500;
	s26 =	simm.s32 $0x1480  }
0x27a: {  	s25 =	simm.s32 $0x1400;
	s23 =	simm.s32 $0x1800;
	s22 =	simm.s32 $0x1780  }
0x27b: {  	s21 =	simm.s32 $0x1700;
	s20 =	simm.s32 $0x1680;
	s19 =	stileid.u32  }
.LBB2_6:
0x27c: {  	[sflag:s7] =	ssyncadd.s32 @p0 $0xFFFF6000  }
0x27d: {  	[tilespmem:s2], [sflag:$0x5] =	stream.linear.gather [hbm4b:s0+s2], $0x1900, $0x38;
	[tilespmem:$0x15900] =	vst v63  }
0x27e: {  	_ =	swait.ge [sflag:s31], $0x1900  }
0x27f: {  	[sflag:s31] =	ssyncset.done $0x0  }
0x280: {  	[sflag:s31] =	ssyncadd.s32 $0xFFFFE700  }
0x281: {  	[tilespmem:s6], [sflag:$0x1] =	stream.indirect.gather [hbm4b:s3+s4], $0x40, s2, s4, $0xb8;
	[tilespmem:$0x15900] =	vst v63  }
0x282: {  	_ = 	snop  }
0x283: {  	[tilespmem:s15], [sflag:$0x1] =	stream.indirect.gather [hbm4b:s3+s4], $0x40, s4, s4, $0xb8;
	[tilespmem:$0x15900] =	vst v63  }
0x284: {  	s31 =	rddreg [dreg:$0xe]  }
0x285: {  	[tilespmem:s16], [sflag:$0x1] =	stream.indirect.gather [hbm4b:s3+s4], $0x40, s31, s4, $0xb8;
	[tilespmem:$0x15900] =	vst v63  }
0x286: {  	s1 =	rddreg [dreg:$0xf]  }
0x287: {  	[tilespmem:s17], [sflag:$0x1] =	stream.indirect.gather [hbm4b:s3+s4], $0x40, s1, s4, $0xb8;
	[tilespmem:$0x15900] =	vst v63  }
0x288: {  	s31 =	rddreg [dreg:$0x10]  }
0x289: {  	[tilespmem:s18], [sflag:$0x1] =	stream.indirect.gather [hbm4b:s3+s4], $0x40, s31, s4, $0xb8;
	[tilespmem:$0x15900] =	vst v63  }
0x28a: {  	_ =	swait.ge [sflag:s10], $0x2000  }
0x28b: {  	[sflag:s10] =	ssyncset.done $0x0  }
0x28c: {  	[sflag:s10] =	ssyncadd.s32 $0xFFFFE000  }
0x28d: {  	_ =	swait.ge [sflag:s10], $0x2000  }
0x28e: {  	[sflag:s10] =	ssyncset.done $0x0  }
0x28f: {  	[sflag:s10] =	ssyncadd.s32 $0xFFFFE000  }
0x290: {  	_ =	swait.ge [sflag:s10], $0x2000  }
0x291: {  	[sflag:s10] =	ssyncset.done $0x0  }
0x292: {  	[sflag:s10] =	ssyncadd.s32 $0xFFFFE000  }
0x293: {  	_ =	swait.ge [sflag:s10], $0x2000  }
0x294: {  	[sflag:s10] =	ssyncset.done $0x0  }
0x295: {  	[sflag:s10] =	ssyncadd.s32 $0xFFFFE000  }
0x296: {  	_ =	swait.ge [sflag:s10], $0x2000  }
0x297: {  	[sflag:s10] =	ssyncset.done $0x0  }
0x298: {  	s1 =	rddreg [dreg:$0x4];
	[sflag:s10] =	ssyncadd.s32 $0xFFFFE000  }
0x299: {  	[hbm4b:s1+s2] =	stream.linear.scatter [tilespmem:s6], [sflag:$0x3], $0xA000, $0x38;
	[tilespmem:$0x15900] =	vst v63  }
0x29a: {  	s31 =	rddreg [dreg:$0x11]  }
0x29b: {  	[tilespmem:s5], [sflag:$0x2] =	stream.indirect.gather [hbm4b:s3+s4], $0x40, s31, s4, $0xb8;
	[tilespmem:$0x15900] =	vst v63  }
0x29c: {  	s0 =	rddreg [dreg:$0x12]  }
0x29d: {  	[tilespmem:s11], [sflag:$0x2] =	stream.indirect.gather [hbm4b:s3+s4], $0x40, s0, s4, $0xb8;
	[tilespmem:$0x15900] =	vst v63  }
0x29e: {  	s31 =	rddreg [dreg:$0x13]  }
0x29f: {  	[tilespmem:s12], [sflag:$0x2] =	stream.indirect.gather [hbm4b:s3+s4], $0x40, s31, s4, $0xb8;
	[tilespmem:$0x15900] =	vst v63  }
0x2a0: {  	s0 =	rddreg [dreg:$0x14]  }
0x2a1: {  	[tilespmem:s13], [sflag:$0x2] =	stream.indirect.gather [hbm4b:s3+s4], $0x40, s0, s4, $0xb8;
	[tilespmem:$0x15900] =	vst v63  }
0x2a2: {  	s31 =	rddreg [dreg:$0x15]  }
0x2a3: {  	[tilespmem:s14], [sflag:$0x2] =	stream.indirect.gather [hbm4b:s3+s4], $0x40, s31, s4, $0xb8;
	[tilespmem:$0x15900] =	vst v63  }
0x2a4: {  	_ =	swait.ge [sflag:s9], $0x2000  }
0x2a5: {  	[sflag:s9] =	ssyncset.done $0x0  }
0x2a6: {  	[sflag:s9] =	ssyncadd.s32 $0xFFFFE000  }
0x2a7: {  	_ =	swait.ge [sflag:s9], $0x2000  }
0x2a8: {  	[sflag:s9] =	ssyncset.done $0x0  }
0x2a9: {  	[sflag:s9] =	ssyncadd.s32 $0xFFFFE000  }
0x2aa: {  	_ =	swait.ge [sflag:s9], $0x2000  }
0x2ab: {  	[sflag:s9] =	ssyncset.done $0x0  }
0x2ac: {  	[sflag:s9] =	ssyncadd.s32 $0xFFFFE000  }
0x2ad: {  	_ =	swait.ge [sflag:s9], $0x2000  }
0x2ae: {  	[sflag:s9] =	ssyncset.done $0x0  }
0x2af: {  	[sflag:s9] =	ssyncadd.s32 $0xFFFFE000  }
0x2b0: {  	_ =	swait.ge [sflag:s9], $0x2000  }
0x2b1: {  	[sflag:s9] =	ssyncset.done $0x0  }
0x2b2: {  	s1 =	rddreg [dreg:$0x5];
	[sflag:s9] =	ssyncadd.s32 $0xFFFFE000  }
0x2b3: {  	[hbm4b:s1+s2] =	stream.linear.scatter [tilespmem:s5], [sflag:$0x4], $0xA000, $0x38;
	[tilespmem:$0x15900] =	vst v63  }
0x2b4: {  	_ =	swait.ge [sflag:s8], $0xA000  }
0x2b5: {  	[sflag:s8] =	ssyncset.done $0x0  }
0x2b6: {  	s31 =	rddreg [dreg:$0x16];
	[sflag:s8] =	ssyncadd.s32 $0xFFFF6000  }
0x2b7: {  	[tilespmem:s6], [sflag:$0x1] =	stream.indirect.gather [hbm4b:s3+s4], $0x40, s31, s4, $0xb8;
	[tilespmem:$0x15900] =	vst v63  }
0x2b8: {  	s1 =	rddreg [dreg:$0x17]  }
0x2b9: {  	[tilespmem:s15], [sflag:$0x1] =	stream.indirect.gather [hbm4b:s3+s4], $0x40, s1, s4, $0xb8;
	[tilespmem:$0x15900] =	vst v63  }
0x2ba: {  	s31 =	rddreg [dreg:$0x18]  }
0x2bb: {  	[tilespmem:s16], [sflag:$0x1] =	stream.indirect.gather [hbm4b:s3+s4], $0x40, s31, s4, $0xb8;
	[tilespmem:$0x15900] =	vst v63  }
0x2bc: {  	s1 =	rddreg [dreg:$0x19]  }
0x2bd: {  	[tilespmem:s17], [sflag:$0x1] =	stream.indirect.gather [hbm4b:s3+s4], $0x40, s1, s4, $0xb8;
	[tilespmem:$0x15900] =	vst v63  }
0x2be: {  	s31 =	rddreg [dreg:$0x1a]  }
0x2bf: {  	[tilespmem:s18], [sflag:$0x1] =	stream.indirect.gather [hbm4b:s3+s4], $0x40, s31, s4, $0xb8;
	[tilespmem:$0x15900] =	vst v63  }
0x2c0: {  	_ =	swait.ge [sflag:s10], $0x2000  }
0x2c1: {  	[sflag:s10] =	ssyncset.done $0x0  }
0x2c2: {  	[sflag:s10] =	ssyncadd.s32 $0xFFFFE000  }
0x2c3: {  	_ =	swait.ge [sflag:s10], $0x2000  }
0x2c4: {  	[sflag:s10] =	ssyncset.done $0x0  }
0x2c5: {  	[sflag:s10] =	ssyncadd.s32 $0xFFFFE000  }
0x2c6: {  	_ =	swait.ge [sflag:s10], $0x2000  }
0x2c7: {  	[sflag:s10] =	ssyncset.done $0x0  }
0x2c8: {  	[sflag:s10] =	ssyncadd.s32 $0xFFFFE000  }
0x2c9: {  	_ =	swait.ge [sflag:s10], $0x2000  }
0x2ca: {  	[sflag:s10] =	ssyncset.done $0x0  }
0x2cb: {  	[sflag:s10] =	ssyncadd.s32 $0xFFFFE000  }
0x2cc: {  	_ =	swait.ge [sflag:s10], $0x2000  }
0x2cd: {  	[sflag:s10] =	ssyncset.done $0x0  }
0x2ce: {  	s1 =	rddreg [dreg:$0x6];
	[sflag:s10] =	ssyncadd.s32 $0xFFFFE000  }
0x2cf: {  	[hbm4b:s1+s2] =	stream.linear.scatter [tilespmem:s6], [sflag:$0x3], $0xA000, $0x38;
	[tilespmem:$0x15900] =	vst v63  }
0x2d0: {  	_ =	swait.ge [sflag:s7], $0xA000  }
0x2d1: {  	[sflag:s7] =	ssyncset.done $0x0  }
0x2d2: {  	s31 =	rddreg [dreg:$0x1b];
	[sflag:s7] =	ssyncadd.s32 $0xFFFF6000  }
0x2d3: {  	[tilespmem:s5], [sflag:$0x2] =	stream.indirect.gather [hbm4b:s3+s4], $0x40, s31, s4, $0xb8;
	[tilespmem:$0x15900] =	vst v63  }
0x2d4: {  	s1 =	rddreg [dreg:$0x1c]  }
0x2d5: {  	[tilespmem:s11], [sflag:$0x2] =	stream.indirect.gather [hbm4b:s3+s4], $0x40, s1, s4, $0xb8;
	[tilespmem:$0x15900] =	vst v63  }
0x2d6: {  	s31 =	rddreg [dreg:$0x1d]  }
0x2d7: {  	[tilespmem:s12], [sflag:$0x2] =	stream.indirect.gather [hbm4b:s3+s4], $0x40, s31, s4, $0xb8;
	[tilespmem:$0x15900] =	vst v63  }
0x2d8: {  	s1 =	rddreg [dreg:$0x1e]  }
0x2d9: {  	[tilespmem:s13], [sflag:$0x2] =	stream.indirect.gather [hbm4b:s3+s4], $0x40, s1, s4, $0xb8;
	[tilespmem:$0x15900] =	vst v63  }
0x2da: {  	s31 =	rddreg [dreg:$0x1f]  }
0x2db: {  	[tilespmem:s14], [sflag:$0x2] =	stream.indirect.gather [hbm4b:s3+s4], $0x40, s31, s4, $0xb8;
	[tilespmem:$0x15900] =	vst v63  }
0x2dc: {  	_ =	swait.ge [sflag:s9], $0x2000  }
0x2dd: {  	[sflag:s9] =	ssyncset.done $0x0  }
0x2de: {  	[sflag:s9] =	ssyncadd.s32 $0xFFFFE000  }
0x2df: {  	_ =	swait.ge [sflag:s9], $0x2000  }
0x2e0: {  	[sflag:s9] =	ssyncset.done $0x0  }
0x2e1: {  	[sflag:s9] =	ssyncadd.s32 $0xFFFFE000  }
0x2e2: {  	_ =	swait.ge [sflag:s9], $0x2000  }
0x2e3: {  	[sflag:s9] =	ssyncset.done $0x0  }
0x2e4: {  	[sflag:s9] =	ssyncadd.s32 $0xFFFFE000  }
0x2e5: {  	_ =	swait.ge [sflag:s9], $0x2000  }
0x2e6: {  	[sflag:s9] =	ssyncset.done $0x0  }
0x2e7: {  	[sflag:s9] =	ssyncadd.s32 $0xFFFFE000  }
0x2e8: {  	_ =	swait.ge [sflag:s9], $0x2000  }
0x2e9: {  	[sflag:s9] =	ssyncset.done $0x0  }
0x2ea: {  	s1 =	rddreg [dreg:$0x7];
	[sflag:s9] =	ssyncadd.s32 $0xFFFFE000  }
0x2eb: {  	[hbm4b:s1+s2] =	stream.linear.scatter [tilespmem:s5], [sflag:$0x4], $0xA000, $0x38;
	[tilespmem:$0x15900] =	vst v63  }
0x2ec: {  	_ =	swait.ge [sflag:s8], $0xA000  }
0x2ed: {  	s31 =	sld [smem:$0x7EB]  }
0x2ee: {  	[sflag:s8] =	ssyncset.done $0x0  }
0x2ef: {  	s1 =	sld [smem:$0x7EC];
	[sflag:s8] =	ssyncadd.s32 $0xFFFF6000  }
0x2f0: {  	[tilespmem:s6], [sflag:$0x1] =	stream.indirect.gather [hbm4b:s3+s4], $0x40, s31, s4, $0xb8;
	[tilespmem:$0x15900] =	vst v63  }
0x2f1: {  	s31 =	sld [smem:$0x7ED]  }
0x2f2: {  	[tilespmem:s15], [sflag:$0x1] =	stream.indirect.gather [hbm4b:s3+s4], $0x40, s1, s4, $0xb8;
	[tilespmem:$0x15900] =	vst v63  }
0x2f3: {  	s1 =	sld [smem:$0x7EE]  }
0x2f4: {  	[tilespmem:s16], [sflag:$0x1] =	stream.indirect.gather [hbm4b:s3+s4], $0x40, s31, s4, $0xb8;
	[tilespmem:$0x15900] =	vst v63  }
0x2f5: {  	s31 =	sld [smem:$0x7EF]  }
0x2f6: {  	[tilespmem:s17], [sflag:$0x1] =	stream.indirect.gather [hbm4b:s3+s4], $0x40, s1, s4, $0xb8;
	[tilespmem:$0x15900] =	vst v63  }
0x2f7: {  	_ = 	snop  }
0x2f8: {  	[tilespmem:s18], [sflag:$0x1] =	stream.indirect.gather [hbm4b:s3+s4], $0x40, s31, s4, $0xb8;
	[tilespmem:$0x15900] =	vst v63  }
0x2f9: {  	_ =	swait.ge [sflag:s10], $0x2000  }
0x2fa: {  	[sflag:s10] =	ssyncset.done $0x0  }
0x2fb: {  	[sflag:s10] =	ssyncadd.s32 $0xFFFFE000  }
0x2fc: {  	_ =	swait.ge [sflag:s10], $0x2000  }
0x2fd: {  	[sflag:s10] =	ssyncset.done $0x0  }
0x2fe: {  	[sflag:s10] =	ssyncadd.s32 $0xFFFFE000  }
0x2ff: {  	_ =	swait.ge [sflag:s10], $0x2000  }
0x300: {  	[sflag:s10] =	ssyncset.done $0x0  }
0x301: {  	[sflag:s10] =	ssyncadd.s32 $0xFFFFE000  }
0x302: {  	_ =	swait.ge [sflag:s10], $0x2000  }
0x303: {  	[sflag:s10] =	ssyncset.done $0x0  }
0x304: {  	[sflag:s10] =	ssyncadd.s32 $0xFFFFE000  }
0x305: {  	_ =	swait.ge [sflag:s10], $0x2000  }
0x306: {  	[sflag:s10] =	ssyncset.done $0x0  }
0x307: {  	s1 =	rddreg [dreg:$0x8];
	[sflag:s10] =	ssyncadd.s32 $0xFFFFE000  }
0x308: {  	[hbm4b:s1+s2] =	stream.linear.scatter [tilespmem:s6], [sflag:$0x3], $0xA000, $0x38;
	[tilespmem:$0x15900] =	vst v63  }
0x309: {  	_ =	swait.ge [sflag:s7], $0xA000  }
0x30a: {  	s31 =	sld [smem:$0x7F0]  }
0x30b: {  	[sflag:s7] =	ssyncset.done $0x0  }
0x30c: {  	s1 =	sld [smem:$0x7F1];
	[sflag:s7] =	ssyncadd.s32 $0xFFFF6000  }
0x30d: {  	[tilespmem:s5], [sflag:$0x2] =	stream.indirect.gather [hbm4b:s3+s4], $0x40, s31, s4, $0xb8;
	[tilespmem:$0x15900] =	vst v63  }
0x30e: {  	s31 =	sld [smem:$0x7F2]  }
0x30f: {  	[tilespmem:s11], [sflag:$0x2] =	stream.indirect.gather [hbm4b:s3+s4], $0x40, s1, s4, $0xb8;
	[tilespmem:$0x15900] =	vst v63  }
0x310: {  	s1 =	sld [smem:$0x7F3]  }
0x311: {  	[tilespmem:s12], [sflag:$0x2] =	stream.indirect.gather [hbm4b:s3+s4], $0x40, s31, s4, $0xb8;
	[tilespmem:$0x15900] =	vst v63  }
0x312: {  	s31 =	sld [smem:$0x7F4]  }
0x313: {  	[tilespmem:s13], [sflag:$0x2] =	stream.indirect.gather [hbm4b:s3+s4], $0x40, s1, s4, $0xb8;
	[tilespmem:$0x15900] =	vst v63  }
0x314: {  	_ = 	snop  }
0x315: {  	[tilespmem:s14], [sflag:$0x2] =	stream.indirect.gather [hbm4b:s3+s4], $0x40, s31, s4, $0xb8;
	[tilespmem:$0x15900] =	vst v63  }
0x316: {  	_ =	swait.ge [sflag:s9], $0x2000  }
0x317: {  	[sflag:s9] =	ssyncset.done $0x0  }
0x318: {  	[sflag:s9] =	ssyncadd.s32 $0xFFFFE000  }
0x319: {  	_ =	swait.ge [sflag:s9], $0x2000  }
0x31a: {  	[sflag:s9] =	ssyncset.done $0x0  }
0x31b: {  	[sflag:s9] =	ssyncadd.s32 $0xFFFFE000  }
0x31c: {  	_ =	swait.ge [sflag:s9], $0x2000  }
0x31d: {  	[sflag:s9] =	ssyncset.done $0x0  }
0x31e: {  	[sflag:s9] =	ssyncadd.s32 $0xFFFFE000  }
0x31f: {  	_ =	swait.ge [sflag:s9], $0x2000  }
0x320: {  	[sflag:s9] =	ssyncset.done $0x0  }
0x321: {  	[sflag:s9] =	ssyncadd.s32 $0xFFFFE000  }
0x322: {  	_ =	swait.ge [sflag:s9], $0x2000  }
0x323: {  	[sflag:s9] =	ssyncset.done $0x0  }
0x324: {  	s1 =	rddreg [dreg:$0x9];
	[sflag:s9] =	ssyncadd.s32 $0xFFFFE000  }
0x325: {  	[hbm4b:s1+s2] =	stream.linear.scatter [tilespmem:s5], [sflag:$0x4], $0xA000, $0x38;
	[tilespmem:$0x15900] =	vst v63  }
0x326: {  	_ =	swait.ge [sflag:s8], $0xA000  }
0x327: {  	s31 =	sld [smem:$0x7F5]  }
0x328: {  	[sflag:s8] =	ssyncset.done $0x0  }
0x329: {  	s1 =	sld [smem:$0x7F6];
	[sflag:s8] =	ssyncadd.s32 $0xFFFF6000  }
0x32a: {  	[tilespmem:s6], [sflag:$0x1] =	stream.indirect.gather [hbm4b:s3+s4], $0x40, s31, s4, $0xb8;
	[tilespmem:$0x15900] =	vst v63  }
0x32b: {  	s31 =	sld [smem:$0x7F7]  }
0x32c: {  	[tilespmem:s15], [sflag:$0x1] =	stream.indirect.gather [hbm4b:s3+s4], $0x40, s1, s4, $0xb8;
	[tilespmem:$0x15900] =	vst v63  }
0x32d: {  	s1 =	sld [smem:$0x7F8]  }
0x32e: {  	[tilespmem:s16], [sflag:$0x1] =	stream.indirect.gather [hbm4b:s3+s4], $0x40, s31, s4, $0xb8;
	[tilespmem:$0x15900] =	vst v63  }
0x32f: {  	s31 =	sld [smem:$0x7F9]  }
0x330: {  	[tilespmem:s17], [sflag:$0x1] =	stream.indirect.gather [hbm4b:s3+s4], $0x40, s1, s4, $0xb8;
	[tilespmem:$0x15900] =	vst v63  }
0x331: {  	_ = 	snop  }
0x332: {  	[tilespmem:s18], [sflag:$0x1] =	stream.indirect.gather [hbm4b:s3+s4], $0x40, s31, s4, $0xb8;
	[tilespmem:$0x15900] =	vst v63  }
0x333: {  	_ =	swait.ge [sflag:s10], $0x2000  }
0x334: {  	[sflag:s10] =	ssyncset.done $0x0  }
0x335: {  	[sflag:s10] =	ssyncadd.s32 $0xFFFFE000  }
0x336: {  	_ =	swait.ge [sflag:s10], $0x2000  }
0x337: {  	[sflag:s10] =	ssyncset.done $0x0  }
0x338: {  	[sflag:s10] =	ssyncadd.s32 $0xFFFFE000  }
0x339: {  	_ =	swait.ge [sflag:s10], $0x2000  }
0x33a: {  	[sflag:s10] =	ssyncset.done $0x0  }
0x33b: {  	[sflag:s10] =	ssyncadd.s32 $0xFFFFE000  }
0x33c: {  	_ =	swait.ge [sflag:s10], $0x2000  }
0x33d: {  	[sflag:s10] =	ssyncset.done $0x0  }
0x33e: {  	[sflag:s10] =	ssyncadd.s32 $0xFFFFE000  }
0x33f: {  	_ =	swait.ge [sflag:s10], $0x2000  }
0x340: {  	[sflag:s10] =	ssyncset.done $0x0  }
0x341: {  	s31 =	rddreg [dreg:$0xa];
	[sflag:s10] =	ssyncadd.s32 $0xFFFFE000  }
0x342: {  	[hbm4b:s31+s2] =	stream.linear.scatter [tilespmem:s6], [sflag:$0x3], $0xA000, $0x38;
	[tilespmem:$0x15900] =	vst v63  }
0x343: {  	_ =	swait.ge [sflag:s7], $0xA000  }
0x344: {  	s1 =	sld [smem:$0x7FA]  }
0x345: {  	[sflag:s7] =	ssyncset.done $0x0  }
0x346: {  	s31 =	sld [smem:$0x7FB];
	[sflag:s7] =	ssyncadd.s32 $0xFFFF6000  }
0x347: {  	[tilespmem:s5], [sflag:$0x2] =	stream.indirect.gather [hbm4b:s3+s4], $0x40, s1, s4, $0xb8;
	[tilespmem:$0x15900] =	vst v63  }
0x348: {  	s0 =	sld [smem:$0x7FC]  }
0x349: {  	[tilespmem:s11], [sflag:$0x2] =	stream.indirect.gather [hbm4b:s3+s4], $0x40, s31, s4, $0xb8;
	[tilespmem:$0x15900] =	vst v63  }
0x34a: {  	s31 =	sld [smem:$0x7FD]  }
0x34b: {  	[tilespmem:s12], [sflag:$0x2] =	stream.indirect.gather [hbm4b:s3+s4], $0x40, s0, s4, $0xb8;
	[tilespmem:$0x15900] =	vst v63  }
0x34c: {  	_ = 	snop  }
0x34d: {  	[tilespmem:s13], [sflag:$0x2] =	stream.indirect.gather [hbm4b:s3+s4], $0x40, s31, s4, $0xb8;
	[tilespmem:$0x15900] =	vst v63  }
0x34e: {  	_ = 	snop  }
0x34f: {  	[tilespmem:s14], [sflag:$0x2] =	stream.indirect.gather [hbm4b:s3+s4], $0x40, s24, s4, $0xb8;
	[tilespmem:$0x15900] =	vst v63  }
0x350: {  	_ =	swait.ge [sflag:s9], $0x2000  }
0x351: {  	[sflag:s9] =	ssyncset.done $0x0  }
0x352: {  	[sflag:s9] =	ssyncadd.s32 $0xFFFFE000  }
0x353: {  	_ =	swait.ge [sflag:s9], $0x2000  }
0x354: {  	[sflag:s9] =	ssyncset.done $0x0  }
0x355: {  	[sflag:s9] =	ssyncadd.s32 $0xFFFFE000  }
0x356: {  	_ =	swait.ge [sflag:s9], $0x2000  }
0x357: {  	[sflag:s9] =	ssyncset.done $0x0  }
0x358: {  	[sflag:s9] =	ssyncadd.s32 $0xFFFFE000  }
0x359: {  	_ =	swait.ge [sflag:s9], $0x2000  }
0x35a: {  	[sflag:s9] =	ssyncset.done $0x0  }
0x35b: {  	[sflag:s9] =	ssyncadd.s32 $0xFFFFE000  }
0x35c: {  	_ =	swait.ge [sflag:s9], $0x2000  }
0x35d: {  	[sflag:s9] =	ssyncset.done $0x0  }
0x35e: {  	s24 =	rddreg [dreg:$0xb];
	[sflag:s9] =	ssyncadd.s32 $0xFFFFE000  }
0x35f: {  	[hbm4b:s24+s2] =	stream.linear.scatter [tilespmem:s5], [sflag:$0x4], $0xA000, $0x38;
	[tilespmem:$0x15900] =	vst v63  }
0x360: {  	_ =	swait.ge [sflag:s8], $0xA000  }
0x361: {  	[sflag:s8] =	ssyncset.done $0x0  }
0x362: {  	[sflag:s8] =	ssyncadd.s32 $0xFFFF6000  }
0x363: {  	[tilespmem:s6], [sflag:$0x1] =	stream.indirect.gather [hbm4b:s3+s4], $0x40, s25, s4, $0xb8;
	[tilespmem:$0x15900] =	vst v63  }
0x364: {  	_ = 	snop  }
0x365: {  	[tilespmem:s15], [sflag:$0x1] =	stream.indirect.gather [hbm4b:s3+s4], $0x40, s26, s4, $0xb8;
	[tilespmem:$0x15900] =	vst v63  }
0x366: {  	_ = 	snop  }
0x367: {  	[tilespmem:s16], [sflag:$0x1] =	stream.indirect.gather [hbm4b:s3+s4], $0x40, s28, s4, $0xb8;
	[tilespmem:$0x15900] =	vst v63  }
0x368: {  	_ = 	snop  }
0x369: {  	[tilespmem:s17], [sflag:$0x1] =	stream.indirect.gather [hbm4b:s3+s4], $0x40, s29, s4, $0xb8;
	[tilespmem:$0x15900] =	vst v63  }
0x36a: {  	_ = 	snop  }
0x36b: {  	[tilespmem:s18], [sflag:$0x1] =	stream.indirect.gather [hbm4b:s3+s4], $0x40, s30, s4, $0xb8;
	[tilespmem:$0x15900] =	vst v63  }
0x36c: {  	_ =	swait.ge [sflag:s10], $0x2000  }
0x36d: {  	[sflag:s10] =	ssyncset.done $0x0  }
0x36e: {  	[sflag:s10] =	ssyncadd.s32 $0xFFFFE000  }
0x36f: {  	_ =	swait.ge [sflag:s10], $0x2000  }
0x370: {  	[sflag:s10] =	ssyncset.done $0x0  }
0x371: {  	[sflag:s10] =	ssyncadd.s32 $0xFFFFE000  }
0x372: {  	_ =	swait.ge [sflag:s10], $0x2000  }
0x373: {  	[sflag:s10] =	ssyncset.done $0x0  }
0x374: {  	[sflag:s10] =	ssyncadd.s32 $0xFFFFE000  }
0x375: {  	_ =	swait.ge [sflag:s10], $0x2000  }
0x376: {  	[sflag:s10] =	ssyncset.done $0x0  }
0x377: {  	[sflag:s10] =	ssyncadd.s32 $0xFFFFE000  }
0x378: {  	_ =	swait.ge [sflag:s10], $0x2000  }
0x379: {  	[sflag:s10] =	ssyncset.done $0x0  }
0x37a: {  	s29 =	rddreg [dreg:$0xc];
	[sflag:s10] =	ssyncadd.s32 $0xFFFFE000  }
0x37b: {  	[hbm4b:s29+s2] =	stream.linear.scatter [tilespmem:s6], [sflag:$0x3], $0xA000, $0x38;
	[tilespmem:$0x15900] =	vst v63  }
0x37c: {  	_ =	swait.ge [sflag:s7], $0xA000  }
0x37d: {  	[sflag:s7] =	ssyncset.done $0x0  }
0x37e: {  	[sflag:s7] =	ssyncadd.s32 $0xFFFF6000  }
0x37f: {  	[tilespmem:s5], [sflag:$0x2] =	stream.indirect.gather [hbm4b:s3+s4], $0x40, s20, s4, $0xb8;
	[tilespmem:$0x15900] =	vst v63  }
0x380: {  	_ = 	snop  }
0x381: {  	[tilespmem:s11], [sflag:$0x2] =	stream.indirect.gather [hbm4b:s3+s4], $0x40, s21, s4, $0xb8;
	[tilespmem:$0x15900] =	vst v63  }
0x382: {  	_ = 	snop  }
0x383: {  	[tilespmem:s12], [sflag:$0x2] =	stream.indirect.gather [hbm4b:s3+s4], $0x40, s22, s4, $0xb8;
	[tilespmem:$0x15900] =	vst v63  }
0x384: {  	_ = 	snop  }
0x385: {  	[tilespmem:s13], [sflag:$0x2] =	stream.indirect.gather [hbm4b:s3+s4], $0x40, s23, s4, $0xb8;
	[tilespmem:$0x15900] =	vst v63  }
0x386: {  	s30 =	simm.s32 $0x1880  }
0x387: {  	[tilespmem:s14], [sflag:$0x2] =	stream.indirect.gather [hbm4b:s3+s4], $0x40, s30, s4, $0xb8;
	[tilespmem:$0x15900] =	vst v63  }
0x388: {  	_ =	swait.ge [sflag:s9], $0x2000  }
0x389: {  	[sflag:s9] =	ssyncset.done $0x0  }
0x38a: {  	[sflag:s9] =	ssyncadd.s32 $0xFFFFE000  }
0x38b: {  	_ =	swait.ge [sflag:s9], $0x2000  }
0x38c: {  	[sflag:s9] =	ssyncset.done $0x0  }
0x38d: {  	[sflag:s9] =	ssyncadd.s32 $0xFFFFE000  }
0x38e: {  	_ =	swait.ge [sflag:s9], $0x2000  }
0x38f: {  	[sflag:s9] =	ssyncset.done $0x0  }
0x390: {  	[sflag:s9] =	ssyncadd.s32 $0xFFFFE000  }
0x391: {  	_ =	swait.ge [sflag:s9], $0x2000  }
0x392: {  	[sflag:s9] =	ssyncset.done $0x0  }
0x393: {  	[sflag:s9] =	ssyncadd.s32 $0xFFFFE000  }
0x394: {  	_ =	swait.ge [sflag:s9], $0x2000  }
0x395: {  	[sflag:s9] =	ssyncset.done $0x0  }
0x396: {  	s31 =	rddreg [dreg:$0xd];
	[sflag:s9] =	ssyncadd.s32 $0xFFFFE000  }
0x397: {  	[hbm4b:s31+s2] =	stream.linear.scatter [tilespmem:s5], [sflag:$0x4], $0xA000, $0x38;
	[tilespmem:$0x15900] =	vst v63  }
0x398: {  	_ =	swait.ge [sflag:s8], $0xA000  }
0x399: {  	[sflag:s8] =	ssyncset.done $0x0  }
0x39a: {  	[sflag:s8] =	ssyncadd.s32 $0xFFFF6000  }
0x39b: {  	_ =	swait.ge [sflag:s7], $0xA000  }
0x39c: {  	[sflag:s7] =	ssyncset.done $0x0  }
0x39d: {  	[sflag:s7] =	ssyncadd.s32 $0xFFFF6000  }
0x39e: {  	_ =	sfence.sel $0x180000  }
0x39f: {  	[bflag:$0x0] =	sbarrier.arrive $0xFFFF  }
0x3a0: {  	_ =	strace $0x90000047  }
0x3a1: {  	[bflag:$0x2] =	sbarrier.arrive $0xFFFF  }
0x3a2: {  	p0 =	sne.s32 s19, $0x0;
	s0 =	rddreg [dreg:$0x2]  }
0x3a3: {  	s0 =	sadd.s32 @!p0 $0x100000, s0  }
0x3a4: {  	[sflag:s0] =	ssyncadd.tile.s32 @!p0 $0x1;
	_ =	shalt  }
.LBB2_1:
.Ltmp3:
0x3a5: {  	(pc) =	sbr.rel .LBB2_6-.Ltmp3, $4  }
0x3a6: {  	s24 =	simm.s32 $0x1380  }
0x3a7: {  	s30 =	simm.s32 $0x1600;
	s29 =	simm.s32 $0x1580;
	s28 =	simm.s32 $0x1500  }
0x3a8: {  	s26 =	simm.s32 $0x1480;
	s25 =	simm.s32 $0x1400;
	s23 =	simm.s32 $0x1800  }
0x3a9: {  	s22 =	simm.s32 $0x1780;
	s21 =	simm.s32 $0x1700;
	s20 =	simm.s32 $0x1680  }
.LBB2_3:
.Ltmp4:
0x3aa: {  	(pc) =	sbr.rel .LBB2_6-.Ltmp4, $4  }
0x3ab: {  	s24 =	simm.s32 $0x1380;
	s30 =	simm.s32 $0x1600  }
0x3ac: {  	s29 =	simm.s32 $0x1580;
	s28 =	simm.s32 $0x1500;
	s26 =	simm.s32 $0x1480  }
0x3ad: {  	s25 =	simm.s32 $0x1400;
	s23 =	simm.s32 $0x1800;
	s22 =	simm.s32 $0x1780  }
0x3ae: {  	s21 =	simm.s32 $0x1700;
	s20 =	simm.s32 $0x1680;
	s19 =	stileid.u32  }
.Lfunc_end2:
_tile_overlayer_lowered:
.L_overlay_start_2:
0x3af: {  	(tag) =	ssettag $0x2  }
0x3b0: {  	s0 =	rddreg [dreg:$0x0];
	s2 =	stileid.u32  }
0x3b1: {  	s1 =	rddreg [dreg:$0x1];
	p0 =	sne.s32 s2, $0x0  }
0x3b2: {  	s3 =	rddreg [dreg:$0x2];
	[bflag:$0x3] =	sbarrier.arrive $0xFFFF;
	s2 =	simm.s32 @!p0 $0x1C05  }
0x3b3: {  	[timem:s3], [sflag:s2] =	dma.local @!p0 [hbm:s0], s1  }
0x3b4: {  	s0 =	simm.s32 @!p0 $0x5  }
0x3b5: {  	_ =	swait.ge @!p0 [sflag:s0], s1  }
0x3b6: {  	s1 =	ssub.s32 @!p0 $0x0, s1;
	[sflag:s0] =	ssyncset.done @!p0 $0x0  }
0x3b7: {  	[sflag:s0] =	ssyncadd.s32 @!p0 s1  }
0x3b8: {  	[bflag:$0x3] =	sbarrier.arrive $0xFFFF  }
0x3b9: {  	_ =	shalt  }

// kernel: sparse-core-data-format-call.cloned.1.call-start
scs
called_computation_lowered:
.L_overlay_start_0:
0x0: {  	s2 =	sld [smem:$0x3FD9]  }
0x1: {  	s3 =	sld [smem:$0x3FFE];
	_ =	sdelay $0x1  }
0x2: {  	s1 =	srdreg.scid  }
0x3: {  	s0 =	sand.u32 $0x1, s1  }
0x4: {  	s18 =	sshll.u32 s0, $0xA;
	s2 =	sadd.s32 s3, s2  }
0x5: {  	s2 =	sadd.s32 s2, s18  }
0x6: {  	[smem:$0x3FC6] =	sst s2  }
0x7: {  	_ = 	snop  }
0x8: {  	s2 =	sld [smem:$0x3FD0];
	(tm) =	ssettm $0x1  }
0x9: {  	s19 =	sld [smem:$0x3FFB];
	_ =	sdelay $0x3  }
0xa: {  	_ =	strace s19  }
0xb: {  	s3 =	sld [smem:$0x3FFC];
	_ =	sdelay $0x3  }
0xc: {  	_ =	strace s3  }
0xd: {  	s3 =	sld [smem:$0x3FFD];
	_ =	sdelay $0x3  }
0xe: {  	_ =	strace s3  }
0xf: {  	_ =	strace $0x8FFFFFFF  }
0x10: {  	s20 =	sld [smem:$0x3FDB];
	_ =	sdelay $0x1  }
0x11: {  	s4 =	simm.s32 $_scs_section_size  }
0x12: {  	s5 =	simm.s32 $_size__tile_overlayer_lowered;
	s6 =	simm.s32 $_tile_overlayer_lowered  }
0x13: {  	s23 =	simm.s32 $0x1BFF;
	s22 =	sshll.u32 s6, $0x1;
	s3 =	sadd.s32 s4, s20  }
0x14: {  	s7 =	simm.s32 $0x0;
	s21 =	sshll.u32 s5, $0x1;
	s5 =	sadd.s32 s22, s3  }
0x15: {  	[timem:s7], [sflag:s23] =	dma.local [hbm:s5], s21  }
0x16: {  	_ =	swait.ge [sflag:s23], s21  }
0x17: {  	s4 =	ssub.s32 $0x0, s21;
	[sflag:s23] =	ssyncset.done $0x0  }
0x18: {  	[sflag:s23] =	ssyncadd.s32 s4;
	_ =	sdelay $0x1  }
0x19: {  	s24 =	simm.s32 $0x1B8B  }
0x1a: {  	_ =	swait.ge [sflag:s24], $0x1  }
0x1b: {  	[sflag:s24] =	ssyncset.done $0x0  }
0x1c: {  	s26 =	simm.s32 $0x1B8E;
	s25 =	sld [smem:$0x3FFE];
	[sflag:s24] =	ssyncadd.s32 $0xFFFFFFFF  }
0x1d: {  	s27 =	simm.s32 $execute0_lowered;
	[smem:$0x3FD2] =	sst s26  }
0x1e: {  	s5 =	sshll.u32 s27, $0x1;
	_ =	strace $0x80000049;
	[dreg:$0x1] =	wrdreg $0xFFFFFFFF  }
0x1f: {  	s28 =	simm.s32 $_size_execute0_lowered;
	s3 =	sadd.s32 s3, s5;
	[dreg:$0x0] =	wrdreg $0x0  }
0x20: {  	s5 =	sshll.u32 s28, $0x1;
	[dreg:$0x2] =	wrdreg s3  }
0x21: {  	[dreg:$0x3] =	wrdreg s5  }
0x22: {  	[dreg:$0x4] =	wrdreg $0xC0  }
0x23: {  	_ =	task [dreg:s7], $0x5FFFF  }
0x24: {  	[dreg:$0x1] =	wrdreg $0xFFFFFFFF  }
0x25: {  	[dreg:$0x0] =	wrdreg $0x60  }
0x26: {  	[dreg:$0x2] =	wrdreg s25  }
0x27: {  	[dreg:$0x3] =	wrdreg s2  }
0x28: {  	[dreg:$0x4] =	wrdreg $0x9  }
0x29: {  	_ =	task.clear_ibuf [dreg:s7], $0x5FFFF;
	_ =	strace $0x90000049  }
0x2a: {  	s29 =	simm.s32 $0x9;
	_ =	strace $0x8000004B  }
0x2b: {  	_ =	swait.ge [sflag:s29], $0x1  }
0x2c: {  	[sflag:s29] =	ssyncadd.s32 $0xFFFFFFFF  }
0x2d: {  	_ =	strace $0x9000004B  }
0x2e: {  	_ =	sfence  }
0x2f: {  	s30 =	sld [smem:$0x0];
	_ =	sdelay $0x2  }
0x30: {  	s31 =	sshll.u32 s1, $0xD;
	s1 =	sshrl.u32 s1, $0x2  }
0x31: {  	s3 =	sand.u32 $0x4000, s31;
	s1 =	sadd.s32 s1, s30  }
0x32: {  	s0 =	sor.u32 s3, s0;
	s1 =	sshll.u32 s1, $0x11  }
0x33: {  	s0 =	sor.u32 s1, s0  }
0x34: {  	s0 =	sadd.s32 $0x8F2B, s0  }
0x35: {  	[sflag:s0] =	ssyncadd.remote.s32 $0x1  }
0x36: {  	_ =	sfence.sel $0xFFFF  }
0x37: {  	[dreg:$0x0] =	wrdreg $0xFFFFFFFF;
	(pc) =	sbr.abs _section_cstart, $3  }
0x38: {  	[dreg:$0x1] =	wrdreg $0xFFFFFFFF  }
0x39: {  	_ =	task.clear_ibuf [dreg:s7], $0x2FFFF;
	_ =	strace $0x9FFFFFFF  }
0x3a: {  	(tm) =	ssettm $0x7FFFFFFF  }
0x3b: {  	_ =	shalt  }
tec
execute0_lowered:
.L_overlay_start_1:
0x0: {  	(tag) =	ssettag $0x1  }
0x1: {  	s0 =	srdreg.scid  }
0x2: {  	s1 =	sshll.u32 s0, $0x4  }
0x3: {  	s0 =	stileid.u32;
	s1 =	sand.u32 $0x10, s1  }
0x4: {  	s1 =	sor.u32 s0, s1  }
0x5: {  	s6 =	rddreg [dreg:$0x0];
	s4 =	simm.s32 $0x1;
	s2 =	sshll.u32 s1, $0x7  }
0x6: {  	s7 =	simm.s32 $0x2;
	s12 =	simm.s32 $0x0;
	s1 =	ssub.s32 $0x1000, s2  }
0x7: {  	s8 =	simm.s32 $0x8000;
	s13 =	simm.s32 $0x0;
	s3 =	sand.u32 $0xF80, s1  }
0x8: {  	s9 =	simm.s32 $0x0;
	s5 =	sshrl.u32 s1, $0xC;
	p0 =	sne.s32 s3, $0x0  }
.Ltmp0:
0x9: {  	s1 =	rddreg [dreg:$0x2];
	s4 =	simm.s32 @!p0 $0x0;
	(pc) =	sbr.rel .LBB1_1-.Ltmp0, $4  }
0xa: {  	s11 =	simm.s32 $0x0;
	s3 =	rddreg [dreg:$0x1];
	s5 =	sadd.s32 s4, s5  }
0xb: {  	_ =	strace $0x8000004A;
	s4 =	simm.s32 $0x1;
	s5 =	smul.u32 $0x32, s5  }
0xc: {  	s6 =	sadd.s32 $0x800, s6;
	s10 =	smov.u32 s2;
	[sflag:s4] =	ssyncpa.u1 $0x0  }
0xd: {  	p0 =	por $0x0, $0x0;
	[sflag:s7] =	ssyncpa.u1 $0x0;
	s7 =	sor.u32 $0x1, s5  }
.LBB1_4:
0xe: {  	s16 =	sshll.u32 s13, $0x3;
	s17 =	sand.u32 $0x78, s13  }
0xf: {  	s30 =	sand.u32 $0x7E00, s13;
	s12 =	sshll.u32 s12, $0xF;
	s16 =	sand.u32 $0xC00, s16  }
0x10: {  	[tilespmem:s15+$0x810 ss:$0x81] =	vst.msk $0xffff, v2;
	s31 =	sand.u32 $0x7, s13;
	s16 =	sor.u32 s17, s16;
	s17 =	sadd.s32 s3, s30  }
0x11: {  	[tilespmem:s15+$0x1020 ss:$0x81] =	vst.msk $0xffff, v0;
	s13 =	sshll.u32 s31, $0x12;
	s12 =	sadd.s32 s12, s17;
	s16 =	sshrl.u32 s16, $0x3  }
0x12: {  	[tilespmem:s15+$0x0 ss:$0x81] =	vst.msk $0xffff, v1;
	s13 =	sor.u32 $0x400, s13;
	s12 =	sadd.s32 s16, s12  }
0x13: {  	[hbm4b:s12+s13] =	stream.strided.scatter [tilespmem:s14], [sflag:$0x2], $0x2000, s8, s13, $0x20;
	[tilespmem:$0x8080] =	vst v63  }
.LBB1_5:
0x14: {  	s14 =	sadd.s32 $0x1, s9  }
0x15: {  	s12 =	sadd.s32 $0x1000, s10;
	s16 =	smov.u32 s10;
	p2 =	sgt.s32 s14, $0x31  }
0x16: {  	s16 =	smov.u32 @p2 s12  }
0x17: {  	s14 =	simm.s32 @p2 $0x0;
	p2 =	sgt.s32 s16, $0xFFF  }
0x18: {  	s16 =	smov.u32 @p2 s2;
	p2 =	sne.s32 s11, s7  }
.Ltmp1:
0x19: {  	p1 =	slt.u32 s11, $0x2;
	(pc) =	sbr.rel @!p2 .LBB1_6-.Ltmp1, $4  }
0x1a: {  	s15 =	simm.s32 @!p1 $0x2  }
0x1b: {  	s13 =	smov.u32 s10;
	p0 =	por !p0, !p0;
	_ =	swait.ge @!p1 [sflag:s15], $0x2000  }
0x1c: {  	s12 =	smov.u32 s9;
	[sflag:s15] =	ssyncset.done @!p1 $0x0;
	s9 =	smov.u32 s14  }
0x1d: {  	s11 =	sadd.s32 $0x1, s11;
	[sflag:s15] =	ssyncadd.s32 @!p1 $0xFFFFE000;
	s10 =	smov.u32 s16  }
.LBB1_1:
0x1e: {  	p1 =	sge.u32 s11, s5  }
0x1f: {  	s14 =	sand.u32 @!p1 $0x1FFFFFF, s9  }
0x20: {  	s15 =	smulhi.u32 @!p1 $0x4924925, s14;
	_ =	sdelay $0x1  }
0x21: {  	s15 =	smul.u32 @!p1 $0x38, s15  }
0x22: {  	s16 =	sxor.u32 @!p1 $0xFFFFFFFF, s11;
	s17 =	smul.u32 @!p1 $0x380, s10  }
0x23: {  	s31 =	sadd.s32 $0xFFFFFFFF, s11;
	s16 =	sshll.u32 @!p1 s16, $0xD;
	s14 =	ssub.s32 @!p1 s14, s15  }
0x24: {  	s15 =	sand.u32 @!p1 $0x2000, s16;
	s16 =	sadd.s32 @!p1 s6, s17;
	s14 =	sshll.u32 @!p1 s14, $0x4  }
0x25: {  	s17 =	simm.s32 @!p1 $0x1C00;
	s14 =	sadd.s32 @!p1 s14, s16;
	s16 =	simm.s32 @!p1 $0x40  }
0x26: {  	[tilespmem:s15], [sflag:$0x1] =	stream.strided.gather @!p1 [hbm4b:s14+s16], $0x2000, s17, s16, $0x38;
	[tilespmem:$0x8080] =	vst v63  }
0x27: {  	p1 =	sge.u32 s31, s5  }
.Ltmp2:
0x28: {  	_ = 	snop;
	(pc) =	sbr.rel @p1 .LBB1_5-.Ltmp2, $1  }
0x29: {  	_ =	sdelay $0x3  }
0x2a: {  	s14 =	simm.s32 $0x1  }
0x2b: {  	_ =	swait.ge [sflag:s4], $0x2000;
	s14 =	simm.s32 @!p0 $0x0  }
0x2c: {  	[sflag:s4] =	ssyncset.done $0x0;
	s15 =	sshll.u32 s14, $0xD  }
0x2d: {  	[sflag:s4] =	ssyncadd.s32 $0xFFFFE000;
	s18 =	sor.u32 $0x20, s15  }
0x2e: {  	s14 =	smul.u32 $0x8100, s14;
	v3 =	vld [tilespmem:s18+$0x10]  }
0x2f: {  	s30 =	sand.u32 $0x1, s11;
	v2 =	vld [tilespmem:s18+$0xFFFFFFF0]  }
0x30: {  	s15 =	smul.u32 $0x8100, s30;
	s14 =	sshrl.u32 s14, $0x2;
	v0 =	vld [tilespmem:s18+$0x0]  }
0x31: {  	v1 =	vld [tilespmem:s18+$0xFFFFFFE0];
	s16 =	sor.u32 $0x4000, s14  }
0x32: {  	s31 =	sshrl.u32 s15, $0x2;
	s15 =	sadd.s32 $0x0, s16  }
0x33: {  	s17 =	simm.s32 $0x4;
	s18 =	sadd.s32 $0x40, s18;
	s14 =	sor.u32 $0x4000, s31;
	[tilespmem:s15+$0x1830 ss:$0x81] =	vst.msk $0xffff, v3  }
.LBB1_3:
0x34: {  	v3 =	vld [tilespmem:s18+$0x10];
	p1 =	sne.s32 s17, $0x1FC;
	[tilespmem:s15+$0x810 ss:$0x81] =	vst.msk $0xffff, v2;
	s19 =	smov.u32 s17;
	s17 =	sadd.s32 $0x4, s17  }
.Ltmp3:
0x35: {  	v2 =	vld [tilespmem:s18+$0xFFFFFFF0];
	[tilespmem:s15+$0x1020 ss:$0x81] =	vst.msk $0xffff, v0;
	(pc) =	sbr.rel @p1 .LBB1_3-.Ltmp3, $4  }
0x36: {  	v0 =	vld [tilespmem:s18+$0x0];
	[tilespmem:s15+$0x0 ss:$0x81] =	vst.msk $0xffff, v1  }
0x37: {  	s15 =	sshra.s32 s19, $0x2;
	v1 =	vld [tilespmem:s18+$0xFFFFFFE0]  }
0x38: {  	s15 =	sadd.s32 s15, s16  }
0x39: {  	s18 =	sadd.s32 $0x40, s18;
	[tilespmem:s15+$0x1830 ss:$0x81] =	vst.msk $0xffff, v3  }
.Ltmp4:
0x3a: {  	_ = 	snop;
	(pc) =	sbr.rel .LBB1_4-.Ltmp4, $1  }
0x3b: {  	_ =	sdelay $0x3  }
.LBB1_6:
0x3c: {  	_ =	sfence.sel $0x180000  }
0x3d: {  	s2 =	simm.s32 $0x1;
	[bflag:$0x0] =	sbarrier.arrive $0xFFFF  }
0x3e: {  	s31 =	simm.s32 $0x2;
	[sflag:s2] =	ssyncpa.u1 $0x1  }
0x3f: {  	[sflag:s31] =	ssyncpa.u1 $0x1  }
0x40: {  	p0 =	sne.s32 s0, $0x0;
	_ =	strace $0x9000004A  }
0x41: {  	s0 =	sadd.s32 @!p0 $0x100000, s1;
	[bflag:$0x2] =	sbarrier.arrive $0xFFFF  }
0x42: {  	[sflag:s0] =	ssyncadd.tile.s32 @!p0 $0x1;
	_ =	shalt  }
.Lfunc_end1:
_tile_overlayer_lowered:
.L_overlay_start_2:
0x43: {  	(tag) =	ssettag $0x2  }
0x44: {  	s0 =	rddreg [dreg:$0x0];
	s2 =	stileid.u32  }
0x45: {  	s1 =	rddreg [dreg:$0x1];
	p0 =	sne.s32 s2, $0x0  }
0x46: {  	s3 =	rddreg [dreg:$0x2];
	[bflag:$0x3] =	sbarrier.arrive $0xFFFF;
	s2 =	simm.s32 @!p0 $0x1C01  }
0x47: {  	[timem:s3], [sflag:s2] =	dma.local @!p0 [hbm:s0], s1  }
0x48: {  	s0 =	simm.s32 @!p0 $0x1  }
0x49: {  	_ =	swait.ge @!p0 [sflag:s0], s1  }
0x4a: {  	s1 =	ssub.s32 @!p0 $0x0, s1;
	[sflag:s0] =	ssyncset.done @!p0 $0x0  }
0x4b: {  	[sflag:s0] =	ssyncadd.s32 @!p0 s1  }
0x4c: {  	[bflag:$0x3] =	sbarrier.arrive $0xFFFF  }
0x4d: {  	_ =	shalt  }

</sc_bundles>
